<compile_context>
chip_gen: v7x
topology: tpu7x:2x2x1
jax: 0.10.2.dev20260603
libtpu: 0.0.44.dev20260713+nightly
codegen_flags: <defaults>
</compile_context>

<pallas_src>
import functools

import jax
import jax.numpy as jnp
from jax import lax
from jax.experimental import pallas as pl
from jax.experimental.pallas import tpu as pltpu
from jax.experimental.pallas import tpu_sc as plsc

_N = 10000
_E = 320000
_D = 128
_H = 16

_NC = 2
_NS = 16
_NW = _NC * _NS
_EPW = _E // _NW
_SUB = 80
_NROW = _EPW // _SUB
_GRP = 5

_PREC = jax.lax.Precision.HIGHEST
_F32 = jnp.float32

_vector_mesh = plsc.VectorSubcoreMesh(core_axis_name="c", subcore_axis_name="s")
_SC_PARAMS = pltpu.CompilerParams(
    use_tc_tiling_on_sc=False, needs_layout_passes=False)


def _dot(a, b):
    return jnp.dot(a, b, preferred_element_type=_F32, precision=_PREC)


def _node_proj_body(x_ref, wa_ref, wb_ref, xa_ref, xb_ref):
    xv = x_ref[...]
    xa_ref[...] = _dot(xv, wa_ref[...])
    xb_ref[...] = _dot(xv, wb_ref[...])


def _node_proj(x8, wa_blk, wb_blk):
    return pl.pallas_call(
        _node_proj_body,
        out_shape=[
            jax.ShapeDtypeStruct((_N // 8, 128), _F32),
            jax.ShapeDtypeStruct((_N // 8, 128), _F32),
        ],
    )(x8, wa_blk, wb_blk)


def _sc_gather_body(xa_hbm, xb_hbm, src_hbm, dst_hbm, ga_hbm, gb_hbm,
                    srcv, dstv, ga0, gb0, ga1, gb1, gsem0, gsem1, wsem):
    wid = lax.axis_index("s") * _NC + lax.axis_index("c")
    pltpu.sync_copy(src_hbm.at[wid], srcv)
    pltpu.sync_copy(dst_hbm.at[wid], dstv)

    def fire(j0, ga, gb, gsem):
        ds = []
        for k in range(_GRP):
            sl = pl.ds(k * _SUB, _SUB)
            ds.append(pltpu.async_copy(xa_hbm.at[srcv.at[j0 + k]], ga.at[sl], gsem))
            ds.append(pltpu.async_copy(xb_hbm.at[dstv.at[j0 + k]], gb.at[sl], gsem))
        return ds

    @pl.loop(0, _NROW - _GRP, step=2 * _GRP)
    def _(j):
        g0 = fire(j, ga0, gb0, gsem0)
        g1 = fire(j + _GRP, ga1, gb1, gsem1)
        base0 = wid * _EPW + j * _SUB
        for d in g0:
            d.wait()
        wa = pltpu.async_copy(ga0, ga_hbm.at[pl.ds(base0, _GRP * _SUB)], wsem)
        wb = pltpu.async_copy(gb0, gb_hbm.at[pl.ds(base0, _GRP * _SUB)], wsem)
        for d in g1:
            d.wait()
        base1 = base0 + _GRP * _SUB
        wc = pltpu.async_copy(ga1, ga_hbm.at[pl.ds(base1, _GRP * _SUB)], wsem)
        wd = pltpu.async_copy(gb1, gb_hbm.at[pl.ds(base1, _GRP * _SUB)], wsem)
        for d in (wa, wb, wc, wd):
            d.wait()

    jt = _NROW - _GRP
    gt = fire(jt, ga0, gb0, gsem0)
    for d in gt:
        d.wait()
    baset = wid * _EPW + jt * _SUB
    pltpu.sync_copy(ga0, ga_hbm.at[pl.ds(baset, _GRP * _SUB)])
    pltpu.sync_copy(gb0, gb_hbm.at[pl.ds(baset, _GRP * _SUB)])


def _sc_gather(xa, xb, src3, dst3):
    k = pl.kernel(
        _sc_gather_body,
        out_type=[
            jax.ShapeDtypeStruct((_E, _H), _F32),
            jax.ShapeDtypeStruct((_E, _H), _F32),
        ],
        mesh=_vector_mesh,
        scratch_types=[
            pltpu.VMEM((_NROW, _SUB), jnp.int32),
            pltpu.VMEM((_NROW, _SUB), jnp.int32),
            pltpu.VMEM((_GRP * _SUB, _H), _F32),
            pltpu.VMEM((_GRP * _SUB, _H), _F32),
            pltpu.VMEM((_GRP * _SUB, _H), _F32),
            pltpu.VMEM((_GRP * _SUB, _H), _F32),
            pltpu.SemaphoreType.DMA,
            pltpu.SemaphoreType.DMA,
            pltpu.SemaphoreType.DMA,
        ],
        compiler_params=_SC_PARAMS,
    )
    return k(xa, xb, src3, dst3)


def _mlp_body(ga_ref, gb_ref, z_ref, ss_ref, b1_ref, w2_ref, b2_ref,
              w3_ref, b3_ref, h3_ref):
    term = jnp.zeros(h3_ref.shape, _F32)
    for k in range(4):
        term = term + jnp.dot(z_ref[k].astype(jnp.bfloat16), ss_ref[k],
                              preferred_element_type=_F32)
    g = jnp.maximum(ga_ref[...] + gb_ref[...] + term + b1_ref[...], 0.0)
    outs = []
    for u in range(g.shape[1] // 128):
        s = g[:, u * 128:(u + 1) * 128]
        h = jnp.maximum(_dot(s, w2_ref[...]) + b2_ref[...], 0.0)
        h = jnp.maximum(_dot(h, w3_ref[...]) + b3_ref[...], 0.0)
        outs.append(h)
    h3_ref[...] = jnp.concatenate(outs, axis=1)


def _mlp(ga16, gb16, zz, ss, b1t, w2_blk, b2t, w3_blk, b3t):
    rows = _E // 128
    lb = 256
    full = lambda shape: pl.BlockSpec(shape, lambda *i: (0,) * len(shape))
    return pl.pallas_call(
        _mlp_body,
        grid=(2048 // lb,),
        in_specs=[
            pl.BlockSpec((rows, lb), lambda i: (0, i)),
            pl.BlockSpec((rows, lb), lambda i: (0, i)),
            pl.BlockSpec((4, rows, 128), lambda i: (0, 0, 0)),
            pl.BlockSpec((4, 128, lb), lambda i: (0, 0, i)),
            pl.BlockSpec((1, lb), lambda i: (0, i)),
            full((128, 128)),
            full((1, 128)),
            full((128, 128)),
            full((1, 128)),
        ],
        out_specs=pl.BlockSpec((rows, lb), lambda i: (0, i)),
        out_shape=jax.ShapeDtypeStruct((rows, 2048), _F32),
    )(ga16, gb16, zz, ss, b1t, w2_blk, b2t, w3_blk, b3t)


def _sc_scatter_body(h3_hbm, dsti_hbm, zero_hbm, s_hbm, cnt_hbm,
                     dstv, h0, h1, cntv, s_sh,
                     lsem0, lsem1, asem0, asem1):
    cid = lax.axis_index("c")
    sid = lax.axis_index("s")
    wid = sid * _NC + cid
    z16 = jnp.zeros((16,), _F32)
    ones16 = jnp.ones((16,), _F32)

    @pl.when(sid == 0)
    def _():
        pltpu.sync_copy(zero_hbm, s_sh)

    pltpu.sync_copy(dsti_hbm.at[wid], dstv)

    @pl.loop(0, _N, step=64)
    def _(i):
        for u in range(4):
            cntv[pl.ds(i + u * 16, 16)] = z16

    plsc.subcore_barrier()

    def fire_add(j0, h, asem):
        ds = []
        for k in range(_GRP):
            sl = pl.ds(k * _SUB, _SUB)
            ds.append(pltpu.async_copy(
                h.at[sl], s_sh.at[dstv.at[j0 + k]], asem, add=True))
        return ds

    @pl.loop(0, _NROW - _GRP, step=2 * _GRP)
    def _(j):
        base0 = wid * _EPW + j * _SUB
        l0 = pltpu.async_copy(
            h3_hbm.at[pl.ds(base0, _GRP * _SUB)], h0, lsem0)
        l1 = pltpu.async_copy(
            h3_hbm.at[pl.ds(base0 + _GRP * _SUB, _GRP * _SUB)], h1, lsem1)
        l0.wait()
        a0 = fire_add(j, h0, asem0)
        l1.wait()
        a1 = fire_add(j + _GRP, h1, asem1)
        for d in a0 + a1:
            d.wait()

    jt = _NROW - _GRP
    pltpu.sync_copy(h3_hbm.at[pl.ds(wid * _EPW + jt * _SUB, _GRP * _SUB)], h0)
    for d in fire_add(jt, h0, asem0):
        d.wait()

    @pl.loop(0, _NROW)
    def _(j):
        for u in range(_SUB // 16):
            plsc.addupdate_scatter(cntv, [dstv[j, pl.ds(u * 16, 16)]], ones16)

    plsc.subcore_barrier()

    @pl.when(sid == 0)
    def _():
        pltpu.sync_copy(s_sh, s_hbm.at[cid])

    pltpu.sync_copy(cntv, cnt_hbm.at[wid])


def _sc_scatter(h3, dst3, zeros):
    k = pl.kernel(
        _sc_scatter_body,
        out_type=[
            jax.ShapeDtypeStruct((_NC, _N, _H), _F32),
            jax.ShapeDtypeStruct((_NW, _N), _F32),
        ],
        mesh=_vector_mesh,
        scratch_types=[
            pltpu.VMEM((_NROW, _SUB), jnp.int32),
            pltpu.VMEM((_GRP * _SUB, _H), _F32),
            pltpu.VMEM((_GRP * _SUB, _H), _F32),
            pltpu.VMEM((_N,), _F32),
            pltpu.VMEM_SHARED((_N, _H), _F32),
            pltpu.SemaphoreType.DMA,
            pltpu.SemaphoreType.DMA,
            pltpu.SemaphoreType.DMA,
            pltpu.SemaphoreType.DMA,
        ],
        compiler_params=_SC_PARAMS,
    )
    return k(h3, dst3, zeros)


def _out_body(s_ref, c_ref, w4_ref, b4_ref, o_ref):
    s = s_ref[0] + s_ref[1]
    c = jnp.sum(c_ref[...].reshape(_NW, _N // 16, 16), axis=0)
    o_ref[...] = _dot(s, w4_ref[...]) + _dot(c, b4_ref[...])


def _out_gemm(s625, c3, w4_blk, b4_blk):
    return pl.pallas_call(
        _out_body,
        out_shape=jax.ShapeDtypeStruct((_N // 16, 16 * _D), _F32),
    )(s625, c3, w4_blk, b4_blk)


def kernel(x, edge_index, edge_attr, W1, b1, W2, b2, W3, b3, W4, b4):
    w1a = W1[:_D]
    w1b = W1[_D:2 * _D]
    w1c = W1[2 * _D:]

    eye8 = jnp.eye(8, dtype=_F32)
    wa_blk = jnp.kron(eye8, w1a)
    wb_blk = jnp.kron(eye8, w1b)
    eye128 = jnp.eye(128, dtype=_F32)
    ss = jnp.stack([jnp.kron(eye128, w1c[k:k + 1]) for k in range(4)])
    ss = ss.astype(jnp.bfloat16)
    w2_blk = jnp.kron(eye8, W2)
    w3_blk = jnp.kron(eye8, W3)
    b1t = jnp.tile(b1, 128).reshape(1, 2048)
    b2t = jnp.tile(b2, 8).reshape(1, 128)
    b3t = jnp.tile(b3, 8).reshape(1, 128)
    eye16 = jnp.eye(16, dtype=_F32)
    w4_blk = jnp.kron(eye16, W4)
    b4_blk = jnp.kron(eye16, b4.reshape(1, _D))

    src3 = edge_index[0].reshape(_NW, _NROW, _SUB)
    dst3 = edge_index[1].reshape(_NW, _NROW, _SUB)

    xa8, xb8 = _node_proj(x.reshape(_N // 8, 8 * _D), wa_blk, wb_blk)
    ga, gb = _sc_gather(
        xa8.reshape(_N, _H), xb8.reshape(_N, _H), src3, dst3)

    ea_t = jax.lax.optimization_barrier(edge_attr.T)
    zz = ea_t.reshape(4, _E // 128, 128)

    h3 = _mlp(
        ga.reshape(_E // 128, 2048),
        gb.reshape(_E // 128, 2048),
        zz, ss, b1t, w2_blk, b2t, w3_blk, b3t,
    )

    zeros = jnp.zeros((_N, _H), _F32)
    s_part, cnt = _sc_scatter(h3.reshape(_E, _H), dst3, zeros)

    out = _out_gemm(
        s_part.reshape(_NC, _N // 16, 16 * _H),
        cnt.reshape(_NW * (_N // 16), 16),
        w4_blk, b4_blk,
    )
    return out.reshape(_N, _D)

# --- scband reference (transcript-rebuilt; emitter-appended) ---
"""Pipeline reference for scband-physics-rrn-32590211842197 (READ-ONLY COPY).

The authoritative reference and input builder live on the scoring server;
editing this copy changes nothing except your own understanding.
"""

import jax, jax.numpy as jnp
import numpy as np

N = 10000
E = 320000
D = 128
DE = 4
H = 16


def _init(key, shape, fan_in):
    return jax.random.normal(key, shape, dtype=jnp.float32) * (1.0 / np.sqrt(fan_in))


def setup_inputs(seed: int = 0) -> dict:
    key = jax.random.key(seed)
    ks = jax.random.split(key, 12)
    x = jax.random.normal(ks[0], (N, D), dtype=jnp.float32)
    edge_index = jax.random.randint(ks[1], (2, E), 0, N, dtype=jnp.int32)
    edge_attr = jax.random.normal(ks[2], (E, DE), dtype=jnp.float32)
    fin = 2 * D + DE
    W1 = _init(ks[3], (fin, H), fin)
    b1 = jnp.zeros((H,), dtype=jnp.float32)
    W2 = _init(ks[4], (H, H), H)
    b2 = jnp.zeros((H,), dtype=jnp.float32)
    W3 = _init(ks[5], (H, H), H)
    b3 = jnp.zeros((H,), dtype=jnp.float32)
    W4 = _init(ks[6], (H, D), H)
    b4 = jnp.zeros((D,), dtype=jnp.float32)
    return {
        "x": x,
        "edge_index": edge_index,
        "edge_attr": edge_attr,
        "W1": W1,
        "b1": b1,
        "W2": W2,
        "b2": b2,
        "W3": W3,
        "b3": b3,
        "W4": W4,
        "b4": b4,
    }


def reference(x, edge_index, edge_attr, W1, b1, W2, b2, W3, b3, W4, b4):
    # message_passing: gather source/target node states, concat with edge features,
    # run 3-layer relu MLP (hidden 16) + linear out, scatter-add messages to targets.
    src = jnp.take(x, edge_index[0], axis=0)
    dst = jnp.take(x, edge_index[1], axis=0)
    h = jnp.concatenate([src, dst, edge_attr], axis=-1)
    h = jax.nn.relu(h @ W1 + b1)
    h = jax.nn.relu(h @ W2 + b2)
    h = jax.nn.relu(h @ W3 + b3)
    m = h @ W4 + b4
    out = jax.ops.segment_sum(m, edge_index[1], num_segments=x.shape[0])
    return out

if __name__ == "__main__":
    import jax
    _d = setup_inputs()
    print(jax.jit(kernel)(*tuple(_d.values())))

</pallas_src>

<mosaic_0001>
#map = affine_map<(d0, d1) -> (0, 0)>
#map1 = affine_map<(d0, d1) -> (0, 0, 0)>
module attributes {stable_mosaic.version = 14 : i64} {
  func.func @_sc_gather_body(%arg0: i32, %arg1: i32, %arg2: memref<10000x16xf32, #tpu.memory_space<hbm>>, %arg3: memref<10000x16xf32, #tpu.memory_space<hbm>>, %arg4: memref<32x125x80xi32, #tpu.memory_space<hbm>>, %arg5: memref<32x125x80xi32, #tpu.memory_space<hbm>>, %arg6: memref<320000x16xf32, #tpu.memory_space<hbm>>, %arg7: memref<320000x16xf32, #tpu.memory_space<hbm>>, %arg8: memref<125x80xi32, #tpu.memory_space<vmem>>, %arg9: memref<125x80xi32, #tpu.memory_space<vmem>>, %arg10: memref<400x16xf32, #tpu.memory_space<vmem>>, %arg11: memref<400x16xf32, #tpu.memory_space<vmem>>, %arg12: memref<400x16xf32, #tpu.memory_space<vmem>>, %arg13: memref<400x16xf32, #tpu.memory_space<vmem>>, %arg14: memref<!tpu.dma_semaphore, #tpu.memory_space<semaphore_mem>>, %arg15: memref<!tpu.dma_semaphore, #tpu.memory_space<semaphore_mem>>, %arg16: memref<!tpu.dma_semaphore, #tpu.memory_space<semaphore_mem>>) attributes {dimension_semantics = [#tpu.dimension_semantics<core_parallel>, #tpu.dimension_semantics<subcore_parallel>], iteration_bounds = array<i64: 2, 16>, scalar_prefetch = 0 : i64, scratch_operands = 9 : i64, tpu.core_type = #tpu.core_type<sc_vector_subcore>, window_params = [{transform_indices = #map}, {transform_indices = #map}, {transform_indices = #map1}, {transform_indices = #map1}, {transform_indices = #map}, {transform_indices = #map}]} {
    %mul3A = arith.constant 2 : i32
    %mul3A_0 = arith.muli %arg1, %mul3A : i32
    %add3A = arith.addi %mul3A_0, %arg0 : i32
    "tpu.region"() ({
      %run_scoped3A = tpu.sem_alloc : memref<!tpu.dma_semaphore, #tpu.memory_space<semaphore_mem>>
      %dma_start3A_207 = arith.constant 0 : i32
      %dma_start3A_208 = arith.constant 0 : i32
      %dma_start3A_209 = tpu.memref_slice %arg4[%add3A, %dma_start3A_207, %dma_start3A_208] : memref<32x125x80xi32, #tpu.memory_space<hbm>> -> memref<1x125x80xi32, #tpu.memory_space<hbm>>
      %dma_start3A_210 = tpu.memref_squeeze %dma_start3A_209 : memref<1x125x80xi32, #tpu.memory_space<hbm>> -> memref<125x80xi32, #tpu.memory_space<hbm>>
      %dma_start3A_211 = arith.constant 0 : i32
      %dma_start3A_212 = arith.constant 0 : i32
      %dma_start3A_213 = tpu.memref_slice %arg4[%add3A, %dma_start3A_211, %dma_start3A_212] : memref<32x125x80xi32, #tpu.memory_space<hbm>> -> memref<1x125x80xi32, #tpu.memory_space<hbm>>
      %dma_start3A_214 = tpu.memref_squeeze %dma_start3A_213 : memref<1x125x80xi32, #tpu.memory_space<hbm>> -> memref<125x80xi32, #tpu.memory_space<hbm>>
      tpu.enqueue_dma source(%dma_start3A_214 : memref<125x80xi32, #tpu.memory_space<hbm>>) target(%arg8 : memref<125x80xi32, #tpu.memory_space<vmem>>) target_semaphore(%run_scoped3A : memref<!tpu.dma_semaphore, #tpu.memory_space<semaphore_mem>>)
      %dma_wait3A_215 = arith.constant 0 : i32
      %dma_wait3A_216 = arith.constant 0 : i32
      %dma_wait3A_217 = tpu.memref_slice %arg4[%add3A, %dma_wait3A_215, %dma_wait3A_216] : memref<32x125x80xi32, #tpu.memory_space<hbm>> -> memref<1x125x80xi32, #tpu.memory_space<hbm>>
      %dma_wait3A_218 = tpu.memref_squeeze %dma_wait3A_217 : memref<1x125x80xi32, #tpu.memory_space<hbm>> -> memref<125x80xi32, #tpu.memory_space<hbm>>
      %dma_wait3A_219 = arith.constant 0 : i32
      %dma_wait3A_220 = arith.constant 0 : i32
      %dma_wait3A_221 = tpu.memref_slice %arg4[%add3A, %dma_wait3A_219, %dma_wait3A_220] : memref<32x125x80xi32, #tpu.memory_space<hbm>> -> memref<1x125x80xi32, #tpu.memory_space<hbm>>
      %dma_wait3A_222 = tpu.memref_squeeze %dma_wait3A_221 : memref<1x125x80xi32, #tpu.memory_space<hbm>> -> memref<125x80xi32, #tpu.memory_space<hbm>>
      tpu.wait_dma2 semaphore(%run_scoped3A : memref<!tpu.dma_semaphore, #tpu.memory_space<semaphore_mem>>) src(%dma_wait3A_222 : memref<125x80xi32, #tpu.memory_space<hbm>>) dst(%arg8 : memref<125x80xi32, #tpu.memory_space<vmem>>)
      tpu.yield
    }) : () -> ()
    "tpu.region"() ({
      %run_scoped3A = tpu.sem_alloc : memref<!tpu.dma_semaphore, #tpu.memory_space<semaphore_mem>>
      %dma_start3A_207 = arith.constant 0 : i32
      %dma_start3A_208 = arith.constant 0 : i32
      %dma_start3A_209 = tpu.memref_slice %arg5[%add3A, %dma_start3A_207, %dma_start3A_208] : memref<32x125x80xi32, #tpu.memory_space<hbm>> -> memref<1x125x80xi32, #tpu.memory_space<hbm>>
      %dma_start3A_210 = tpu.memref_squeeze %dma_start3A_209 : memref<1x125x80xi32, #tpu.memory_space<hbm>> -> memref<125x80xi32, #tpu.memory_space<hbm>>
      %dma_start3A_211 = arith.constant 0 : i32
      %dma_start3A_212 = arith.constant 0 : i32
      %dma_start3A_213 = tpu.memref_slice %arg5[%add3A, %dma_start3A_211, %dma_start3A_212] : memref<32x125x80xi32, #tpu.memory_space<hbm>> -> memref<1x125x80xi32, #tpu.memory_space<hbm>>
      %dma_start3A_214 = tpu.memref_squeeze %dma_start3A_213 : memref<1x125x80xi32, #tpu.memory_space<hbm>> -> memref<125x80xi32, #tpu.memory_space<hbm>>
      tpu.enqueue_dma source(%dma_start3A_214 : memref<125x80xi32, #tpu.memory_space<hbm>>) target(%arg9 : memref<125x80xi32, #tpu.memory_space<vmem>>) target_semaphore(%run_scoped3A : memref<!tpu.dma_semaphore, #tpu.memory_space<semaphore_mem>>)
      %dma_wait3A_215 = arith.constant 0 : i32
      %dma_wait3A_216 = arith.constant 0 : i32
      %dma_wait3A_217 = tpu.memref_slice %arg5[%add3A, %dma_wait3A_215, %dma_wait3A_216] : memref<32x125x80xi32, #tpu.memory_space<hbm>> -> memref<1x125x80xi32, #tpu.memory_space<hbm>>
      %dma_wait3A_218 = tpu.memref_squeeze %dma_wait3A_217 : memref<1x125x80xi32, #tpu.memory_space<hbm>> -> memref<125x80xi32, #tpu.memory_space<hbm>>
      %dma_wait3A_219 = arith.constant 0 : i32
      %dma_wait3A_220 = arith.constant 0 : i32
      %dma_wait3A_221 = tpu.memref_slice %arg5[%add3A, %dma_wait3A_219, %dma_wait3A_220] : memref<32x125x80xi32, #tpu.memory_space<hbm>> -> memref<1x125x80xi32, #tpu.memory_space<hbm>>
      %dma_wait3A_222 = tpu.memref_squeeze %dma_wait3A_221 : memref<1x125x80xi32, #tpu.memory_space<hbm>> -> memref<125x80xi32, #tpu.memory_space<hbm>>
      tpu.wait_dma2 semaphore(%run_scoped3A : memref<!tpu.dma_semaphore, #tpu.memory_space<semaphore_mem>>) src(%dma_wait3A_222 : memref<125x80xi32, #tpu.memory_space<hbm>>) dst(%arg9 : memref<125x80xi32, #tpu.memory_space<vmem>>)
      tpu.yield
    }) : () -> ()
    %scan3A = arith.constant 0 : i32
    %scan3A_1 = arith.constant 12 : i32
    %scan3A_2 = arith.addi %scan3A, %scan3A_1 : i32
    %scan3A_3 = arith.constant 1 : i32
    scf.for %scan3A_207 = %scan3A to %scan3A_2 step %scan3A_3  : i32 {
      %mul3A_208 = arith.constant 10 : i32
      %mul3A_209 = arith.muli %scan3A_207, %mul3A_208 : i32
      %add3A_210 = arith.constant 0 : i32
      %add3A_211 = arith.addi %add3A_210, %mul3A_209 : i32
      %add3A_212 = arith.constant 0 : i32
      %add3A_213 = arith.addi %add3A_211, %add3A_212 : i32
      %dma_start3A_214 = arith.constant 0 : i32
      %dma_start3A_215 = arith.constant 0 : i32
      %dma_start3A_216 = tpu.memref_slice %arg10[%dma_start3A_214, %dma_start3A_215] : memref<400x16xf32, #tpu.memory_space<vmem>> -> memref<80x16xf32, #tpu.memory_space<vmem>>
      %dma_start3A_217 = arith.constant 0 : i32
      %dma_start3A_218 = tpu.memref_slice %arg8[%add3A_213, %dma_start3A_217] : memref<125x80xi32, #tpu.memory_space<vmem>> -> memref<1x80xi32, #tpu.memory_space<vmem>>
      %dma_start3A_219 = tpu.memref_squeeze %dma_start3A_218 : memref<1x80xi32, #tpu.memory_space<vmem>> -> memref<80xi32, #tpu.memory_space<vmem>>
      %dma_start3A_220 = arith.constant 0 : i32
      %dma_start3A_221 = arith.constant 0 : i32
      %dma_start3A_222 = tpu.memref_slice %arg2[%dma_start3A_220, %dma_start3A_221] : memref<10000x16xf32, #tpu.memory_space<hbm>> -> memref<10000x16xf32, #tpu.memory_space<hbm>>
      tpu.enqueue_indirect_dma source(%dma_start3A_222 : memref<10000x16xf32, #tpu.memory_space<hbm>>) target(%dma_start3A_216 : memref<80x16xf32, #tpu.memory_space<vmem>>) offsets(%dma_start3A_219 : memref<80xi32, #tpu.memory_space<vmem>>) semaphore(%arg14 : memref<!tpu.dma_semaphore, #tpu.memory_space<semaphore_mem>>)
      %add3A_223 = arith.constant 0 : i32
      %add3A_224 = arith.addi %add3A_211, %add3A_223 : i32
      %dma_start3A_225 = arith.constant 0 : i32
      %dma_start3A_226 = arith.constant 0 : i32
      %dma_start3A_227 = tpu.memref_slice %arg11[%dma_start3A_225, %dma_start3A_226] : memref<400x16xf32, #tpu.memory_space<vmem>> -> memref<80x16xf32, #tpu.memory_space<vmem>>
      %dma_start3A_228 = arith.constant 0 : i32
      %dma_start3A_229 = tpu.memref_slice %arg9[%add3A_224, %dma_start3A_228] : memref<125x80xi32, #tpu.memory_space<vmem>> -> memref<1x80xi32, #tpu.memory_space<vmem>>
      %dma_start3A_230 = tpu.memref_squeeze %dma_start3A_229 : memref<1x80xi32, #tpu.memory_space<vmem>> -> memref<80xi32, #tpu.memory_space<vmem>>
      %dma_start3A_231 = arith.constant 0 : i32
      %dma_start3A_232 = arith.constant 0 : i32
      %dma_start3A_233 = tpu.memref_slice %arg3[%dma_start3A_231, %dma_start3A_232] : memref<10000x16xf32, #tpu.memory_space<hbm>> -> memref<10000x16xf32, #tpu.memory_space<hbm>>
      tpu.enqueue_indirect_dma source(%dma_start3A_233 : memref<10000x16xf32, #tpu.memory_space<hbm>>) target(%dma_start3A_227 : memref<80x16xf32, #tpu.memory_space<vmem>>) offsets(%dma_start3A_230 : memref<80xi32, #tpu.memory_space<vmem>>) semaphore(%arg14 : memref<!tpu.dma_semaphore, #tpu.memory_space<semaphore_mem>>)
      %add3A_234 = arith.constant 1 : i32
      %add3A_235 = arith.addi %add3A_211, %add3A_234 : i32
      %dma_start3A_236 = arith.constant 80 : i32
      %dma_start3A_237 = arith.constant 0 : i32
      %dma_start3A_238 = tpu.memref_slice %arg10[%dma_start3A_236, %dma_start3A_237] : memref<400x16xf32, #tpu.memory_space<vmem>> -> memref<80x16xf32, #tpu.memory_space<vmem>>
      %dma_start3A_239 = arith.constant 0 : i32
      %dma_start3A_240 = tpu.memref_slice %arg8[%add3A_235, %dma_start3A_239] : memref<125x80xi32, #tpu.memory_space<vmem>> -> memref<1x80xi32, #tpu.memory_space<vmem>>
      %dma_start3A_241 = tpu.memref_squeeze %dma_start3A_240 : memref<1x80xi32, #tpu.memory_space<vmem>> -> memref<80xi32, #tpu.memory_space<vmem>>
      %dma_start3A_242 = arith.constant 0 : i32
      %dma_start3A_243 = arith.constant 0 : i32
      %dma_start3A_244 = tpu.memref_slice %arg2[%dma_start3A_242, %dma_start3A_243] : memref<10000x16xf32, #tpu.memory_space<hbm>> -> memref<10000x16xf32, #tpu.memory_space<hbm>>
      tpu.enqueue_indirect_dma source(%dma_start3A_244 : memref<10000x16xf32, #tpu.memory_space<hbm>>) target(%dma_start3A_238 : memref<80x16xf32, #tpu.memory_space<vmem>>) offsets(%dma_start3A_241 : memref<80xi32, #tpu.memory_space<vmem>>) semaphore(%arg14 : memref<!tpu.dma_semaphore, #tpu.memory_space<semaphore_mem>>)
      %add3A_245 = arith.constant 1 : i32
      %add3A_246 = arith.addi %add3A_211, %add3A_245 : i32
      %dma_start3A_247 = arith.constant 80 : i32
      %dma_start3A_248 = arith.constant 0 : i32
      %dma_start3A_249 = tpu.memref_slice %arg11[%dma_start3A_247, %dma_start3A_248] : memref<400x16xf32, #tpu.memory_space<vmem>> -> memref<80x16xf32, #tpu.memory_space<vmem>>
      %dma_start3A_250 = arith.constant 0 : i32
      %dma_start3A_251 = tpu.memref_slice %arg9[%add3A_246, %dma_start3A_250] : memref<125x80xi32, #tpu.memory_space<vmem>> -> memref<1x80xi32, #tpu.memory_space<vmem>>
      %dma_start3A_252 = tpu.memref_squeeze %dma_start3A_251 : memref<1x80xi32, #tpu.memory_space<vmem>> -> memref<80xi32, #tpu.memory_space<vmem>>
      %dma_start3A_253 = arith.constant 0 : i32
      %dma_start3A_254 = arith.constant 0 : i32
      %dma_start3A_255 = tpu.memref_slice %arg3[%dma_start3A_253, %dma_start3A_254] : memref<10000x16xf32, #tpu.memory_space<hbm>> -> memref<10000x16xf32, #tpu.memory_space<hbm>>
      tpu.enqueue_indirect_dma source(%dma_start3A_255 : memref<10000x16xf32, #tpu.memory_space<hbm>>) target(%dma_start3A_249 : memref<80x16xf32, #tpu.memory_space<vmem>>) offsets(%dma_start3A_252 : memref<80xi32, #tpu.memory_space<vmem>>) semaphore(%arg14 : memref<!tpu.dma_semaphore, #tpu.memory_space<semaphore_mem>>)
      %add3A_256 = arith.constant 2 : i32
      %add3A_257 = arith.addi %add3A_211, %add3A_256 : i32
      %dma_start3A_258 = arith.constant 160 : i32
      %dma_start3A_259 = arith.constant 0 : i32
      %dma_start3A_260 = tpu.memref_slice %arg10[%dma_start3A_258, %dma_start3A_259] : memref<400x16xf32, #tpu.memory_space<vmem>> -> memref<80x16xf32, #tpu.memory_space<vmem>>
      %dma_start3A_261 = arith.constant 0 : i32
      %dma_start3A_262 = tpu.memref_slice %arg8[%add3A_257, %dma_start3A_261] : memref<125x80xi32, #tpu.memory_space<vmem>> -> memref<1x80xi32, #tpu.memory_space<vmem>>
      %dma_start3A_263 = tpu.memref_squeeze %dma_start3A_262 : memref<1x80xi32, #tpu.memory_space<vmem>> -> memref<80xi32, #tpu.memory_space<vmem>>
      %dma_start3A_264 = arith.constant 0 : i32
      %dma_start3A_265 = arith.constant 0 : i32
      %dma_start3A_266 = tpu.memref_slice %arg2[%dma_start3A_264, %dma_start3A_265] : memref<10000x16xf32, #tpu.memory_space<hbm>> -> memref<10000x16xf32, #tpu.memory_space<hbm>>
      tpu.enqueue_indirect_dma source(%dma_start3A_266 : memref<10000x16xf32, #tpu.memory_space<hbm>>) target(%dma_start3A_260 : memref<80x16xf32, #tpu.memory_space<vmem>>) offsets(%dma_start3A_263 : memref<80xi32, #tpu.memory_space<vmem>>) semaphore(%arg14 : memref<!tpu.dma_semaphore, #tpu.memory_space<semaphore_mem>>)
      %add3A_267 = arith.constant 2 : i32
      %add3A_268 = arith.addi %add3A_211, %add3A_267 : i32
      %dma_start3A_269 = arith.constant 160 : i32
      %dma_start3A_270 = arith.constant 0 : i32
      %dma_start3A_271 = tpu.memref_slice %arg11[%dma_start3A_269, %dma_start3A_270] : memref<400x16xf32, #tpu.memory_space<vmem>> -> memref<80x16xf32, #tpu.memory_space<vmem>>
      %dma_start3A_272 = arith.constant 0 : i32
      %dma_start3A_273 = tpu.memref_slice %arg9[%add3A_268, %dma_start3A_272] : memref<125x80xi32, #tpu.memory_space<vmem>> -> memref<1x80xi32, #tpu.memory_space<vmem>>
      %dma_start3A_274 = tpu.memref_squeeze %dma_start3A_273 : memref<1x80xi32, #tpu.memory_space<vmem>> -> memref<80xi32, #tpu.memory_space<vmem>>
      %dma_start3A_275 = arith.constant 0 : i32
      %dma_start3A_276 = arith.constant 0 : i32
      %dma_start3A_277 = tpu.memref_slice %arg3[%dma_start3A_275, %dma_start3A_276] : memref<10000x16xf32, #tpu.memory_space<hbm>> -> memref<10000x16xf32, #tpu.memory_space<hbm>>
      tpu.enqueue_indirect_dma source(%dma_start3A_277 : memref<10000x16xf32, #tpu.memory_space<hbm>>) target(%dma_start3A_271 : memref<80x16xf32, #tpu.memory_space<vmem>>) offsets(%dma_start3A_274 : memref<80xi32, #tpu.memory_space<vmem>>) semaphore(%arg14 : memref<!tpu.dma_semaphore, #tpu.memory_space<semaphore_mem>>)
      %add3A_278 = arith.constant 3 : i32
      %add3A_279 = arith.addi %add3A_211, %add3A_278 : i32
      %dma_start3A_280 = arith.constant 240 : i32
      %dma_start3A_281 = arith.constant 0 : i32
      %dma_start3A_282 = tpu.memref_slice %arg10[%dma_start3A_280, %dma_start3A_281] : memref<400x16xf32, #tpu.memory_space<vmem>> -> memref<80x16xf32, #tpu.memory_space<vmem>>
      %dma_start3A_283 = arith.constant 0 : i32
      %dma_start3A_284 = tpu.memref_slice %arg8[%add3A_279, %dma_start3A_283] : memref<125x80xi32, #tpu.memory_space<vmem>> -> memref<1x80xi32, #tpu.memory_space<vmem>>
      %dma_start3A_285 = tpu.memref_squeeze %dma_start3A_284 : memref<1x80xi32, #tpu.memory_space<vmem>> -> memref<80xi32, #tpu.memory_space<vmem>>
      %dma_start3A_286 = arith.constant 0 : i32
      %dma_start3A_287 = arith.constant 0 : i32
      %dma_start3A_288 = tpu.memref_slice %arg2[%dma_start3A_286, %dma_start3A_287] : memref<10000x16xf32, #tpu.memory_space<hbm>> -> memref<10000x16xf32, #tpu.memory_space<hbm>>
      tpu.enqueue_indirect_dma source(%dma_start3A_288 : memref<10000x16xf32, #tpu.memory_space<hbm>>) target(%dma_start3A_282 : memref<80x16xf32, #tpu.memory_space<vmem>>) offsets(%dma_start3A_285 : memref<80xi32, #tpu.memory_space<vmem>>) semaphore(%arg14 : memref<!tpu.dma_semaphore, #tpu.memory_space<semaphore_mem>>)
      %add3A_289 = arith.constant 3 : i32
      %add3A_290 = arith.addi %add3A_211, %add3A_289 : i32
      %dma_start3A_291 = arith.constant 240 : i32
      %dma_start3A_292 = arith.constant 0 : i32
      %dma_start3A_293 = tpu.memref_slice %arg11[%dma_start3A_291, %dma_start3A_292] : memref<400x16xf32, #tpu.memory_space<vmem>> -> memref<80x16xf32, #tpu.memory_space<vmem>>
      %dma_start3A_294 = arith.constant 0 : i32
      %dma_start3A_295 = tpu.memref_slice %arg9[%add3A_290, %dma_start3A_294] : memref<125x80xi32, #tpu.memory_space<vmem>> -> memref<1x80xi32, #tpu.memory_space<vmem>>
      %dma_start3A_296 = tpu.memref_squeeze %dma_start3A_295 : memref<1x80xi32, #tpu.memory_space<vmem>> -> memref<80xi32, #tpu.memory_space<vmem>>
      %dma_start3A_297 = arith.constant 0 : i32
      %dma_start3A_298 = arith.constant 0 : i32
      %dma_start3A_299 = tpu.memref_slice %arg3[%dma_start3A_297, %dma_start3A_298] : memref<10000x16xf32, #tpu.memory_space<hbm>> -> memref<10000x16xf32, #tpu.memory_space<hbm>>
      tpu.enqueue_indirect_dma source(%dma_start3A_299 : memref<10000x16xf32, #tpu.memory_space<hbm>>) target(%dma_start3A_293 : memref<80x16xf32, #tpu.memory_space<vmem>>) offsets(%dma_start3A_296 : memref<80xi32, #tpu.memory_space<vmem>>) semaphore(%arg14 : memref<!tpu.dma_semaphore, #tpu.memory_space<semaphore_mem>>)
      %add3A_300 = arith.constant 4 : i32
      %add3A_301 = arith.addi %add3A_211, %add3A_300 : i32
      %dma_start3A_302 = arith.constant 320 : i32
      %dma_start3A_303 = arith.constant 0 : i32
      %dma_start3A_304 = tpu.memref_slice %arg10[%dma_start3A_302, %dma_start3A_303] : memref<400x16xf32, #tpu.memory_space<vmem>> -> memref<80x16xf32, #tpu.memory_space<vmem>>
      %dma_start3A_305 = arith.constant 0 : i32
      %dma_start3A_306 = tpu.memref_slice %arg8[%add3A_301, %dma_start3A_305] : memref<125x80xi32, #tpu.memory_space<vmem>> -> memref<1x80xi32, #tpu.memory_space<vmem>>
      %dma_start3A_307 = tpu.memref_squeeze %dma_start3A_306 : memref<1x80xi32, #tpu.memory_space<vmem>> -> memref<80xi32, #tpu.memory_space<vmem>>
      %dma_start3A_308 = arith.constant 0 : i32
      %dma_start3A_309 = arith.constant 0 : i32
      %dma_start3A_310 = tpu.memref_slice %arg2[%dma_start3A_308, %dma_start3A_309] : memref<10000x16xf32, #tpu.memory_space<hbm>> -> memref<10000x16xf32, #tpu.memory_space<hbm>>
      tpu.enqueue_indirect_dma source(%dma_start3A_310 : memref<10000x16xf32, #tpu.memory_space<hbm>>) target(%dma_start3A_304 : memref<80x16xf32, #tpu.memory_space<vmem>>) offsets(%dma_start3A_307 : memref<80xi32, #tpu.memory_space<vmem>>) semaphore(%arg14 : memref<!tpu.dma_semaphore, #tpu.memory_space<semaphore_mem>>)
      %add3A_311 = arith.constant 4 : i32
      %add3A_312 = arith.addi %add3A_211, %add3A_311 : i32
      %dma_start3A_313 = arith.constant 320 : i32
      %dma_start3A_314 = arith.constant 0 : i32
      %dma_start3A_315 = tpu.memref_slice %arg11[%dma_start3A_313, %dma_start3A_314] : memref<400x16xf32, #tpu.memory_space<vmem>> -> memref<80x16xf32, #tpu.memory_space<vmem>>
      %dma_start3A_316 = arith.constant 0 : i32
      %dma_start3A_317 = tpu.memref_slice %arg9[%add3A_312, %dma_start3A_316] : memref<125x80xi32, #tpu.memory_space<vmem>> -> memref<1x80xi32, #tpu.memory_space<vmem>>
      %dma_start3A_318 = tpu.memref_squeeze %dma_start3A_317 : memref<1x80xi32, #tpu.memory_space<vmem>> -> memref<80xi32, #tpu.memory_space<vmem>>
      %dma_start3A_319 = arith.constant 0 : i32
      %dma_start3A_320 = arith.constant 0 : i32
      %dma_start3A_321 = tpu.memref_slice %arg3[%dma_start3A_319, %dma_start3A_320] : memref<10000x16xf32, #tpu.memory_space<hbm>> -> memref<10000x16xf32, #tpu.memory_space<hbm>>
      tpu.enqueue_indirect_dma source(%dma_start3A_321 : memref<10000x16xf32, #tpu.memory_space<hbm>>) target(%dma_start3A_315 : memref<80x16xf32, #tpu.memory_space<vmem>>) offsets(%dma_start3A_318 : memref<80xi32, #tpu.memory_space<vmem>>) semaphore(%arg14 : memref<!tpu.dma_semaphore, #tpu.memory_space<semaphore_mem>>)
      %add3A_322 = arith.constant 5 : i32
      %add3A_323 = arith.addi %add3A_211, %add3A_322 : i32
      %add3A_324 = arith.constant 0 : i32
      %add3A_325 = arith.addi %add3A_323, %add3A_324 : i32
      %dma_start3A_326 = arith.constant 0 : i32
      %dma_start3A_327 = arith.constant 0 : i32
      %dma_start3A_328 = tpu.memref_slice %arg12[%dma_start3A_326, %dma_start3A_327] : memref<400x16xf32, #tpu.memory_space<vmem>> -> memref<80x16xf32, #tpu.memory_space<vmem>>
      %dma_start3A_329 = arith.constant 0 : i32
      %dma_start3A_330 = tpu.memref_slice %arg8[%add3A_325, %dma_start3A_329] : memref<125x80xi32, #tpu.memory_space<vmem>> -> memref<1x80xi32, #tpu.memory_space<vmem>>
      %dma_start3A_331 = tpu.memref_squeeze %dma_start3A_330 : memref<1x80xi32, #tpu.memory_space<vmem>> -> memref<80xi32, #tpu.memory_space<vmem>>
      %dma_start3A_332 = arith.constant 0 : i32
      %dma_start3A_333 = arith.constant 0 : i32
      %dma_start3A_334 = tpu.memref_slice %arg2[%dma_start3A_332, %dma_start3A_333] : memref<10000x16xf32, #tpu.memory_space<hbm>> -> memref<10000x16xf32, #tpu.memory_space<hbm>>
      tpu.enqueue_indirect_dma source(%dma_start3A_334 : memref<10000x16xf32, #tpu.memory_space<hbm>>) target(%dma_start3A_328 : memref<80x16xf32, #tpu.memory_space<vmem>>) offsets(%dma_start3A_331 : memref<80xi32, #tpu.memory_space<vmem>>) semaphore(%arg15 : memref<!tpu.dma_semaphore, #tpu.memory_space<semaphore_mem>>)
      %add3A_335 = arith.constant 0 : i32
      %add3A_336 = arith.addi %add3A_323, %add3A_335 : i32
      %dma_start3A_337 = arith.constant 0 : i32
      %dma_start3A_338 = arith.constant 0 : i32
      %dma_start3A_339 = tpu.memref_slice %arg13[%dma_start3A_337, %dma_start3A_338] : memref<400x16xf32, #tpu.memory_space<vmem>> -> memref<80x16xf32, #tpu.memory_space<vmem>>
      %dma_start3A_340 = arith.constant 0 : i32
      %dma_start3A_341 = tpu.memref_slice %arg9[%add3A_336, %dma_start3A_340] : memref<125x80xi32, #tpu.memory_space<vmem>> -> memref<1x80xi32, #tpu.memory_space<vmem>>
      %dma_start3A_342 = tpu.memref_squeeze %dma_start3A_341 : memref<1x80xi32, #tpu.memory_space<vmem>> -> memref<80xi32, #tpu.memory_space<vmem>>
      %dma_start3A_343 = arith.constant 0 : i32
      %dma_start3A_344 = arith.constant 0 : i32
      %dma_start3A_345 = tpu.memref_slice %arg3[%dma_start3A_343, %dma_start3A_344] : memref<10000x16xf32, #tpu.memory_space<hbm>> -> memref<10000x16xf32, #tpu.memory_space<hbm>>
      tpu.enqueue_indirect_dma source(%dma_start3A_345 : memref<10000x16xf32, #tpu.memory_space<hbm>>) target(%dma_start3A_339 : memref<80x16xf32, #tpu.memory_space<vmem>>) offsets(%dma_start3A_342 : memref<80xi32, #tpu.memory_space<vmem>>) semaphore(%arg15 : memref<!tpu.dma_semaphore, #tpu.memory_space<semaphore_mem>>)
      %add3A_346 = arith.constant 1 : i32
      %add3A_347 = arith.addi %add3A_323, %add3A_346 : i32
      %dma_start3A_348 = arith.constant 80 : i32
      %dma_start3A_349 = arith.constant 0 : i32
      %dma_start3A_350 = tpu.memref_slice %arg12[%dma_start3A_348, %dma_start3A_349] : memref<400x16xf32, #tpu.memory_space<vmem>> -> memref<80x16xf32, #tpu.memory_space<vmem>>
      %dma_start3A_351 = arith.constant 0 : i32
      %dma_start3A_352 = tpu.memref_slice %arg8[%add3A_347, %dma_start3A_351] : memref<125x80xi32, #tpu.memory_space<vmem>> -> memref<1x80xi32, #tpu.memory_space<vmem>>
      %dma_start3A_353 = tpu.memref_squeeze %dma_start3A_352 : memref<1x80xi32, #tpu.memory_space<vmem>> -> memref<80xi32, #tpu.memory_space<vmem>>
      %dma_start3A_354 = arith.constant 0 : i32
      %dma_start3A_355 = arith.constant 0 : i32
      %dma_start3A_356 = tpu.memref_slice %arg2[%dma_start3A_354, %dma_start3A_355] : memref<10000x16xf32, #tpu.memory_space<hbm>> -> memref<10000x16xf32, #tpu.memory_space<hbm>>
      tpu.enqueue_indirect_dma source(%dma_start3A_356 : memref<10000x16xf32, #tpu.memory_space<hbm>>) target(%dma_start3A_350 : memref<80x16xf32, #tpu.memory_space<vmem>>) offsets(%dma_start3A_353 : memref<80xi32, #tpu.memory_space<vmem>>) semaphore(%arg15 : memref<!tpu.dma_semaphore, #tpu.memory_space<semaphore_mem>>)
      %add3A_357 = arith.constant 1 : i32
      %add3A_358 = arith.addi %add3A_323, %add3A_357 : i32
      %dma_start3A_359 = arith.constant 80 : i32
      %dma_start3A_360 = arith.constant 0 : i32
      %dma_start3A_361 = tpu.memref_slice %arg13[%dma_start3A_359, %dma_start3A_360] : memref<400x16xf32, #tpu.memory_space<vmem>> -> memref<80x16xf32, #tpu.memory_space<vmem>>
      %dma_start3A_362 = arith.constant 0 : i32
      %dma_start3A_363 = tpu.memref_slice %arg9[%add3A_358, %dma_start3A_362] : memref<125x80xi32, #tpu.memory_space<vmem>> -> memref<1x80xi32, #tpu.memory_space<vmem>>
      %dma_start3A_364 = tpu.memref_squeeze %dma_start3A_363 : memref<1x80xi32, #tpu.memory_space<vmem>> -> memref<80xi32, #tpu.memory_space<vmem>>
      %dma_start3A_365 = arith.constant 0 : i32
      %dma_start3A_366 = arith.constant 0 : i32
      %dma_start3A_367 = tpu.memref_slice %arg3[%dma_start3A_365, %dma_start3A_366] : memref<10000x16xf32, #tpu.memory_space<hbm>> -> memref<10000x16xf32, #tpu.memory_space<hbm>>
      tpu.enqueue_indirect_dma source(%dma_start3A_367 : memref<10000x16xf32, #tpu.memory_space<hbm>>) target(%dma_start3A_361 : memref<80x16xf32, #tpu.memory_space<vmem>>) offsets(%dma_start3A_364 : memref<80xi32, #tpu.memory_space<vmem>>) semaphore(%arg15 : memref<!tpu.dma_semaphore, #tpu.memory_space<semaphore_mem>>)
      %add3A_368 = arith.constant 2 : i32
      %add3A_369 = arith.addi %add3A_323, %add3A_368 : i32
      %dma_start3A_370 = arith.constant 160 : i32
      %dma_start3A_371 = arith.constant 0 : i32
      %dma_start3A_372 = tpu.memref_slice %arg12[%dma_start3A_370, %dma_start3A_371] : memref<400x16xf32, #tpu.memory_space<vmem>> -> memref<80x16xf32, #tpu.memory_space<vmem>>
      %dma_start3A_373 = arith.constant 0 : i32
      %dma_start3A_374 = tpu.memref_slice %arg8[%add3A_369, %dma_start3A_373] : memref<125x80xi32, #tpu.memory_space<vmem>> -> memref<1x80xi32, #tpu.memory_space<vmem>>
      %dma_start3A_375 = tpu.memref_squeeze %dma_start3A_374 : memref<1x80xi32, #tpu.memory_space<vmem>> -> memref<80xi32, #tpu.memory_space<vmem>>
      %dma_start3A_376 = arith.constant 0 : i32
      %dma_start3A_377 = arith.constant 0 : i32
      %dma_start3A_378 = tpu.memref_slice %arg2[%dma_start3A_376, %dma_start3A_377] : memref<10000x16xf32, #tpu.memory_space<hbm>> -> memref<10000x16xf32, #tpu.memory_space<hbm>>
      tpu.enqueue_indirect_dma source(%dma_start3A_378 : memref<10000x16xf32, #tpu.memory_space<hbm>>) target(%dma_start3A_372 : memref<80x16xf32, #tpu.memory_space<vmem>>) offsets(%dma_start3A_375 : memref<80xi32, #tpu.memory_space<vmem>>) semaphore(%arg15 : memref<!tpu.dma_semaphore, #tpu.memory_space<semaphore_mem>>)
      %add3A_379 = arith.constant 2 : i32
      %add3A_380 = arith.addi %add3A_323, %add3A_379 : i32
      %dma_start3A_381 = arith.constant 160 : i32
      %dma_start3A_382 = arith.constant 0 : i32
      %dma_start3A_383 = tpu.memref_slice %arg13[%dma_start3A_381, %dma_start3A_382] : memref<400x16xf32, #tpu.memory_space<vmem>> -> memref<80x16xf32, #tpu.memory_space<vmem>>
      %dma_start3A_384 = arith.constant 0 : i32
      %dma_start3A_385 = tpu.memref_slice %arg9[%add3A_380, %dma_start3A_384] : memref<125x80xi32, #tpu.memory_space<vmem>> -> memref<1x80xi32, #tpu.memory_space<vmem>>
      %dma_start3A_386 = tpu.memref_squeeze %dma_start3A_385 : memref<1x80xi32, #tpu.memory_space<vmem>> -> memref<80xi32, #tpu.memory_space<vmem>>
      %dma_start3A_387 = arith.constant 0 : i32
      %dma_start3A_388 = arith.constant 0 : i32
      %dma_start3A_389 = tpu.memref_slice %arg3[%dma_start3A_387, %dma_start3A_388] : memref<10000x16xf32, #tpu.memory_space<hbm>> -> memref<10000x16xf32, #tpu.memory_space<hbm>>
      tpu.enqueue_indirect_dma source(%dma_start3A_389 : memref<10000x16xf32, #tpu.memory_space<hbm>>) target(%dma_start3A_383 : memref<80x16xf32, #tpu.memory_space<vmem>>) offsets(%dma_start3A_386 : memref<80xi32, #tpu.memory_space<vmem>>) semaphore(%arg15 : memref<!tpu.dma_semaphore, #tpu.memory_space<semaphore_mem>>)
      %add3A_390 = arith.constant 3 : i32
      %add3A_391 = arith.addi %add3A_323, %add3A_390 : i32
      %dma_start3A_392 = arith.constant 240 : i32
      %dma_start3A_393 = arith.constant 0 : i32
      %dma_start3A_394 = tpu.memref_slice %arg12[%dma_start3A_392, %dma_start3A_393] : memref<400x16xf32, #tpu.memory_space<vmem>> -> memref<80x16xf32, #tpu.memory_space<vmem>>
      %dma_start3A_395 = arith.constant 0 : i32
      %dma_start3A_396 = tpu.memref_slice %arg8[%add3A_391, %dma_start3A_395] : memref<125x80xi32, #tpu.memory_space<vmem>> -> memref<1x80xi32, #tpu.memory_space<vmem>>
      %dma_start3A_397 = tpu.memref_squeeze %dma_start3A_396 : memref<1x80xi32, #tpu.memory_space<vmem>> -> memref<80xi32, #tpu.memory_space<vmem>>
      %dma_start3A_398 = arith.constant 0 : i32
      %dma_start3A_399 = arith.constant 0 : i32
      %dma_start3A_400 = tpu.memref_slice %arg2[%dma_start3A_398, %dma_start3A_399] : memref<10000x16xf32, #tpu.memory_space<hbm>> -> memref<10000x16xf32, #tpu.memory_space<hbm>>
      tpu.enqueue_indirect_dma source(%dma_start3A_400 : memref<10000x16xf32, #tpu.memory_space<hbm>>) target(%dma_start3A_394 : memref<80x16xf32, #tpu.memory_space<vmem>>) offsets(%dma_start3A_397 : memref<80xi32, #tpu.memory_space<vmem>>) semaphore(%arg15 : memref<!tpu.dma_semaphore, #tpu.memory_space<semaphore_mem>>)
      %add3A_401 = arith.constant 3 : i32
      %add3A_402 = arith.addi %add3A_323, %add3A_401 : i32
      %dma_start3A_403 = arith.constant 240 : i32
      %dma_start3A_404 = arith.constant 0 : i32
      %dma_start3A_405 = tpu.memref_slice %arg13[%dma_start3A_403, %dma_start3A_404] : memref<400x16xf32, #tpu.memory_space<vmem>> -> memref<80x16xf32, #tpu.memory_space<vmem>>
      %dma_start3A_406 = arith.constant 0 : i32
      %dma_start3A_407 = tpu.memref_slice %arg9[%add3A_402, %dma_start3A_406] : memref<125x80xi32, #tpu.memory_space<vmem>> -> memref<1x80xi32, #tpu.memory_space<vmem>>
      %dma_start3A_408 = tpu.memref_squeeze %dma_start3A_407 : memref<1x80xi32, #tpu.memory_space<vmem>> -> memref<80xi32, #tpu.memory_space<vmem>>
      %dma_start3A_409 = arith.constant 0 : i32
      %dma_start3A_410 = arith.constant 0 : i32
      %dma_start3A_411 = tpu.memref_slice %arg3[%dma_start3A_409, %dma_start3A_410] : memref<10000x16xf32, #tpu.memory_space<hbm>> -> memref<10000x16xf32, #tpu.memory_space<hbm>>
      tpu.enqueue_indirect_dma source(%dma_start3A_411 : memref<10000x16xf32, #tpu.memory_space<hbm>>) target(%dma_start3A_405 : memref<80x16xf32, #tpu.memory_space<vmem>>) offsets(%dma_start3A_408 : memref<80xi32, #tpu.memory_space<vmem>>) semaphore(%arg15 : memref<!tpu.dma_semaphore, #tpu.memory_space<semaphore_mem>>)
      %add3A_412 = arith.constant 4 : i32
      %add3A_413 = arith.addi %add3A_323, %add3A_412 : i32
      %dma_start3A_414 = arith.constant 320 : i32
      %dma_start3A_415 = arith.constant 0 : i32
      %dma_start3A_416 = tpu.memref_slice %arg12[%dma_start3A_414, %dma_start3A_415] : memref<400x16xf32, #tpu.memory_space<vmem>> -> memref<80x16xf32, #tpu.memory_space<vmem>>
      %dma_start3A_417 = arith.constant 0 : i32
      %dma_start3A_418 = tpu.memref_slice %arg8[%add3A_413, %dma_start3A_417] : memref<125x80xi32, #tpu.memory_space<vmem>> -> memref<1x80xi32, #tpu.memory_space<vmem>>
      %dma_start3A_419 = tpu.memref_squeeze %dma_start3A_418 : memref<1x80xi32, #tpu.memory_space<vmem>> -> memref<80xi32, #tpu.memory_space<vmem>>
      %dma_start3A_420 = arith.constant 0 : i32
      %dma_start3A_421 = arith.constant 0 : i32
      %dma_start3A_422 = tpu.memref_slice %arg2[%dma_start3A_420, %dma_start3A_421] : memref<10000x16xf32, #tpu.memory_space<hbm>> -> memref<10000x16xf32, #tpu.memory_space<hbm>>
      tpu.enqueue_indirect_dma source(%dma_start3A_422 : memref<10000x16xf32, #tpu.memory_space<hbm>>) target(%dma_start3A_416 : memref<80x16xf32, #tpu.memory_space<vmem>>) offsets(%dma_start3A_419 : memref<80xi32, #tpu.memory_space<vmem>>) semaphore(%arg15 : memref<!tpu.dma_semaphore, #tpu.memory_space<semaphore_mem>>)
      %add3A_423 = arith.constant 4 : i32
      %add3A_424 = arith.addi %add3A_323, %add3A_423 : i32
      %dma_start3A_425 = arith.constant 320 : i32
      %dma_start3A_426 = arith.constant 0 : i32
      %dma_start3A_427 = tpu.memref_slice %arg13[%dma_start3A_425, %dma_start3A_426] : memref<400x16xf32, #tpu.memory_space<vmem>> -> memref<80x16xf32, #tpu.memory_space<vmem>>
      %dma_start3A_428 = arith.constant 0 : i32
      %dma_start3A_429 = tpu.memref_slice %arg9[%add3A_424, %dma_start3A_428] : memref<125x80xi32, #tpu.memory_space<vmem>> -> memref<1x80xi32, #tpu.memory_space<vmem>>
      %dma_start3A_430 = tpu.memref_squeeze %dma_start3A_429 : memref<1x80xi32, #tpu.memory_space<vmem>> -> memref<80xi32, #tpu.memory_space<vmem>>
      %dma_start3A_431 = arith.constant 0 : i32
      %dma_start3A_432 = arith.constant 0 : i32
      %dma_start3A_433 = tpu.memref_slice %arg3[%dma_start3A_431, %dma_start3A_432] : memref<10000x16xf32, #tpu.memory_space<hbm>> -> memref<10000x16xf32, #tpu.memory_space<hbm>>
      tpu.enqueue_indirect_dma source(%dma_start3A_433 : memref<10000x16xf32, #tpu.memory_space<hbm>>) target(%dma_start3A_427 : memref<80x16xf32, #tpu.memory_space<vmem>>) offsets(%dma_start3A_430 : memref<80xi32, #tpu.memory_space<vmem>>) semaphore(%arg15 : memref<!tpu.dma_semaphore, #tpu.memory_space<semaphore_mem>>)
      %mul3A_434 = arith.constant 10000 : i32
      %mul3A_435 = arith.muli %add3A, %mul3A_434 : i32
      %mul3A_436 = arith.constant 80 : i32
      %mul3A_437 = arith.muli %add3A_211, %mul3A_436 : i32
      %add3A_438 = arith.addi %mul3A_435, %mul3A_437 : i32
      %dma_wait3A_439 = arith.constant 0 : i32
      %dma_wait3A_440 = arith.constant 0 : i32
      %dma_wait3A_441 = tpu.memref_slice %arg10[%dma_wait3A_439, %dma_wait3A_440] : memref<400x16xf32, #tpu.memory_space<vmem>> -> memref<80x16xf32, #tpu.memory_space<vmem>>
      %dma_wait3A_442 = arith.constant 0 : i32
      %dma_wait3A_443 = tpu.memref_slice %arg8[%add3A_213, %dma_wait3A_442] : memref<125x80xi32, #tpu.memory_space<vmem>> -> memref<1x80xi32, #tpu.memory_space<vmem>>
      %dma_wait3A_444 = tpu.memref_squeeze %dma_wait3A_443 : memref<1x80xi32, #tpu.memory_space<vmem>> -> memref<80xi32, #tpu.memory_space<vmem>>
      %dma_wait3A_445 = arith.constant 0 : i32
      %dma_wait3A_446 = arith.constant 0 : i32
      %dma_wait3A_447 = tpu.memref_slice %arg2[%dma_wait3A_445, %dma_wait3A_446] : memref<10000x16xf32, #tpu.memory_space<hbm>> -> memref<10000x16xf32, #tpu.memory_space<hbm>>
      tpu.wait_indirect_dma semaphore(%arg14 : memref<!tpu.dma_semaphore, #tpu.memory_space<semaphore_mem>>) src(%dma_wait3A_447 : memref<10000x16xf32, #tpu.memory_space<hbm>>) dst(%dma_wait3A_441 : memref<80x16xf32, #tpu.memory_space<vmem>>)
      %dma_wait3A_448 = arith.constant 0 : i32
      %dma_wait3A_449 = arith.constant 0 : i32
      %dma_wait3A_450 = tpu.memref_slice %arg11[%dma_wait3A_448, %dma_wait3A_449] : memref<400x16xf32, #tpu.memory_space<vmem>> -> memref<80x16xf32, #tpu.memory_space<vmem>>
      %dma_wait3A_451 = arith.constant 0 : i32
      %dma_wait3A_452 = tpu.memref_slice %arg9[%add3A_224, %dma_wait3A_451] : memref<125x80xi32, #tpu.memory_space<vmem>> -> memref<1x80xi32, #tpu.memory_space<vmem>>
      %dma_wait3A_453 = tpu.memref_squeeze %dma_wait3A_452 : memref<1x80xi32, #tpu.memory_space<vmem>> -> memref<80xi32, #tpu.memory_space<vmem>>
      %dma_wait3A_454 = arith.constant 0 : i32
      %dma_wait3A_455 = arith.constant 0 : i32
      %dma_wait3A_456 = tpu.memref_slice %arg3[%dma_wait3A_454, %dma_wait3A_455] : memref<10000x16xf32, #tpu.memory_space<hbm>> -> memref<10000x16xf32, #tpu.memory_space<hbm>>
      tpu.wait_indirect_dma semaphore(%arg14 : memref<!tpu.dma_semaphore, #tpu.memory_space<semaphore_mem>>) src(%dma_wait3A_456 : memref<10000x16xf32, #tpu.memory_space<hbm>>) dst(%dma_wait3A_450 : memref<80x16xf32, #tpu.memory_space<vmem>>)
      %dma_wait3A_457 = arith.constant 80 : i32
      %dma_wait3A_458 = arith.constant 0 : i32
      %dma_wait3A_459 = tpu.memref_slice %arg10[%dma_wait3A_457, %dma_wait3A_458] : memref<400x16xf32, #tpu.memory_space<vmem>> -> memref<80x16xf32, #tpu.memory_space<vmem>>
      %dma_wait3A_460 = arith.constant 0 : i32
      %dma_wait3A_461 = tpu.memref_slice %arg8[%add3A_235, %dma_wait3A_460] : memref<125x80xi32, #tpu.memory_space<vmem>> -> memref<1x80xi32, #tpu.memory_space<vmem>>
      %dma_wait3A_462 = tpu.memref_squeeze %dma_wait3A_461 : memref<1x80xi32, #tpu.memory_space<vmem>> -> memref<80xi32, #tpu.memory_space<vmem>>
      %dma_wait3A_463 = arith.constant 0 : i32
      %dma_wait3A_464 = arith.constant 0 : i32
      %dma_wait3A_465 = tpu.memref_slice %arg2[%dma_wait3A_463, %dma_wait3A_464] : memref<10000x16xf32, #tpu.memory_space<hbm>> -> memref<10000x16xf32, #tpu.memory_space<hbm>>
      tpu.wait_indirect_dma semaphore(%arg14 : memref<!tpu.dma_semaphore, #tpu.memory_space<semaphore_mem>>) src(%dma_wait3A_465 : memref<10000x16xf32, #tpu.memory_space<hbm>>) dst(%dma_wait3A_459 : memref<80x16xf32, #tpu.memory_space<vmem>>)
      %dma_wait3A_466 = arith.constant 80 : i32
      %dma_wait3A_467 = arith.constant 0 : i32
      %dma_wait3A_468 = tpu.memref_slice %arg11[%dma_wait3A_466, %dma_wait3A_467] : memref<400x16xf32, #tpu.memory_space<vmem>> -> memref<80x16xf32, #tpu.memory_space<vmem>>
      %dma_wait3A_469 = arith.constant 0 : i32
      %dma_wait3A_470 = tpu.memref_slice %arg9[%add3A_246, %dma_wait3A_469] : memref<125x80xi32, #tpu.memory_space<vmem>> -> memref<1x80xi32, #tpu.memory_space<vmem>>
      %dma_wait3A_471 = tpu.memref_squeeze %dma_wait3A_470 : memref<1x80xi32, #tpu.memory_space<vmem>> -> memref<80xi32, #tpu.memory_space<vmem>>
      %dma_wait3A_472 = arith.constant 0 : i32
      %dma_wait3A_473 = arith.constant 0 : i32
      %dma_wait3A_474 = tpu.memref_slice %arg3[%dma_wait3A_472, %dma_wait3A_473] : memref<10000x16xf32, #tpu.memory_space<hbm>> -> memref<10000x16xf32, #tpu.memory_space<hbm>>
      tpu.wait_indirect_dma semaphore(%arg14 : memref<!tpu.dma_semaphore, #tpu.memory_space<semaphore_mem>>) src(%dma_wait3A_474 : memref<10000x16xf32, #tpu.memory_space<hbm>>) dst(%dma_wait3A_468 : memref<80x16xf32, #tpu.memory_space<vmem>>)
      %dma_wait3A_475 = arith.constant 160 : i32
      %dma_wait3A_476 = arith.constant 0 : i32
      %dma_wait3A_477 = tpu.memref_slice %arg10[%dma_wait3A_475, %dma_wait3A_476] : memref<400x16xf32, #tpu.memory_space<vmem>> -> memref<80x16xf32, #tpu.memory_space<vmem>>
      %dma_wait3A_478 = arith.constant 0 : i32
      %dma_wait3A_479 = tpu.memref_slice %arg8[%add3A_257, %dma_wait3A_478] : memref<125x80xi32, #tpu.memory_space<vmem>> -> memref<1x80xi32, #tpu.memory_space<vmem>>
      %dma_wait3A_480 = tpu.memref_squeeze %dma_wait3A_479 : memref<1x80xi32, #tpu.memory_space<vmem>> -> memref<80xi32, #tpu.memory_space<vmem>>
      %dma_wait3A_481 = arith.constant 0 : i32
      %dma_wait3A_482 = arith.constant 0 : i32
      %dma_wait3A_483 = tpu.memref_slice %arg2[%dma_wait3A_481, %dma_wait3A_482] : memref<10000x16xf32, #tpu.memory_space<hbm>> -> memref<10000x16xf32, #tpu.memory_space<hbm>>
      tpu.wait_indirect_dma semaphore(%arg14 : memref<!tpu.dma_semaphore, #tpu.memory_space<semaphore_mem>>) src(%dma_wait3A_483 : memref<10000x16xf32, #tpu.memory_space<hbm>>) dst(%dma_wait3A_477 : memref<80x16xf32, #tpu.memory_space<vmem>>)
      %dma_wait3A_484 = arith.constant 160 : i32
      %dma_wait3A_485 = arith.constant 0 : i32
      %dma_wait3A_486 = tpu.memref_slice %arg11[%dma_wait3A_484, %dma_wait3A_485] : memref<400x16xf32, #tpu.memory_space<vmem>> -> memref<80x16xf32, #tpu.memory_space<vmem>>
      %dma_wait3A_487 = arith.constant 0 : i32
      %dma_wait3A_488 = tpu.memref_slice %arg9[%add3A_268, %dma_wait3A_487] : memref<125x80xi32, #tpu.memory_space<vmem>> -> memref<1x80xi32, #tpu.memory_space<vmem>>
      %dma_wait3A_489 = tpu.memref_squeeze %dma_wait3A_488 : memref<1x80xi32, #tpu.memory_space<vmem>> -> memref<80xi32, #tpu.memory_space<vmem>>
      %dma_wait3A_490 = arith.constant 0 : i32
      %dma_wait3A_491 = arith.constant 0 : i32
      %dma_wait3A_492 = tpu.memref_slice %arg3[%dma_wait3A_490, %dma_wait3A_491] : memref<10000x16xf32, #tpu.memory_space<hbm>> -> memref<10000x16xf32, #tpu.memory_space<hbm>>
      tpu.wait_indirect_dma semaphore(%arg14 : memref<!tpu.dma_semaphore, #tpu.memory_space<semaphore_mem>>) src(%dma_wait3A_492 : memref<10000x16xf32, #tpu.memory_space<hbm>>) dst(%dma_wait3A_486 : memref<80x16xf32, #tpu.memory_space<vmem>>)
      %dma_wait3A_493 = arith.constant 240 : i32
      %dma_wait3A_494 = arith.constant 0 : i32
      %dma_wait3A_495 = tpu.memref_slice %arg10[%dma_wait3A_493, %dma_wait3A_494] : memref<400x16xf32, #tpu.memory_space<vmem>> -> memref<80x16xf32, #tpu.memory_space<vmem>>
      %dma_wait3A_496 = arith.constant 0 : i32
      %dma_wait3A_497 = tpu.memref_slice %arg8[%add3A_279, %dma_wait3A_496] : memref<125x80xi32, #tpu.memory_space<vmem>> -> memref<1x80xi32, #tpu.memory_space<vmem>>
      %dma_wait3A_498 = tpu.memref_squeeze %dma_wait3A_497 : memref<1x80xi32, #tpu.memory_space<vmem>> -> memref<80xi32, #tpu.memory_space<vmem>>
      %dma_wait3A_499 = arith.constant 0 : i32
      %dma_wait3A_500 = arith.constant 0 : i32
      %dma_wait3A_501 = tpu.memref_slice %arg2[%dma_wait3A_499, %dma_wait3A_500] : memref<10000x16xf32, #tpu.memory_space<hbm>> -> memref<10000x16xf32, #tpu.memory_space<hbm>>
      tpu.wait_indirect_dma semaphore(%arg14 : memref<!tpu.dma_semaphore, #tpu.memory_space<semaphore_mem>>) src(%dma_wait3A_501 : memref<10000x16xf32, #tpu.memory_space<hbm>>) dst(%dma_wait3A_495 : memref<80x16xf32, #tpu.memory_space<vmem>>)
      %dma_wait3A_502 = arith.constant 240 : i32
      %dma_wait3A_503 = arith.constant 0 : i32
      %dma_wait3A_504 = tpu.memref_slice %arg11[%dma_wait3A_502, %dma_wait3A_503] : memref<400x16xf32, #tpu.memory_space<vmem>> -> memref<80x16xf32, #tpu.memory_space<vmem>>
      %dma_wait3A_505 = arith.constant 0 : i32
      %dma_wait3A_506 = tpu.memref_slice %arg9[%add3A_290, %dma_wait3A_505] : memref<125x80xi32, #tpu.memory_space<vmem>> -> memref<1x80xi32, #tpu.memory_space<vmem>>
      %dma_wait3A_507 = tpu.memref_squeeze %dma_wait3A_506 : memref<1x80xi32, #tpu.memory_space<vmem>> -> memref<80xi32, #tpu.memory_space<vmem>>
      %dma_wait3A_508 = arith.constant 0 : i32
      %dma_wait3A_509 = arith.constant 0 : i32
      %dma_wait3A_510 = tpu.memref_slice %arg3[%dma_wait3A_508, %dma_wait3A_509] : memref<10000x16xf32, #tpu.memory_space<hbm>> -> memref<10000x16xf32, #tpu.memory_space<hbm>>
      tpu.wait_indirect_dma semaphore(%arg14 : memref<!tpu.dma_semaphore, #tpu.memory_space<semaphore_mem>>) src(%dma_wait3A_510 : memref<10000x16xf32, #tpu.memory_space<hbm>>) dst(%dma_wait3A_504 : memref<80x16xf32, #tpu.memory_space<vmem>>)
      %dma_wait3A_511 = arith.constant 320 : i32
      %dma_wait3A_512 = arith.constant 0 : i32
      %dma_wait3A_513 = tpu.memref_slice %arg10[%dma_wait3A_511, %dma_wait3A_512] : memref<400x16xf32, #tpu.memory_space<vmem>> -> memref<80x16xf32, #tpu.memory_space<vmem>>
      %dma_wait3A_514 = arith.constant 0 : i32
      %dma_wait3A_515 = tpu.memref_slice %arg8[%add3A_301, %dma_wait3A_514] : memref<125x80xi32, #tpu.memory_space<vmem>> -> memref<1x80xi32, #tpu.memory_space<vmem>>
      %dma_wait3A_516 = tpu.memref_squeeze %dma_wait3A_515 : memref<1x80xi32, #tpu.memory_space<vmem>> -> memref<80xi32, #tpu.memory_space<vmem>>
      %dma_wait3A_517 = arith.constant 0 : i32
      %dma_wait3A_518 = arith.constant 0 : i32
      %dma_wait3A_519 = tpu.memref_slice %arg2[%dma_wait3A_517, %dma_wait3A_518] : memref<10000x16xf32, #tpu.memory_space<hbm>> -> memref<10000x16xf32, #tpu.memory_space<hbm>>
      tpu.wait_indirect_dma semaphore(%arg14 : memref<!tpu.dma_semaphore, #tpu.memory_space<semaphore_mem>>) src(%dma_wait3A_519 : memref<10000x16xf32, #tpu.memory_space<hbm>>) dst(%dma_wait3A_513 : memref<80x16xf32, #tpu.memory_space<vmem>>)
      %dma_wait3A_520 = arith.constant 320 : i32
      %dma_wait3A_521 = arith.constant 0 : i32
      %dma_wait3A_522 = tpu.memref_slice %arg11[%dma_wait3A_520, %dma_wait3A_521] : memref<400x16xf32, #tpu.memory_space<vmem>> -> memref<80x16xf32, #tpu.memory_space<vmem>>
      %dma_wait3A_523 = arith.constant 0 : i32
      %dma_wait3A_524 = tpu.memref_slice %arg9[%add3A_312, %dma_wait3A_523] : memref<125x80xi32, #tpu.memory_space<vmem>> -> memref<1x80xi32, #tpu.memory_space<vmem>>
      %dma_wait3A_525 = tpu.memref_squeeze %dma_wait3A_524 : memref<1x80xi32, #tpu.memory_space<vmem>> -> memref<80xi32, #tpu.memory_space<vmem>>
      %dma_wait3A_526 = arith.constant 0 : i32
      %dma_wait3A_527 = arith.constant 0 : i32
      %dma_wait3A_528 = tpu.memref_slice %arg3[%dma_wait3A_526, %dma_wait3A_527] : memref<10000x16xf32, #tpu.memory_space<hbm>> -> memref<10000x16xf32, #tpu.memory_space<hbm>>
      tpu.wait_indirect_dma semaphore(%arg14 : memref<!tpu.dma_semaphore, #tpu.memory_space<semaphore_mem>>) src(%dma_wait3A_528 : memref<10000x16xf32, #tpu.memory_space<hbm>>) dst(%dma_wait3A_522 : memref<80x16xf32, #tpu.memory_space<vmem>>)
      %dma_start3A_529 = arith.constant 0 : i32
      %dma_start3A_530 = tpu.memref_slice %arg6[%add3A_438, %dma_start3A_529] : memref<320000x16xf32, #tpu.memory_space<hbm>> -> memref<400x16xf32, #tpu.memory_space<hbm>>
      %dma_start3A_531 = arith.constant 0 : i32
      %dma_start3A_532 = tpu.memref_slice %arg6[%add3A_438, %dma_start3A_531] : memref<320000x16xf32, #tpu.memory_space<hbm>> -> memref<400x16xf32, #tpu.memory_space<hbm>>
      tpu.enqueue_dma source(%arg10 : memref<400x16xf32, #tpu.memory_space<vmem>>) target(%dma_start3A_532 : memref<400x16xf32, #tpu.memory_space<hbm>>) target_semaphore(%arg16 : memref<!tpu.dma_semaphore, #tpu.memory_space<semaphore_mem>>)
      %dma_start3A_533 = arith.constant 0 : i32
      %dma_start3A_534 = tpu.memref_slice %arg7[%add3A_438, %dma_start3A_533] : memref<320000x16xf32, #tpu.memory_space<hbm>> -> memref<400x16xf32, #tpu.memory_space<hbm>>
      %dma_start3A_535 = arith.constant 0 : i32
      %dma_start3A_536 = tpu.memref_slice %arg7[%add3A_438, %dma_start3A_535] : memref<320000x16xf32, #tpu.memory_space<hbm>> -> memref<400x16xf32, #tpu.memory_space<hbm>>
      tpu.enqueue_dma source(%arg11 : memref<400x16xf32, #tpu.memory_space<vmem>>) target(%dma_start3A_536 : memref<400x16xf32, #tpu.memory_space<hbm>>) target_semaphore(%arg16 : memref<!tpu.dma_semaphore, #tpu.memory_space<semaphore_mem>>)
      %dma_wait3A_537 = arith.constant 0 : i32
      %dma_wait3A_538 = arith.constant 0 : i32
      %dma_wait3A_539 = tpu.memref_slice %arg12[%dma_wait3A_537, %dma_wait3A_538] : memref<400x16xf32, #tpu.memory_space<vmem>> -> memref<80x16xf32, #tpu.memory_space<vmem>>
      %dma_wait3A_540 = arith.constant 0 : i32
      %dma_wait3A_541 = tpu.memref_slice %arg8[%add3A_325, %dma_wait3A_540] : memref<125x80xi32, #tpu.memory_space<vmem>> -> memref<1x80xi32, #tpu.memory_space<vmem>>
      %dma_wait3A_542 = tpu.memref_squeeze %dma_wait3A_541 : memref<1x80xi32, #tpu.memory_space<vmem>> -> memref<80xi32, #tpu.memory_space<vmem>>
      %dma_wait3A_543 = arith.constant 0 : i32
      %dma_wait3A_544 = arith.constant 0 : i32
      %dma_wait3A_545 = tpu.memref_slice %arg2[%dma_wait3A_543, %dma_wait3A_544] : memref<10000x16xf32, #tpu.memory_space<hbm>> -> memref<10000x16xf32, #tpu.memory_space<hbm>>
      tpu.wait_indirect_dma semaphore(%arg15 : memref<!tpu.dma_semaphore, #tpu.memory_space<semaphore_mem>>) src(%dma_wait3A_545 : memref<10000x16xf32, #tpu.memory_space<hbm>>) dst(%dma_wait3A_539 : memref<80x16xf32, #tpu.memory_space<vmem>>)
      %dma_wait3A_546 = arith.constant 0 : i32
      %dma_wait3A_547 = arith.constant 0 : i32
      %dma_wait3A_548 = tpu.memref_slice %arg13[%dma_wait3A_546, %dma_wait3A_547] : memref<400x16xf32, #tpu.memory_space<vmem>> -> memref<80x16xf32, #tpu.memory_space<vmem>>
      %dma_wait3A_549 = arith.constant 0 : i32
      %dma_wait3A_550 = tpu.memref_slice %arg9[%add3A_336, %dma_wait3A_549] : memref<125x80xi32, #tpu.memory_space<vmem>> -> memref<1x80xi32, #tpu.memory_space<vmem>>
      %dma_wait3A_551 = tpu.memref_squeeze %dma_wait3A_550 : memref<1x80xi32, #tpu.memory_space<vmem>> -> memref<80xi32, #tpu.memory_space<vmem>>
      %dma_wait3A_552 = arith.constant 0 : i32
      %dma_wait3A_553 = arith.constant 0 : i32
      %dma_wait3A_554 = tpu.memref_slice %arg3[%dma_wait3A_552, %dma_wait3A_553] : memref<10000x16xf32, #tpu.memory_space<hbm>> -> memref<10000x16xf32, #tpu.memory_space<hbm>>
      tpu.wait_indirect_dma semaphore(%arg15 : memref<!tpu.dma_semaphore, #tpu.memory_space<semaphore_mem>>) src(%dma_wait3A_554 : memref<10000x16xf32, #tpu.memory_space<hbm>>) dst(%dma_wait3A_548 : memref<80x16xf32, #tpu.memory_space<vmem>>)
      %dma_wait3A_555 = arith.constant 80 : i32
      %dma_wait3A_556 = arith.constant 0 : i32
      %dma_wait3A_557 = tpu.memref_slice %arg12[%dma_wait3A_555, %dma_wait3A_556] : memref<400x16xf32, #tpu.memory_space<vmem>> -> memref<80x16xf32, #tpu.memory_space<vmem>>
      %dma_wait3A_558 = arith.constant 0 : i32
      %dma_wait3A_559 = tpu.memref_slice %arg8[%add3A_347, %dma_wait3A_558] : memref<125x80xi32, #tpu.memory_space<vmem>> -> memref<1x80xi32, #tpu.memory_space<vmem>>
      %dma_wait3A_560 = tpu.memref_squeeze %dma_wait3A_559 : memref<1x80xi32, #tpu.memory_space<vmem>> -> memref<80xi32, #tpu.memory_space<vmem>>
      %dma_wait3A_561 = arith.constant 0 : i32
      %dma_wait3A_562 = arith.constant 0 : i32
      %dma_wait3A_563 = tpu.memref_slice %arg2[%dma_wait3A_561, %dma_wait3A_562] : memref<10000x16xf32, #tpu.memory_space<hbm>> -> memref<10000x16xf32, #tpu.memory_space<hbm>>
      tpu.wait_indirect_dma semaphore(%arg15 : memref<!tpu.dma_semaphore, #tpu.memory_space<semaphore_mem>>) src(%dma_wait3A_563 : memref<10000x16xf32, #tpu.memory_space<hbm>>) dst(%dma_wait3A_557 : memref<80x16xf32, #tpu.memory_space<vmem>>)
      %dma_wait3A_564 = arith.constant 80 : i32
      %dma_wait3A_565 = arith.constant 0 : i32
      %dma_wait3A_566 = tpu.memref_slice %arg13[%dma_wait3A_564, %dma_wait3A_565] : memref<400x16xf32, #tpu.memory_space<vmem>> -> memref<80x16xf32, #tpu.memory_space<vmem>>
      %dma_wait3A_567 = arith.constant 0 : i32
      %dma_wait3A_568 = tpu.memref_slice %arg9[%add3A_358, %dma_wait3A_567] : memref<125x80xi32, #tpu.memory_space<vmem>> -> memref<1x80xi32, #tpu.memory_space<vmem>>
      %dma_wait3A_569 = tpu.memref_squeeze %dma_wait3A_568 : memref<1x80xi32, #tpu.memory_space<vmem>> -> memref<80xi32, #tpu.memory_space<vmem>>
      %dma_wait3A_570 = arith.constant 0 : i32
      %dma_wait3A_571 = arith.constant 0 : i32
      %dma_wait3A_572 = tpu.memref_slice %arg3[%dma_wait3A_570, %dma_wait3A_571] : memref<10000x16xf32, #tpu.memory_space<hbm>> -> memref<10000x16xf32, #tpu.memory_space<hbm>>
      tpu.wait_indirect_dma semaphore(%arg15 : memref<!tpu.dma_semaphore, #tpu.memory_space<semaphore_mem>>) src(%dma_wait3A_572 : memref<10000x16xf32, #tpu.memory_space<hbm>>) dst(%dma_wait3A_566 : memref<80x16xf32, #tpu.memory_space<vmem>>)
      %dma_wait3A_573 = arith.constant 160 : i32
      %dma_wait3A_574 = arith.constant 0 : i32
      %dma_wait3A_575 = tpu.memref_slice %arg12[%dma_wait3A_573, %dma_wait3A_574] : memref<400x16xf32, #tpu.memory_space<vmem>> -> memref<80x16xf32, #tpu.memory_space<vmem>>
      %dma_wait3A_576 = arith.constant 0 : i32
      %dma_wait3A_577 = tpu.memref_slice %arg8[%add3A_369, %dma_wait3A_576] : memref<125x80xi32, #tpu.memory_space<vmem>> -> memref<1x80xi32, #tpu.memory_space<vmem>>
      %dma_wait3A_578 = tpu.memref_squeeze %dma_wait3A_577 : memref<1x80xi32, #tpu.memory_space<vmem>> -> memref<80xi32, #tpu.memory_space<vmem>>
      %dma_wait3A_579 = arith.constant 0 : i32
      %dma_wait3A_580 = arith.constant 0 : i32
      %dma_wait3A_581 = tpu.memref_slice %arg2[%dma_wait3A_579, %dma_wait3A_580] : memref<10000x16xf32, #tpu.memory_space<hbm>> -> memref<10000x16xf32, #tpu.memory_space<hbm>>
      tpu.wait_indirect_dma semaphore(%arg15 : memref<!tpu.dma_semaphore, #tpu.memory_space<semaphore_mem>>) src(%dma_wait3A_581 : memref<10000x16xf32, #tpu.memory_space<hbm>>) dst(%dma_wait3A_575 : memref<80x16xf32, #tpu.memory_space<vmem>>)
      %dma_wait3A_582 = arith.constant 160 : i32
      %dma_wait3A_583 = arith.constant 0 : i32
      %dma_wait3A_584 = tpu.memref_slice %arg13[%dma_wait3A_582, %dma_wait3A_583] : memref<400x16xf32, #tpu.memory_space<vmem>> -> memref<80x16xf32, #tpu.memory_space<vmem>>
      %dma_wait3A_585 = arith.constant 0 : i32
      %dma_wait3A_586 = tpu.memref_slice %arg9[%add3A_380, %dma_wait3A_585] : memref<125x80xi32, #tpu.memory_space<vmem>> -> memref<1x80xi32, #tpu.memory_space<vmem>>
      %dma_wait3A_587 = tpu.memref_squeeze %dma_wait3A_586 : memref<1x80xi32, #tpu.memory_space<vmem>> -> memref<80xi32, #tpu.memory_space<vmem>>
      %dma_wait3A_588 = arith.constant 0 : i32
      %dma_wait3A_589 = arith.constant 0 : i32
      %dma_wait3A_590 = tpu.memref_slice %arg3[%dma_wait3A_588, %dma_wait3A_589] : memref<10000x16xf32, #tpu.memory_space<hbm>> -> memref<10000x16xf32, #tpu.memory_space<hbm>>
      tpu.wait_indirect_dma semaphore(%arg15 : memref<!tpu.dma_semaphore, #tpu.memory_space<semaphore_mem>>) src(%dma_wait3A_590 : memref<10000x16xf32, #tpu.memory_space<hbm>>) dst(%dma_wait3A_584 : memref<80x16xf32, #tpu.memory_space<vmem>>)
      %dma_wait3A_591 = arith.constant 240 : i32
      %dma_wait3A_592 = arith.constant 0 : i32
      %dma_wait3A_593 = tpu.memref_slice %arg12[%dma_wait3A_591, %dma_wait3A_592] : memref<400x16xf32, #tpu.memory_space<vmem>> -> memref<80x16xf32, #tpu.memory_space<vmem>>
      %dma_wait3A_594 = arith.constant 0 : i32
      %dma_wait3A_595 = tpu.memref_slice %arg8[%add3A_391, %dma_wait3A_594] : memref<125x80xi32, #tpu.memory_space<vmem>> -> memref<1x80xi32, #tpu.memory_space<vmem>>
      %dma_wait3A_596 = tpu.memref_squeeze %dma_wait3A_595 : memref<1x80xi32, #tpu.memory_space<vmem>> -> memref<80xi32, #tpu.memory_space<vmem>>
      %dma_wait3A_597 = arith.constant 0 : i32
      %dma_wait3A_598 = arith.constant 0 : i32
      %dma_wait3A_599 = tpu.memref_slice %arg2[%dma_wait3A_597, %dma_wait3A_598] : memref<10000x16xf32, #tpu.memory_space<hbm>> -> memref<10000x16xf32, #tpu.memory_space<hbm>>
      tpu.wait_indirect_dma semaphore(%arg15 : memref<!tpu.dma_semaphore, #tpu.memory_space<semaphore_mem>>) src(%dma_wait3A_599 : memref<10000x16xf32, #tpu.memory_space<hbm>>) dst(%dma_wait3A_593 : memref<80x16xf32, #tpu.memory_space<vmem>>)
      %dma_wait3A_600 = arith.constant 240 : i32
      %dma_wait3A_601 = arith.constant 0 : i32
      %dma_wait3A_602 = tpu.memref_slice %arg13[%dma_wait3A_600, %dma_wait3A_601] : memref<400x16xf32, #tpu.memory_space<vmem>> -> memref<80x16xf32, #tpu.memory_space<vmem>>
      %dma_wait3A_603 = arith.constant 0 : i32
      %dma_wait3A_604 = tpu.memref_slice %arg9[%add3A_402, %dma_wait3A_603] : memref<125x80xi32, #tpu.memory_space<vmem>> -> memref<1x80xi32, #tpu.memory_space<vmem>>
      %dma_wait3A_605 = tpu.memref_squeeze %dma_wait3A_604 : memref<1x80xi32, #tpu.memory_space<vmem>> -> memref<80xi32, #tpu.memory_space<vmem>>
      %dma_wait3A_606 = arith.constant 0 : i32
      %dma_wait3A_607 = arith.constant 0 : i32
      %dma_wait3A_608 = tpu.memref_slice %arg3[%dma_wait3A_606, %dma_wait3A_607] : memref<10000x16xf32, #tpu.memory_space<hbm>> -> memref<10000x16xf32, #tpu.memory_space<hbm>>
      tpu.wait_indirect_dma semaphore(%arg15 : memref<!tpu.dma_semaphore, #tpu.memory_space<semaphore_mem>>) src(%dma_wait3A_608 : memref<10000x16xf32, #tpu.memory_space<hbm>>) dst(%dma_wait3A_602 : memref<80x16xf32, #tpu.memory_space<vmem>>)
      %dma_wait3A_609 = arith.constant 320 : i32
      %dma_wait3A_610 = arith.constant 0 : i32
      %dma_wait3A_611 = tpu.memref_slice %arg12[%dma_wait3A_609, %dma_wait3A_610] : memref<400x16xf32, #tpu.memory_space<vmem>> -> memref<80x16xf32, #tpu.memory_space<vmem>>
      %dma_wait3A_612 = arith.constant 0 : i32
      %dma_wait3A_613 = tpu.memref_slice %arg8[%add3A_413, %dma_wait3A_612] : memref<125x80xi32, #tpu.memory_space<vmem>> -> memref<1x80xi32, #tpu.memory_space<vmem>>
      %dma_wait3A_614 = tpu.memref_squeeze %dma_wait3A_613 : memref<1x80xi32, #tpu.memory_space<vmem>> -> memref<80xi32, #tpu.memory_space<vmem>>
      %dma_wait3A_615 = arith.constant 0 : i32
      %dma_wait3A_616 = arith.constant 0 : i32
      %dma_wait3A_617 = tpu.memref_slice %arg2[%dma_wait3A_615, %dma_wait3A_616] : memref<10000x16xf32, #tpu.memory_space<hbm>> -> memref<10000x16xf32, #tpu.memory_space<hbm>>
      tpu.wait_indirect_dma semaphore(%arg15 : memref<!tpu.dma_semaphore, #tpu.memory_space<semaphore_mem>>) src(%dma_wait3A_617 : memref<10000x16xf32, #tpu.memory_space<hbm>>) dst(%dma_wait3A_611 : memref<80x16xf32, #tpu.memory_space<vmem>>)
      %dma_wait3A_618 = arith.constant 320 : i32
      %dma_wait3A_619 = arith.constant 0 : i32
      %dma_wait3A_620 = tpu.memref_slice %arg13[%dma_wait3A_618, %dma_wait3A_619] : memref<400x16xf32, #tpu.memory_space<vmem>> -> memref<80x16xf32, #tpu.memory_space<vmem>>
      %dma_wait3A_621 = arith.constant 0 : i32
      %dma_wait3A_622 = tpu.memref_slice %arg9[%add3A_424, %dma_wait3A_621] : memref<125x80xi32, #tpu.memory_space<vmem>> -> memref<1x80xi32, #tpu.memory_space<vmem>>
      %dma_wait3A_623 = tpu.memref_squeeze %dma_wait3A_622 : memref<1x80xi32, #tpu.memory_space<vmem>> -> memref<80xi32, #tpu.memory_space<vmem>>
      %dma_wait3A_624 = arith.constant 0 : i32
      %dma_wait3A_625 = arith.constant 0 : i32
      %dma_wait3A_626 = tpu.memref_slice %arg3[%dma_wait3A_624, %dma_wait3A_625] : memref<10000x16xf32, #tpu.memory_space<hbm>> -> memref<10000x16xf32, #tpu.memory_space<hbm>>
      tpu.wait_indirect_dma semaphore(%arg15 : memref<!tpu.dma_semaphore, #tpu.memory_space<semaphore_mem>>) src(%dma_wait3A_626 : memref<10000x16xf32, #tpu.memory_space<hbm>>) dst(%dma_wait3A_620 : memref<80x16xf32, #tpu.memory_space<vmem>>)
      %add3A_627 = arith.constant 400 : i32
      %add3A_628 = arith.addi %add3A_438, %add3A_627 : i32
      %dma_start3A_629 = arith.constant 0 : i32
      %dma_start3A_630 = tpu.memref_slice %arg6[%add3A_628, %dma_start3A_629] : memref<320000x16xf32, #tpu.memory_space<hbm>> -> memref<400x16xf32, #tpu.memory_space<hbm>>
      %dma_start3A_631 = arith.constant 0 : i32
      %dma_start3A_632 = tpu.memref_slice %arg6[%add3A_628, %dma_start3A_631] : memref<320000x16xf32, #tpu.memory_space<hbm>> -> memref<400x16xf32, #tpu.memory_space<hbm>>
      tpu.enqueue_dma source(%arg12 : memref<400x16xf32, #tpu.memory_space<vmem>>) target(%dma_start3A_632 : memref<400x16xf32, #tpu.memory_space<hbm>>) target_semaphore(%arg16 : memref<!tpu.dma_semaphore, #tpu.memory_space<semaphore_mem>>)
      %dma_start3A_633 = arith.constant 0 : i32
      %dma_start3A_634 = tpu.memref_slice %arg7[%add3A_628, %dma_start3A_633] : memref<320000x16xf32, #tpu.memory_space<hbm>> -> memref<400x16xf32, #tpu.memory_space<hbm>>
      %dma_start3A_635 = arith.constant 0 : i32
      %dma_start3A_636 = tpu.memref_slice %arg7[%add3A_628, %dma_start3A_635] : memref<320000x16xf32, #tpu.memory_space<hbm>> -> memref<400x16xf32, #tpu.memory_space<hbm>>
      tpu.enqueue_dma source(%arg13 : memref<400x16xf32, #tpu.memory_space<vmem>>) target(%dma_start3A_636 : memref<400x16xf32, #tpu.memory_space<hbm>>) target_semaphore(%arg16 : memref<!tpu.dma_semaphore, #tpu.memory_space<semaphore_mem>>)
      %dma_wait3A_637 = arith.constant 0 : i32
      %dma_wait3A_638 = tpu.memref_slice %arg6[%add3A_438, %dma_wait3A_637] : memref<320000x16xf32, #tpu.memory_space<hbm>> -> memref<400x16xf32, #tpu.memory_space<hbm>>
      %dma_wait3A_639 = arith.constant 0 : i32
      %dma_wait3A_640 = tpu.memref_slice %arg6[%add3A_438, %dma_wait3A_639] : memref<320000x16xf32, #tpu.memory_space<hbm>> -> memref<400x16xf32, #tpu.memory_space<hbm>>
      tpu.wait_dma2 semaphore(%arg16 : memref<!tpu.dma_semaphore, #tpu.memory_space<semaphore_mem>>) src(%arg10 : memref<400x16xf32, #tpu.memory_space<vmem>>) dst(%dma_wait3A_640 : memref<400x16xf32, #tpu.memory_space<hbm>>)
      %dma_wait3A_641 = arith.constant 0 : i32
      %dma_wait3A_642 = tpu.memref_slice %arg7[%add3A_438, %dma_wait3A_641] : memref<320000x16xf32, #tpu.memory_space<hbm>> -> memref<400x16xf32, #tpu.memory_space<hbm>>
      %dma_wait3A_643 = arith.constant 0 : i32
      %dma_wait3A_644 = tpu.memref_slice %arg7[%add3A_438, %dma_wait3A_643] : memref<320000x16xf32, #tpu.memory_space<hbm>> -> memref<400x16xf32, #tpu.memory_space<hbm>>
      tpu.wait_dma2 semaphore(%arg16 : memref<!tpu.dma_semaphore, #tpu.memory_space<semaphore_mem>>) src(%arg11 : memref<400x16xf32, #tpu.memory_space<vmem>>) dst(%dma_wait3A_644 : memref<400x16xf32, #tpu.memory_space<hbm>>)
      %dma_wait3A_645 = arith.constant 0 : i32
      %dma_wait3A_646 = tpu.memref_slice %arg6[%add3A_628, %dma_wait3A_645] : memref<320000x16xf32, #tpu.memory_space<hbm>> -> memref<400x16xf32, #tpu.memory_space<hbm>>
      %dma_wait3A_647 = arith.constant 0 : i32
      %dma_wait3A_648 = tpu.memref_slice %arg6[%add3A_628, %dma_wait3A_647] : memref<320000x16xf32, #tpu.memory_space<hbm>> -> memref<400x16xf32, #tpu.memory_space<hbm>>
      tpu.wait_dma2 semaphore(%arg16 : memref<!tpu.dma_semaphore, #tpu.memory_space<semaphore_mem>>) src(%arg12 : memref<400x16xf32, #tpu.memory_space<vmem>>) dst(%dma_wait3A_648 : memref<400x16xf32, #tpu.memory_space<hbm>>)
      %dma_wait3A_649 = arith.constant 0 : i32
      %dma_wait3A_650 = tpu.memref_slice %arg7[%add3A_628, %dma_wait3A_649] : memref<320000x16xf32, #tpu.memory_space<hbm>> -> memref<400x16xf32, #tpu.memory_space<hbm>>
      %dma_wait3A_651 = arith.constant 0 : i32
      %dma_wait3A_652 = tpu.memref_slice %arg7[%add3A_628, %dma_wait3A_651] : memref<320000x16xf32, #tpu.memory_space<hbm>> -> memref<400x16xf32, #tpu.memory_space<hbm>>
      tpu.wait_dma2 semaphore(%arg16 : memref<!tpu.dma_semaphore, #tpu.memory_space<semaphore_mem>>) src(%arg13 : memref<400x16xf32, #tpu.memory_space<vmem>>) dst(%dma_wait3A_652 : memref<400x16xf32, #tpu.memory_space<hbm>>)
    }
    %scan3A_4 = arith.constant 12 : i32
    %dma_start3A = arith.constant 120 : i32
    %dma_start3A_5 = arith.constant 0 : i32
    %dma_start3A_6 = arith.constant 0 : i32
    %dma_start3A_7 = tpu.memref_slice %arg10[%dma_start3A_5, %dma_start3A_6] : memref<400x16xf32, #tpu.memory_space<vmem>> -> memref<80x16xf32, #tpu.memory_space<vmem>>
    %dma_start3A_8 = arith.constant 0 : i32
    %dma_start3A_9 = tpu.memref_slice %arg8[%dma_start3A, %dma_start3A_8] : memref<125x80xi32, #tpu.memory_space<vmem>> -> memref<1x80xi32, #tpu.memory_space<vmem>>
    %dma_start3A_10 = tpu.memref_squeeze %dma_start3A_9 : memref<1x80xi32, #tpu.memory_space<vmem>> -> memref<80xi32, #tpu.memory_space<vmem>>
    %dma_start3A_11 = arith.constant 0 : i32
    %dma_start3A_12 = arith.constant 0 : i32
    %dma_start3A_13 = tpu.memref_slice %arg2[%dma_start3A_11, %dma_start3A_12] : memref<10000x16xf32, #tpu.memory_space<hbm>> -> memref<10000x16xf32, #tpu.memory_space<hbm>>
    tpu.enqueue_indirect_dma source(%dma_start3A_13 : memref<10000x16xf32, #tpu.memory_space<hbm>>) target(%dma_start3A_7 : memref<80x16xf32, #tpu.memory_space<vmem>>) offsets(%dma_start3A_10 : memref<80xi32, #tpu.memory_space<vmem>>) semaphore(%arg14 : memref<!tpu.dma_semaphore, #tpu.memory_space<semaphore_mem>>)
    %dma_start3A_14 = arith.constant 120 : i32
    %dma_start3A_15 = arith.constant 0 : i32
    %dma_start3A_16 = arith.constant 0 : i32
    %dma_start3A_17 = tpu.memref_slice %arg11[%dma_start3A_15, %dma_start3A_16] : memref<400x16xf32, #tpu.memory_space<vmem>> -> memref<80x16xf32, #tpu.memory_space<vmem>>
    %dma_start3A_18 = arith.constant 0 : i32
    %dma_start3A_19 = tpu.memref_slice %arg9[%dma_start3A_14, %dma_start3A_18] : memref<125x80xi32, #tpu.memory_space<vmem>> -> memref<1x80xi32, #tpu.memory_space<vmem>>
    %dma_start3A_20 = tpu.memref_squeeze %dma_start3A_19 : memref<1x80xi32, #tpu.memory_space<vmem>> -> memref<80xi32, #tpu.memory_space<vmem>>
    %dma_start3A_21 = arith.constant 0 : i32
    %dma_start3A_22 = arith.constant 0 : i32
    %dma_start3A_23 = tpu.memref_slice %arg3[%dma_start3A_21, %dma_start3A_22] : memref<10000x16xf32, #tpu.memory_space<hbm>> -> memref<10000x16xf32, #tpu.memory_space<hbm>>
    tpu.enqueue_indirect_dma source(%dma_start3A_23 : memref<10000x16xf32, #tpu.memory_space<hbm>>) target(%dma_start3A_17 : memref<80x16xf32, #tpu.memory_space<vmem>>) offsets(%dma_start3A_20 : memref<80xi32, #tpu.memory_space<vmem>>) semaphore(%arg14 : memref<!tpu.dma_semaphore, #tpu.memory_space<semaphore_mem>>)
    %dma_start3A_24 = arith.constant 121 : i32
    %dma_start3A_25 = arith.constant 80 : i32
    %dma_start3A_26 = arith.constant 0 : i32
    %dma_start3A_27 = tpu.memref_slice %arg10[%dma_start3A_25, %dma_start3A_26] : memref<400x16xf32, #tpu.memory_space<vmem>> -> memref<80x16xf32, #tpu.memory_space<vmem>>
    %dma_start3A_28 = arith.constant 0 : i32
    %dma_start3A_29 = tpu.memref_slice %arg8[%dma_start3A_24, %dma_start3A_28] : memref<125x80xi32, #tpu.memory_space<vmem>> -> memref<1x80xi32, #tpu.memory_space<vmem>>
    %dma_start3A_30 = tpu.memref_squeeze %dma_start3A_29 : memref<1x80xi32, #tpu.memory_space<vmem>> -> memref<80xi32, #tpu.memory_space<vmem>>
    %dma_start3A_31 = arith.constant 0 : i32
    %dma_start3A_32 = arith.constant 0 : i32
    %dma_start3A_33 = tpu.memref_slice %arg2[%dma_start3A_31, %dma_start3A_32] : memref<10000x16xf32, #tpu.memory_space<hbm>> -> memref<10000x16xf32, #tpu.memory_space<hbm>>
    tpu.enqueue_indirect_dma source(%dma_start3A_33 : memref<10000x16xf32, #tpu.memory_space<hbm>>) target(%dma_start3A_27 : memref<80x16xf32, #tpu.memory_space<vmem>>) offsets(%dma_start3A_30 : memref<80xi32, #tpu.memory_space<vmem>>) semaphore(%arg14 : memref<!tpu.dma_semaphore, #tpu.memory_space<semaphore_mem>>)
    %dma_start3A_34 = arith.constant 121 : i32
    %dma_start3A_35 = arith.constant 80 : i32
    %dma_start3A_36 = arith.constant 0 : i32
    %dma_start3A_37 = tpu.memref_slice %arg11[%dma_start3A_35, %dma_start3A_36] : memref<400x16xf32, #tpu.memory_space<vmem>> -> memref<80x16xf32, #tpu.memory_space<vmem>>
    %dma_start3A_38 = arith.constant 0 : i32
    %dma_start3A_39 = tpu.memref_slice %arg9[%dma_start3A_34, %dma_start3A_38] : memref<125x80xi32, #tpu.memory_space<vmem>> -> memref<1x80xi32, #tpu.memory_space<vmem>>
    %dma_start3A_40 = tpu.memref_squeeze %dma_start3A_39 : memref<1x80xi32, #tpu.memory_space<vmem>> -> memref<80xi32, #tpu.memory_space<vmem>>
    %dma_start3A_41 = arith.constant 0 : i32
    %dma_start3A_42 = arith.constant 0 : i32
    %dma_start3A_43 = tpu.memref_slice %arg3[%dma_start3A_41, %dma_start3A_42] : memref<10000x16xf32, #tpu.memory_space<hbm>> -> memref<10000x16xf32, #tpu.memory_space<hbm>>
    tpu.enqueue_indirect_dma source(%dma_start3A_43 : memref<10000x16xf32, #tpu.memory_space<hbm>>) target(%dma_start3A_37 : memref<80x16xf32, #tpu.memory_space<vmem>>) offsets(%dma_start3A_40 : memref<80xi32, #tpu.memory_space<vmem>>) semaphore(%arg14 : memref<!tpu.dma_semaphore, #tpu.memory_space<semaphore_mem>>)
    %dma_start3A_44 = arith.constant 122 : i32
    %dma_start3A_45 = arith.constant 160 : i32
    %dma_start3A_46 = arith.constant 0 : i32
    %dma_start3A_47 = tpu.memref_slice %arg10[%dma_start3A_45, %dma_start3A_46] : memref<400x16xf32, #tpu.memory_space<vmem>> -> memref<80x16xf32, #tpu.memory_space<vmem>>
    %dma_start3A_48 = arith.constant 0 : i32
    %dma_start3A_49 = tpu.memref_slice %arg8[%dma_start3A_44, %dma_start3A_48] : memref<125x80xi32, #tpu.memory_space<vmem>> -> memref<1x80xi32, #tpu.memory_space<vmem>>
    %dma_start3A_50 = tpu.memref_squeeze %dma_start3A_49 : memref<1x80xi32, #tpu.memory_space<vmem>> -> memref<80xi32, #tpu.memory_space<vmem>>
    %dma_start3A_51 = arith.constant 0 : i32
    %dma_start3A_52 = arith.constant 0 : i32
    %dma_start3A_53 = tpu.memref_slice %arg2[%dma_start3A_51, %dma_start3A_52] : memref<10000x16xf32, #tpu.memory_space<hbm>> -> memref<10000x16xf32, #tpu.memory_space<hbm>>
    tpu.enqueue_indirect_dma source(%dma_start3A_53 : memref<10000x16xf32, #tpu.memory_space<hbm>>) target(%dma_start3A_47 : memref<80x16xf32, #tpu.memory_space<vmem>>) offsets(%dma_start3A_50 : memref<80xi32, #tpu.memory_space<vmem>>) semaphore(%arg14 : memref<!tpu.dma_semaphore, #tpu.memory_space<semaphore_mem>>)
    %dma_start3A_54 = arith.constant 122 : i32
    %dma_start3A_55 = arith.constant 160 : i32
    %dma_start3A_56 = arith.constant 0 : i32
    %dma_start3A_57 = tpu.memref_slice %arg11[%dma_start3A_55, %dma_start3A_56] : memref<400x16xf32, #tpu.memory_space<vmem>> -> memref<80x16xf32, #tpu.memory_space<vmem>>
    %dma_start3A_58 = arith.constant 0 : i32
    %dma_start3A_59 = tpu.memref_slice %arg9[%dma_start3A_54, %dma_start3A_58] : memref<125x80xi32, #tpu.memory_space<vmem>> -> memref<1x80xi32, #tpu.memory_space<vmem>>
    %dma_start3A_60 = tpu.memref_squeeze %dma_start3A_59 : memref<1x80xi32, #tpu.memory_space<vmem>> -> memref<80xi32, #tpu.memory_space<vmem>>
    %dma_start3A_61 = arith.constant 0 : i32
    %dma_start3A_62 = arith.constant 0 : i32
    %dma_start3A_63 = tpu.memref_slice %arg3[%dma_start3A_61, %dma_start3A_62] : memref<10000x16xf32, #tpu.memory_space<hbm>> -> memref<10000x16xf32, #tpu.memory_space<hbm>>
    tpu.enqueue_indirect_dma source(%dma_start3A_63 : memref<10000x16xf32, #tpu.memory_space<hbm>>) target(%dma_start3A_57 : memref<80x16xf32, #tpu.memory_space<vmem>>) offsets(%dma_start3A_60 : memref<80xi32, #tpu.memory_space<vmem>>) semaphore(%arg14 : memref<!tpu.dma_semaphore, #tpu.memory_space<semaphore_mem>>)
    %dma_start3A_64 = arith.constant 123 : i32
    %dma_start3A_65 = arith.constant 240 : i32
    %dma_start3A_66 = arith.constant 0 : i32
    %dma_start3A_67 = tpu.memref_slice %arg10[%dma_start3A_65, %dma_start3A_66] : memref<400x16xf32, #tpu.memory_space<vmem>> -> memref<80x16xf32, #tpu.memory_space<vmem>>
    %dma_start3A_68 = arith.constant 0 : i32
    %dma_start3A_69 = tpu.memref_slice %arg8[%dma_start3A_64, %dma_start3A_68] : memref<125x80xi32, #tpu.memory_space<vmem>> -> memref<1x80xi32, #tpu.memory_space<vmem>>
    %dma_start3A_70 = tpu.memref_squeeze %dma_start3A_69 : memref<1x80xi32, #tpu.memory_space<vmem>> -> memref<80xi32, #tpu.memory_space<vmem>>
    %dma_start3A_71 = arith.constant 0 : i32
    %dma_start3A_72 = arith.constant 0 : i32
    %dma_start3A_73 = tpu.memref_slice %arg2[%dma_start3A_71, %dma_start3A_72] : memref<10000x16xf32, #tpu.memory_space<hbm>> -> memref<10000x16xf32, #tpu.memory_space<hbm>>
    tpu.enqueue_indirect_dma source(%dma_start3A_73 : memref<10000x16xf32, #tpu.memory_space<hbm>>) target(%dma_start3A_67 : memref<80x16xf32, #tpu.memory_space<vmem>>) offsets(%dma_start3A_70 : memref<80xi32, #tpu.memory_space<vmem>>) semaphore(%arg14 : memref<!tpu.dma_semaphore, #tpu.memory_space<semaphore_mem>>)
    %dma_start3A_74 = arith.constant 123 : i32
    %dma_start3A_75 = arith.constant 240 : i32
    %dma_start3A_76 = arith.constant 0 : i32
    %dma_start3A_77 = tpu.memref_slice %arg11[%dma_start3A_75, %dma_start3A_76] : memref<400x16xf32, #tpu.memory_space<vmem>> -> memref<80x16xf32, #tpu.memory_space<vmem>>
    %dma_start3A_78 = arith.constant 0 : i32
    %dma_start3A_79 = tpu.memref_slice %arg9[%dma_start3A_74, %dma_start3A_78] : memref<125x80xi32, #tpu.memory_space<vmem>> -> memref<1x80xi32, #tpu.memory_space<vmem>>
    %dma_start3A_80 = tpu.memref_squeeze %dma_start3A_79 : memref<1x80xi32, #tpu.memory_space<vmem>> -> memref<80xi32, #tpu.memory_space<vmem>>
    %dma_start3A_81 = arith.constant 0 : i32
    %dma_start3A_82 = arith.constant 0 : i32
    %dma_start3A_83 = tpu.memref_slice %arg3[%dma_start3A_81, %dma_start3A_82] : memref<10000x16xf32, #tpu.memory_space<hbm>> -> memref<10000x16xf32, #tpu.memory_space<hbm>>
    tpu.enqueue_indirect_dma source(%dma_start3A_83 : memref<10000x16xf32, #tpu.memory_space<hbm>>) target(%dma_start3A_77 : memref<80x16xf32, #tpu.memory_space<vmem>>) offsets(%dma_start3A_80 : memref<80xi32, #tpu.memory_space<vmem>>) semaphore(%arg14 : memref<!tpu.dma_semaphore, #tpu.memory_space<semaphore_mem>>)
    %dma_start3A_84 = arith.constant 124 : i32
    %dma_start3A_85 = arith.constant 320 : i32
    %dma_start3A_86 = arith.constant 0 : i32
    %dma_start3A_87 = tpu.memref_slice %arg10[%dma_start3A_85, %dma_start3A_86] : memref<400x16xf32, #tpu.memory_space<vmem>> -> memref<80x16xf32, #tpu.memory_space<vmem>>
    %dma_start3A_88 = arith.constant 0 : i32
    %dma_start3A_89 = tpu.memref_slice %arg8[%dma_start3A_84, %dma_start3A_88] : memref<125x80xi32, #tpu.memory_space<vmem>> -> memref<1x80xi32, #tpu.memory_space<vmem>>
    %dma_start3A_90 = tpu.memref_squeeze %dma_start3A_89 : memref<1x80xi32, #tpu.memory_space<vmem>> -> memref<80xi32, #tpu.memory_space<vmem>>
    %dma_start3A_91 = arith.constant 0 : i32
    %dma_start3A_92 = arith.constant 0 : i32
    %dma_start3A_93 = tpu.memref_slice %arg2[%dma_start3A_91, %dma_start3A_92] : memref<10000x16xf32, #tpu.memory_space<hbm>> -> memref<10000x16xf32, #tpu.memory_space<hbm>>
    tpu.enqueue_indirect_dma source(%dma_start3A_93 : memref<10000x16xf32, #tpu.memory_space<hbm>>) target(%dma_start3A_87 : memref<80x16xf32, #tpu.memory_space<vmem>>) offsets(%dma_start3A_90 : memref<80xi32, #tpu.memory_space<vmem>>) semaphore(%arg14 : memref<!tpu.dma_semaphore, #tpu.memory_space<semaphore_mem>>)
    %dma_start3A_94 = arith.constant 124 : i32
    %dma_start3A_95 = arith.constant 320 : i32
    %dma_start3A_96 = arith.constant 0 : i32
    %dma_start3A_97 = tpu.memref_slice %arg11[%dma_start3A_95, %dma_start3A_96] : memref<400x16xf32, #tpu.memory_space<vmem>> -> memref<80x16xf32, #tpu.memory_space<vmem>>
    %dma_start3A_98 = arith.constant 0 : i32
    %dma_start3A_99 = tpu.memref_slice %arg9[%dma_start3A_94, %dma_start3A_98] : memref<125x80xi32, #tpu.memory_space<vmem>> -> memref<1x80xi32, #tpu.memory_space<vmem>>
    %dma_start3A_100 = tpu.memref_squeeze %dma_start3A_99 : memref<1x80xi32, #tpu.memory_space<vmem>> -> memref<80xi32, #tpu.memory_space<vmem>>
    %dma_start3A_101 = arith.constant 0 : i32
    %dma_start3A_102 = arith.constant 0 : i32
    %dma_start3A_103 = tpu.memref_slice %arg3[%dma_start3A_101, %dma_start3A_102] : memref<10000x16xf32, #tpu.memory_space<hbm>> -> memref<10000x16xf32, #tpu.memory_space<hbm>>
    tpu.enqueue_indirect_dma source(%dma_start3A_103 : memref<10000x16xf32, #tpu.memory_space<hbm>>) target(%dma_start3A_97 : memref<80x16xf32, #tpu.memory_space<vmem>>) offsets(%dma_start3A_100 : memref<80xi32, #tpu.memory_space<vmem>>) semaphore(%arg14 : memref<!tpu.dma_semaphore, #tpu.memory_space<semaphore_mem>>)
    %dma_wait3A = arith.constant 120 : i32
    %dma_wait3A_104 = arith.constant 0 : i32
    %dma_wait3A_105 = arith.constant 0 : i32
    %dma_wait3A_106 = tpu.memref_slice %arg10[%dma_wait3A_104, %dma_wait3A_105] : memref<400x16xf32, #tpu.memory_space<vmem>> -> memref<80x16xf32, #tpu.memory_space<vmem>>
    %dma_wait3A_107 = arith.constant 0 : i32
    %dma_wait3A_108 = tpu.memref_slice %arg8[%dma_wait3A, %dma_wait3A_107] : memref<125x80xi32, #tpu.memory_space<vmem>> -> memref<1x80xi32, #tpu.memory_space<vmem>>
    %dma_wait3A_109 = tpu.memref_squeeze %dma_wait3A_108 : memref<1x80xi32, #tpu.memory_space<vmem>> -> memref<80xi32, #tpu.memory_space<vmem>>
    %dma_wait3A_110 = arith.constant 0 : i32
    %dma_wait3A_111 = arith.constant 0 : i32
    %dma_wait3A_112 = tpu.memref_slice %arg2[%dma_wait3A_110, %dma_wait3A_111] : memref<10000x16xf32, #tpu.memory_space<hbm>> -> memref<10000x16xf32, #tpu.memory_space<hbm>>
    tpu.wait_indirect_dma semaphore(%arg14 : memref<!tpu.dma_semaphore, #tpu.memory_space<semaphore_mem>>) src(%dma_wait3A_112 : memref<10000x16xf32, #tpu.memory_space<hbm>>) dst(%dma_wait3A_106 : memref<80x16xf32, #tpu.memory_space<vmem>>)
    %dma_wait3A_113 = arith.constant 120 : i32
    %dma_wait3A_114 = arith.constant 0 : i32
    %dma_wait3A_115 = arith.constant 0 : i32
    %dma_wait3A_116 = tpu.memref_slice %arg11[%dma_wait3A_114, %dma_wait3A_115] : memref<400x16xf32, #tpu.memory_space<vmem>> -> memref<80x16xf32, #tpu.memory_space<vmem>>
    %dma_wait3A_117 = arith.constant 0 : i32
    %dma_wait3A_118 = tpu.memref_slice %arg9[%dma_wait3A_113, %dma_wait3A_117] : memref<125x80xi32, #tpu.memory_space<vmem>> -> memref<1x80xi32, #tpu.memory_space<vmem>>
    %dma_wait3A_119 = tpu.memref_squeeze %dma_wait3A_118 : memref<1x80xi32, #tpu.memory_space<vmem>> -> memref<80xi32, #tpu.memory_space<vmem>>
    %dma_wait3A_120 = arith.constant 0 : i32
    %dma_wait3A_121 = arith.constant 0 : i32
    %dma_wait3A_122 = tpu.memref_slice %arg3[%dma_wait3A_120, %dma_wait3A_121] : memref<10000x16xf32, #tpu.memory_space<hbm>> -> memref<10000x16xf32, #tpu.memory_space<hbm>>
    tpu.wait_indirect_dma semaphore(%arg14 : memref<!tpu.dma_semaphore, #tpu.memory_space<semaphore_mem>>) src(%dma_wait3A_122 : memref<10000x16xf32, #tpu.memory_space<hbm>>) dst(%dma_wait3A_116 : memref<80x16xf32, #tpu.memory_space<vmem>>)
    %dma_wait3A_123 = arith.constant 121 : i32
    %dma_wait3A_124 = arith.constant 80 : i32
    %dma_wait3A_125 = arith.constant 0 : i32
    %dma_wait3A_126 = tpu.memref_slice %arg10[%dma_wait3A_124, %dma_wait3A_125] : memref<400x16xf32, #tpu.memory_space<vmem>> -> memref<80x16xf32, #tpu.memory_space<vmem>>
    %dma_wait3A_127 = arith.constant 0 : i32
    %dma_wait3A_128 = tpu.memref_slice %arg8[%dma_wait3A_123, %dma_wait3A_127] : memref<125x80xi32, #tpu.memory_space<vmem>> -> memref<1x80xi32, #tpu.memory_space<vmem>>
    %dma_wait3A_129 = tpu.memref_squeeze %dma_wait3A_128 : memref<1x80xi32, #tpu.memory_space<vmem>> -> memref<80xi32, #tpu.memory_space<vmem>>
    %dma_wait3A_130 = arith.constant 0 : i32
    %dma_wait3A_131 = arith.constant 0 : i32
    %dma_wait3A_132 = tpu.memref_slice %arg2[%dma_wait3A_130, %dma_wait3A_131] : memref<10000x16xf32, #tpu.memory_space<hbm>> -> memref<10000x16xf32, #tpu.memory_space<hbm>>
    tpu.wait_indirect_dma semaphore(%arg14 : memref<!tpu.dma_semaphore, #tpu.memory_space<semaphore_mem>>) src(%dma_wait3A_132 : memref<10000x16xf32, #tpu.memory_space<hbm>>) dst(%dma_wait3A_126 : memref<80x16xf32, #tpu.memory_space<vmem>>)
    %dma_wait3A_133 = arith.constant 121 : i32
    %dma_wait3A_134 = arith.constant 80 : i32
    %dma_wait3A_135 = arith.constant 0 : i32
    %dma_wait3A_136 = tpu.memref_slice %arg11[%dma_wait3A_134, %dma_wait3A_135] : memref<400x16xf32, #tpu.memory_space<vmem>> -> memref<80x16xf32, #tpu.memory_space<vmem>>
    %dma_wait3A_137 = arith.constant 0 : i32
    %dma_wait3A_138 = tpu.memref_slice %arg9[%dma_wait3A_133, %dma_wait3A_137] : memref<125x80xi32, #tpu.memory_space<vmem>> -> memref<1x80xi32, #tpu.memory_space<vmem>>
    %dma_wait3A_139 = tpu.memref_squeeze %dma_wait3A_138 : memref<1x80xi32, #tpu.memory_space<vmem>> -> memref<80xi32, #tpu.memory_space<vmem>>
    %dma_wait3A_140 = arith.constant 0 : i32
    %dma_wait3A_141 = arith.constant 0 : i32
    %dma_wait3A_142 = tpu.memref_slice %arg3[%dma_wait3A_140, %dma_wait3A_141] : memref<10000x16xf32, #tpu.memory_space<hbm>> -> memref<10000x16xf32, #tpu.memory_space<hbm>>
    tpu.wait_indirect_dma semaphore(%arg14 : memref<!tpu.dma_semaphore, #tpu.memory_space<semaphore_mem>>) src(%dma_wait3A_142 : memref<10000x16xf32, #tpu.memory_space<hbm>>) dst(%dma_wait3A_136 : memref<80x16xf32, #tpu.memory_space<vmem>>)
    %dma_wait3A_143 = arith.constant 122 : i32
    %dma_wait3A_144 = arith.constant 160 : i32
    %dma_wait3A_145 = arith.constant 0 : i32
    %dma_wait3A_146 = tpu.memref_slice %arg10[%dma_wait3A_144, %dma_wait3A_145] : memref<400x16xf32, #tpu.memory_space<vmem>> -> memref<80x16xf32, #tpu.memory_space<vmem>>
    %dma_wait3A_147 = arith.constant 0 : i32
    %dma_wait3A_148 = tpu.memref_slice %arg8[%dma_wait3A_143, %dma_wait3A_147] : memref<125x80xi32, #tpu.memory_space<vmem>> -> memref<1x80xi32, #tpu.memory_space<vmem>>
    %dma_wait3A_149 = tpu.memref_squeeze %dma_wait3A_148 : memref<1x80xi32, #tpu.memory_space<vmem>> -> memref<80xi32, #tpu.memory_space<vmem>>
    %dma_wait3A_150 = arith.constant 0 : i32
    %dma_wait3A_151 = arith.constant 0 : i32
    %dma_wait3A_152 = tpu.memref_slice %arg2[%dma_wait3A_150, %dma_wait3A_151] : memref<10000x16xf32, #tpu.memory_space<hbm>> -> memref<10000x16xf32, #tpu.memory_space<hbm>>
    tpu.wait_indirect_dma semaphore(%arg14 : memref<!tpu.dma_semaphore, #tpu.memory_space<semaphore_mem>>) src(%dma_wait3A_152 : memref<10000x16xf32, #tpu.memory_space<hbm>>) dst(%dma_wait3A_146 : memref<80x16xf32, #tpu.memory_space<vmem>>)
    %dma_wait3A_153 = arith.constant 122 : i32
    %dma_wait3A_154 = arith.constant 160 : i32
    %dma_wait3A_155 = arith.constant 0 : i32
    %dma_wait3A_156 = tpu.memref_slice %arg11[%dma_wait3A_154, %dma_wait3A_155] : memref<400x16xf32, #tpu.memory_space<vmem>> -> memref<80x16xf32, #tpu.memory_space<vmem>>
    %dma_wait3A_157 = arith.constant 0 : i32
    %dma_wait3A_158 = tpu.memref_slice %arg9[%dma_wait3A_153, %dma_wait3A_157] : memref<125x80xi32, #tpu.memory_space<vmem>> -> memref<1x80xi32, #tpu.memory_space<vmem>>
    %dma_wait3A_159 = tpu.memref_squeeze %dma_wait3A_158 : memref<1x80xi32, #tpu.memory_space<vmem>> -> memref<80xi32, #tpu.memory_space<vmem>>
    %dma_wait3A_160 = arith.constant 0 : i32
    %dma_wait3A_161 = arith.constant 0 : i32
    %dma_wait3A_162 = tpu.memref_slice %arg3[%dma_wait3A_160, %dma_wait3A_161] : memref<10000x16xf32, #tpu.memory_space<hbm>> -> memref<10000x16xf32, #tpu.memory_space<hbm>>
    tpu.wait_indirect_dma semaphore(%arg14 : memref<!tpu.dma_semaphore, #tpu.memory_space<semaphore_mem>>) src(%dma_wait3A_162 : memref<10000x16xf32, #tpu.memory_space<hbm>>) dst(%dma_wait3A_156 : memref<80x16xf32, #tpu.memory_space<vmem>>)
    %dma_wait3A_163 = arith.constant 123 : i32
    %dma_wait3A_164 = arith.constant 240 : i32
    %dma_wait3A_165 = arith.constant 0 : i32
    %dma_wait3A_166 = tpu.memref_slice %arg10[%dma_wait3A_164, %dma_wait3A_165] : memref<400x16xf32, #tpu.memory_space<vmem>> -> memref<80x16xf32, #tpu.memory_space<vmem>>
    %dma_wait3A_167 = arith.constant 0 : i32
    %dma_wait3A_168 = tpu.memref_slice %arg8[%dma_wait3A_163, %dma_wait3A_167] : memref<125x80xi32, #tpu.memory_space<vmem>> -> memref<1x80xi32, #tpu.memory_space<vmem>>
    %dma_wait3A_169 = tpu.memref_squeeze %dma_wait3A_168 : memref<1x80xi32, #tpu.memory_space<vmem>> -> memref<80xi32, #tpu.memory_space<vmem>>
    %dma_wait3A_170 = arith.constant 0 : i32
    %dma_wait3A_171 = arith.constant 0 : i32
    %dma_wait3A_172 = tpu.memref_slice %arg2[%dma_wait3A_170, %dma_wait3A_171] : memref<10000x16xf32, #tpu.memory_space<hbm>> -> memref<10000x16xf32, #tpu.memory_space<hbm>>
    tpu.wait_indirect_dma semaphore(%arg14 : memref<!tpu.dma_semaphore, #tpu.memory_space<semaphore_mem>>) src(%dma_wait3A_172 : memref<10000x16xf32, #tpu.memory_space<hbm>>) dst(%dma_wait3A_166 : memref<80x16xf32, #tpu.memory_space<vmem>>)
    %dma_wait3A_173 = arith.constant 123 : i32
    %dma_wait3A_174 = arith.constant 240 : i32
    %dma_wait3A_175 = arith.constant 0 : i32
    %dma_wait3A_176 = tpu.memref_slice %arg11[%dma_wait3A_174, %dma_wait3A_175] : memref<400x16xf32, #tpu.memory_space<vmem>> -> memref<80x16xf32, #tpu.memory_space<vmem>>
    %dma_wait3A_177 = arith.constant 0 : i32
    %dma_wait3A_178 = tpu.memref_slice %arg9[%dma_wait3A_173, %dma_wait3A_177] : memref<125x80xi32, #tpu.memory_space<vmem>> -> memref<1x80xi32, #tpu.memory_space<vmem>>
    %dma_wait3A_179 = tpu.memref_squeeze %dma_wait3A_178 : memref<1x80xi32, #tpu.memory_space<vmem>> -> memref<80xi32, #tpu.memory_space<vmem>>
    %dma_wait3A_180 = arith.constant 0 : i32
    %dma_wait3A_181 = arith.constant 0 : i32
    %dma_wait3A_182 = tpu.memref_slice %arg3[%dma_wait3A_180, %dma_wait3A_181] : memref<10000x16xf32, #tpu.memory_space<hbm>> -> memref<10000x16xf32, #tpu.memory_space<hbm>>
    tpu.wait_indirect_dma semaphore(%arg14 : memref<!tpu.dma_semaphore, #tpu.memory_space<semaphore_mem>>) src(%dma_wait3A_182 : memref<10000x16xf32, #tpu.memory_space<hbm>>) dst(%dma_wait3A_176 : memref<80x16xf32, #tpu.memory_space<vmem>>)
    %dma_wait3A_183 = arith.constant 124 : i32
    %dma_wait3A_184 = arith.constant 320 : i32
    %dma_wait3A_185 = arith.constant 0 : i32
    %dma_wait3A_186 = tpu.memref_slice %arg10[%dma_wait3A_184, %dma_wait3A_185] : memref<400x16xf32, #tpu.memory_space<vmem>> -> memref<80x16xf32, #tpu.memory_space<vmem>>
    %dma_wait3A_187 = arith.constant 0 : i32
    %dma_wait3A_188 = tpu.memref_slice %arg8[%dma_wait3A_183, %dma_wait3A_187] : memref<125x80xi32, #tpu.memory_space<vmem>> -> memref<1x80xi32, #tpu.memory_space<vmem>>
    %dma_wait3A_189 = tpu.memref_squeeze %dma_wait3A_188 : memref<1x80xi32, #tpu.memory_space<vmem>> -> memref<80xi32, #tpu.memory_space<vmem>>
    %dma_wait3A_190 = arith.constant 0 : i32
    %dma_wait3A_191 = arith.constant 0 : i32
    %dma_wait3A_192 = tpu.memref_slice %arg2[%dma_wait3A_190, %dma_wait3A_191] : memref<10000x16xf32, #tpu.memory_space<hbm>> -> memref<10000x16xf32, #tpu.memory_space<hbm>>
    tpu.wait_indirect_dma semaphore(%arg14 : memref<!tpu.dma_semaphore, #tpu.memory_space<semaphore_mem>>) src(%dma_wait3A_192 : memref<10000x16xf32, #tpu.memory_space<hbm>>) dst(%dma_wait3A_186 : memref<80x16xf32, #tpu.memory_space<vmem>>)
    %dma_wait3A_193 = arith.constant 124 : i32
    %dma_wait3A_194 = arith.constant 320 : i32
    %dma_wait3A_195 = arith.constant 0 : i32
    %dma_wait3A_196 = tpu.memref_slice %arg11[%dma_wait3A_194, %dma_wait3A_195] : memref<400x16xf32, #tpu.memory_space<vmem>> -> memref<80x16xf32, #tpu.memory_space<vmem>>
    %dma_wait3A_197 = arith.constant 0 : i32
    %dma_wait3A_198 = tpu.memref_slice %arg9[%dma_wait3A_193, %dma_wait3A_197] : memref<125x80xi32, #tpu.memory_space<vmem>> -> memref<1x80xi32, #tpu.memory_space<vmem>>
    %dma_wait3A_199 = tpu.memref_squeeze %dma_wait3A_198 : memref<1x80xi32, #tpu.memory_space<vmem>> -> memref<80xi32, #tpu.memory_space<vmem>>
    %dma_wait3A_200 = arith.constant 0 : i32
    %dma_wait3A_201 = arith.constant 0 : i32
    %dma_wait3A_202 = tpu.memref_slice %arg3[%dma_wait3A_200, %dma_wait3A_201] : memref<10000x16xf32, #tpu.memory_space<hbm>> -> memref<10000x16xf32, #tpu.memory_space<hbm>>
    tpu.wait_indirect_dma semaphore(%arg14 : memref<!tpu.dma_semaphore, #tpu.memory_space<semaphore_mem>>) src(%dma_wait3A_202 : memref<10000x16xf32, #tpu.memory_space<hbm>>) dst(%dma_wait3A_196 : memref<80x16xf32, #tpu.memory_space<vmem>>)
    %mul3A_203 = arith.constant 10000 : i32
    %mul3A_204 = arith.muli %add3A, %mul3A_203 : i32
    %add3A_205 = arith.constant 9600 : i32
    %add3A_206 = arith.addi %mul3A_204, %add3A_205 : i32
    "tpu.region"() ({
      %run_scoped3A = tpu.sem_alloc : memref<!tpu.dma_semaphore, #tpu.memory_space<semaphore_mem>>
      %dma_start3A_207 = arith.constant 0 : i32
      %dma_start3A_208 = tpu.memref_slice %arg6[%add3A_206, %dma_start3A_207] : memref<320000x16xf32, #tpu.memory_space<hbm>> -> memref<400x16xf32, #tpu.memory_space<hbm>>
      %dma_start3A_209 = arith.constant 0 : i32
      %dma_start3A_210 = tpu.memref_slice %arg6[%add3A_206, %dma_start3A_209] : memref<320000x16xf32, #tpu.memory_space<hbm>> -> memref<400x16xf32, #tpu.memory_space<hbm>>
      tpu.enqueue_dma source(%arg10 : memref<400x16xf32, #tpu.memory_space<vmem>>) target(%dma_start3A_210 : memref<400x16xf32, #tpu.memory_space<hbm>>) target_semaphore(%run_scoped3A : memref<!tpu.dma_semaphore, #tpu.memory_space<semaphore_mem>>)
      %dma_wait3A_211 = arith.constant 0 : i32
      %dma_wait3A_212 = tpu.memref_slice %arg6[%add3A_206, %dma_wait3A_211] : memref<320000x16xf32, #tpu.memory_space<hbm>> -> memref<400x16xf32, #tpu.memory_space<hbm>>
      %dma_wait3A_213 = arith.constant 0 : i32
      %dma_wait3A_214 = tpu.memref_slice %arg6[%add3A_206, %dma_wait3A_213] : memref<320000x16xf32, #tpu.memory_space<hbm>> -> memref<400x16xf32, #tpu.memory_space<hbm>>
      tpu.wait_dma2 semaphore(%run_scoped3A : memref<!tpu.dma_semaphore, #tpu.memory_space<semaphore_mem>>) src(%arg10 : memref<400x16xf32, #tpu.memory_space<vmem>>) dst(%dma_wait3A_214 : memref<400x16xf32, #tpu.memory_space<hbm>>)
      tpu.yield
    }) : () -> ()
    "tpu.region"() ({
      %run_scoped3A = tpu.sem_alloc : memref<!tpu.dma_semaphore, #tpu.memory_space<semaphore_mem>>
      %dma_start3A_207 = arith.constant 0 : i32
      %dma_start3A_208 = tpu.memref_slice %arg7[%add3A_206, %dma_start3A_207] : memref<320000x16xf32, #tpu.memory_space<hbm>> -> memref<400x16xf32, #tpu.memory_space<hbm>>
      %dma_start3A_209 = arith.constant 0 : i32
      %dma_start3A_210 = tpu.memref_slice %arg7[%add3A_206, %dma_start3A_209] : memref<320000x16xf32, #tpu.memory_space<hbm>> -> memref<400x16xf32, #tpu.memory_space<hbm>>
      tpu.enqueue_dma source(%arg11 : memref<400x16xf32, #tpu.memory_space<vmem>>) target(%dma_start3A_210 : memref<400x16xf32, #tpu.memory_space<hbm>>) target_semaphore(%run_scoped3A : memref<!tpu.dma_semaphore, #tpu.memory_space<semaphore_mem>>)
      %dma_wait3A_211 = arith.constant 0 : i32
      %dma_wait3A_212 = tpu.memref_slice %arg7[%add3A_206, %dma_wait3A_211] : memref<320000x16xf32, #tpu.memory_space<hbm>> -> memref<400x16xf32, #tpu.memory_space<hbm>>
      %dma_wait3A_213 = arith.constant 0 : i32
      %dma_wait3A_214 = tpu.memref_slice %arg7[%add3A_206, %dma_wait3A_213] : memref<320000x16xf32, #tpu.memory_space<hbm>> -> memref<400x16xf32, #tpu.memory_space<hbm>>
      tpu.wait_dma2 semaphore(%run_scoped3A : memref<!tpu.dma_semaphore, #tpu.memory_space<semaphore_mem>>) src(%arg11 : memref<400x16xf32, #tpu.memory_space<vmem>>) dst(%dma_wait3A_214 : memref<400x16xf32, #tpu.memory_space<hbm>>)
      tpu.yield
    }) : () -> ()
    return
  }
}

#map = affine_map<(d0, d1) -> (0, 0)>
#map1 = affine_map<(d0, d1) -> (0, 0, 0)>
module attributes {stable_mosaic.version = 14 : i64} {
  func.func @_sc_scatter_body(%arg0: i32, %arg1: i32, %arg2: memref<320000x16xf32, #tpu.memory_space<hbm>>, %arg3: memref<32x125x80xi32, #tpu.memory_space<hbm>>, %arg4: memref<10000x16xf32, #tpu.memory_space<hbm>>, %arg5: memref<2x10000x16xf32, #tpu.memory_space<hbm>>, %arg6: memref<32x10000xf32, #tpu.memory_space<hbm>>, %arg7: memref<125x80xi32, #tpu.memory_space<vmem>>, %arg8: memref<400x16xf32, #tpu.memory_space<vmem>>, %arg9: memref<400x16xf32, #tpu.memory_space<vmem>>, %arg10: memref<10000xf32, #tpu.memory_space<vmem>>, %arg11: memref<10000x16xf32, #tpu.memory_space<vmem_shared>>, %arg12: memref<!tpu.dma_semaphore, #tpu.memory_space<semaphore_mem>>, %arg13: memref<!tpu.dma_semaphore, #tpu.memory_space<semaphore_mem>>, %arg14: memref<!tpu.dma_semaphore, #tpu.memory_space<semaphore_mem>>, %arg15: memref<!tpu.dma_semaphore, #tpu.memory_space<semaphore_mem>>) attributes {dimension_semantics = [#tpu.dimension_semantics<core_parallel>, #tpu.dimension_semantics<subcore_parallel>], iteration_bounds = array<i64: 2, 16>, scalar_prefetch = 0 : i64, scratch_operands = 9 : i64, tpu.core_type = #tpu.core_type<sc_vector_subcore>, window_params = [{transform_indices = #map}, {transform_indices = #map1}, {transform_indices = #map}, {transform_indices = #map1}, {transform_indices = #map}]} {
    %mul3A = arith.constant 2 : i32
    %mul3A_0 = arith.muli %arg1, %mul3A : i32
    %add3A = arith.addi %mul3A_0, %arg0 : i32
    %broadcast_in_dim3A = arith.constant 0.000000e+00 : f32
    %broadcast_in_dim3A_1 = vector.broadcast %broadcast_in_dim3A : f32 to vector<16xf32>
    %broadcast_in_dim3A_2 = arith.constant 1.000000e+00 : f32
    %broadcast_in_dim3A_3 = vector.broadcast %broadcast_in_dim3A_2 : f32 to vector<16xf32>
    %eq3A = arith.constant 0 : i32
    %eq3A_4 = arith.cmpi eq, %arg1, %eq3A : i32
    %convert_element_type3A = arith.extui %eq3A_4 : i1 to i32
    %cond3A = arith.constant 0 : i32
    %cond3A_5 = arith.cmpi ne, %convert_element_type3A, %cond3A : i32
    scf.if %cond3A_5 {
      "tpu.region"() ({
        %run_scoped3A = tpu.sem_alloc : memref<!tpu.dma_semaphore, #tpu.memory_space<semaphore_mem>>
        tpu.enqueue_dma source(%arg4 : memref<10000x16xf32, #tpu.memory_space<hbm>>) target(%arg11 : memref<10000x16xf32, #tpu.memory_space<vmem_shared>>) target_semaphore(%run_scoped3A : memref<!tpu.dma_semaphore, #tpu.memory_space<semaphore_mem>>)
        tpu.wait_dma2 semaphore(%run_scoped3A : memref<!tpu.dma_semaphore, #tpu.memory_space<semaphore_mem>>) src(%arg4 : memref<10000x16xf32, #tpu.memory_space<hbm>>) dst(%arg11 : memref<10000x16xf32, #tpu.memory_space<vmem_shared>>)
        tpu.yield
      }) : () -> ()
    } else {
    }
    "tpu.region"() ({
      %run_scoped3A = tpu.sem_alloc : memref<!tpu.dma_semaphore, #tpu.memory_space<semaphore_mem>>
      %dma_start3A_128 = arith.constant 0 : i32
      %dma_start3A_129 = arith.constant 0 : i32
      %dma_start3A_130 = tpu.memref_slice %arg3[%add3A, %dma_start3A_128, %dma_start3A_129] : memref<32x125x80xi32, #tpu.memory_space<hbm>> -> memref<1x125x80xi32, #tpu.memory_space<hbm>>
      %dma_start3A_131 = tpu.memref_squeeze %dma_start3A_130 : memref<1x125x80xi32, #tpu.memory_space<hbm>> -> memref<125x80xi32, #tpu.memory_space<hbm>>
      %dma_start3A_132 = arith.constant 0 : i32
      %dma_start3A_133 = arith.constant 0 : i32
      %dma_start3A_134 = tpu.memref_slice %arg3[%add3A, %dma_start3A_132, %dma_start3A_133] : memref<32x125x80xi32, #tpu.memory_space<hbm>> -> memref<1x125x80xi32, #tpu.memory_space<hbm>>
      %dma_start3A_135 = tpu.memref_squeeze %dma_start3A_134 : memref<1x125x80xi32, #tpu.memory_space<hbm>> -> memref<125x80xi32, #tpu.memory_space<hbm>>
      tpu.enqueue_dma source(%dma_start3A_135 : memref<125x80xi32, #tpu.memory_space<hbm>>) target(%arg7 : memref<125x80xi32, #tpu.memory_space<vmem>>) target_semaphore(%run_scoped3A : memref<!tpu.dma_semaphore, #tpu.memory_space<semaphore_mem>>)
      %dma_wait3A_136 = arith.constant 0 : i32
      %dma_wait3A_137 = arith.constant 0 : i32
      %dma_wait3A_138 = tpu.memref_slice %arg3[%add3A, %dma_wait3A_136, %dma_wait3A_137] : memref<32x125x80xi32, #tpu.memory_space<hbm>> -> memref<1x125x80xi32, #tpu.memory_space<hbm>>
      %dma_wait3A_139 = tpu.memref_squeeze %dma_wait3A_138 : memref<1x125x80xi32, #tpu.memory_space<hbm>> -> memref<125x80xi32, #tpu.memory_space<hbm>>
      %dma_wait3A_140 = arith.constant 0 : i32
      %dma_wait3A_141 = arith.constant 0 : i32
      %dma_wait3A_142 = tpu.memref_slice %arg3[%add3A, %dma_wait3A_140, %dma_wait3A_141] : memref<32x125x80xi32, #tpu.memory_space<hbm>> -> memref<1x125x80xi32, #tpu.memory_space<hbm>>
      %dma_wait3A_143 = tpu.memref_squeeze %dma_wait3A_142 : memref<1x125x80xi32, #tpu.memory_space<hbm>> -> memref<125x80xi32, #tpu.memory_space<hbm>>
      tpu.wait_dma2 semaphore(%run_scoped3A : memref<!tpu.dma_semaphore, #tpu.memory_space<semaphore_mem>>) src(%dma_wait3A_143 : memref<125x80xi32, #tpu.memory_space<hbm>>) dst(%arg7 : memref<125x80xi32, #tpu.memory_space<vmem>>)
      tpu.yield
    }) : () -> ()
    %scan3A = arith.constant 0 : i32
    %scan3A_6 = arith.constant 157 : i32
    %scan3A_7 = arith.addi %scan3A, %scan3A_6 : i32
    %scan3A_8 = arith.constant 1 : i32
    scf.for %scan3A_128 = %scan3A to %scan3A_7 step %scan3A_8  : i32 {
      %mul3A_129 = arith.constant 64 : i32
      %mul3A_130 = arith.muli %scan3A_128, %mul3A_129 : i32
      %add3A_131 = arith.constant 0 : i32
      %add3A_132 = arith.addi %add3A_131, %mul3A_130 : i32
      %add3A_133 = arith.constant 0 : i32
      %add3A_134 = arith.addi %add3A_132, %add3A_133 : i32
      %swap3A = arith.index_cast %add3A_134 : i32 to index
      %swap3A_135 = tpu.vector_load %arg10[%swap3A] {strides = array<i32>} : memref<10000xf32, #tpu.memory_space<vmem>>, vector<16xf32>,
      tpu.vector_store %arg10[%swap3A], %broadcast_in_dim3A_1 {strides = array<i32>} : memref<10000xf32, #tpu.memory_space<vmem>>, vector<16xf32>,
      %add3A_136 = arith.constant 16 : i32
      %add3A_137 = arith.addi %add3A_132, %add3A_136 : i32
      %swap3A_138 = arith.index_cast %add3A_137 : i32 to index
      %swap3A_139 = tpu.vector_load %arg10[%swap3A_138] {strides = array<i32>} : memref<10000xf32, #tpu.memory_space<vmem>>, vector<16xf32>,
      tpu.vector_store %arg10[%swap3A_138], %broadcast_in_dim3A_1 {strides = array<i32>} : memref<10000xf32, #tpu.memory_space<vmem>>, vector<16xf32>,
      %add3A_140 = arith.constant 32 : i32
      %add3A_141 = arith.addi %add3A_132, %add3A_140 : i32
      %swap3A_142 = arith.index_cast %add3A_141 : i32 to index
      %swap3A_143 = tpu.vector_load %arg10[%swap3A_142] {strides = array<i32>} : memref<10000xf32, #tpu.memory_space<vmem>>, vector<16xf32>,
      tpu.vector_store %arg10[%swap3A_142], %broadcast_in_dim3A_1 {strides = array<i32>} : memref<10000xf32, #tpu.memory_space<vmem>>, vector<16xf32>,
      %add3A_144 = arith.constant 48 : i32
      %add3A_145 = arith.addi %add3A_132, %add3A_144 : i32
      %swap3A_146 = arith.index_cast %add3A_145 : i32 to index
      %swap3A_147 = tpu.vector_load %arg10[%swap3A_146] {strides = array<i32>} : memref<10000xf32, #tpu.memory_space<vmem>>, vector<16xf32>,
      tpu.vector_store %arg10[%swap3A_146], %broadcast_in_dim3A_1 {strides = array<i32>} : memref<10000xf32, #tpu.memory_space<vmem>>, vector<16xf32>,
    }
    %scan3A_9 = arith.constant 157 : i32
    %barrier3A = arith.constant 0 : index
    tpu.barrier barrier_id(%barrier3A)
    %scan3A_10 = arith.constant 0 : i32
    %scan3A_11 = arith.constant 12 : i32
    %scan3A_12 = arith.addi %scan3A_10, %scan3A_11 : i32
    %scan3A_13 = arith.constant 1 : i32
    scf.for %scan3A_128 = %scan3A_10 to %scan3A_12 step %scan3A_13  : i32 {
      %mul3A_129 = arith.constant 10 : i32
      %mul3A_130 = arith.muli %scan3A_128, %mul3A_129 : i32
      %add3A_131 = arith.constant 0 : i32
      %add3A_132 = arith.addi %add3A_131, %mul3A_130 : i32
      %mul3A_133 = arith.constant 10000 : i32
      %mul3A_134 = arith.muli %add3A, %mul3A_133 : i32
      %mul3A_135 = arith.constant 80 : i32
      %mul3A_136 = arith.muli %add3A_132, %mul3A_135 : i32
      %add3A_137 = arith.addi %mul3A_134, %mul3A_136 : i32
      %dma_start3A_138 = arith.constant 0 : i32
      %dma_start3A_139 = tpu.memref_slice %arg2[%add3A_137, %dma_start3A_138] : memref<320000x16xf32, #tpu.memory_space<hbm>> -> memref<400x16xf32, #tpu.memory_space<hbm>>
      %dma_start3A_140 = arith.constant 0 : i32
      %dma_start3A_141 = tpu.memref_slice %arg2[%add3A_137, %dma_start3A_140] : memref<320000x16xf32, #tpu.memory_space<hbm>> -> memref<400x16xf32, #tpu.memory_space<hbm>>
      tpu.enqueue_dma source(%dma_start3A_141 : memref<400x16xf32, #tpu.memory_space<hbm>>) target(%arg8 : memref<400x16xf32, #tpu.memory_space<vmem>>) target_semaphore(%arg12 : memref<!tpu.dma_semaphore, #tpu.memory_space<semaphore_mem>>)
      %add3A_142 = arith.constant 400 : i32
      %add3A_143 = arith.addi %add3A_137, %add3A_142 : i32
      %dma_start3A_144 = arith.constant 0 : i32
      %dma_start3A_145 = tpu.memref_slice %arg2[%add3A_143, %dma_start3A_144] : memref<320000x16xf32, #tpu.memory_space<hbm>> -> memref<400x16xf32, #tpu.memory_space<hbm>>
      %dma_start3A_146 = arith.constant 0 : i32
      %dma_start3A_147 = tpu.memref_slice %arg2[%add3A_143, %dma_start3A_146] : memref<320000x16xf32, #tpu.memory_space<hbm>> -> memref<400x16xf32, #tpu.memory_space<hbm>>
      tpu.enqueue_dma source(%dma_start3A_147 : memref<400x16xf32, #tpu.memory_space<hbm>>) target(%arg9 : memref<400x16xf32, #tpu.memory_space<vmem>>) target_semaphore(%arg13 : memref<!tpu.dma_semaphore, #tpu.memory_space<semaphore_mem>>)
      %dma_wait3A_148 = arith.constant 0 : i32
      %dma_wait3A_149 = tpu.memref_slice %arg2[%add3A_137, %dma_wait3A_148] : memref<320000x16xf32, #tpu.memory_space<hbm>> -> memref<400x16xf32, #tpu.memory_space<hbm>>
      %dma_wait3A_150 = arith.constant 0 : i32
      %dma_wait3A_151 = tpu.memref_slice %arg2[%add3A_137, %dma_wait3A_150] : memref<320000x16xf32, #tpu.memory_space<hbm>> -> memref<400x16xf32, #tpu.memory_space<hbm>>
      tpu.wait_dma2 semaphore(%arg12 : memref<!tpu.dma_semaphore, #tpu.memory_space<semaphore_mem>>) src(%dma_wait3A_151 : memref<400x16xf32, #tpu.memory_space<hbm>>) dst(%arg8 : memref<400x16xf32, #tpu.memory_space<vmem>>)
      %add3A_152 = arith.constant 0 : i32
      %add3A_153 = arith.addi %add3A_132, %add3A_152 : i32
      %dma_start3A_154 = arith.constant 0 : i32
      %dma_start3A_155 = arith.constant 0 : i32
      %dma_start3A_156 = tpu.memref_slice %arg8[%dma_start3A_154, %dma_start3A_155] : memref<400x16xf32, #tpu.memory_space<vmem>> -> memref<80x16xf32, #tpu.memory_space<vmem>>
      %dma_start3A_157 = arith.constant 0 : i32
      %dma_start3A_158 = tpu.memref_slice %arg7[%add3A_153, %dma_start3A_157] : memref<125x80xi32, #tpu.memory_space<vmem>> -> memref<1x80xi32, #tpu.memory_space<vmem>>
      %dma_start3A_159 = tpu.memref_squeeze %dma_start3A_158 : memref<1x80xi32, #tpu.memory_space<vmem>> -> memref<80xi32, #tpu.memory_space<vmem>>
      %dma_start3A_160 = arith.constant 0 : i32
      %dma_start3A_161 = arith.constant 0 : i32
      %dma_start3A_162 = tpu.memref_slice %arg11[%dma_start3A_160, %dma_start3A_161] : memref<10000x16xf32, #tpu.memory_space<vmem_shared>> -> memref<10000x16xf32, #tpu.memory_space<vmem_shared>>
      tpu.enqueue_indirect_dma source(%dma_start3A_156 : memref<80x16xf32, #tpu.memory_space<vmem>>) target(%dma_start3A_162 : memref<10000x16xf32, #tpu.memory_space<vmem_shared>>) offsets(%dma_start3A_159 : memref<80xi32, #tpu.memory_space<vmem>>) semaphore(%arg14 : memref<!tpu.dma_semaphore, #tpu.memory_space<semaphore_mem>>) {add = true}
      %add3A_163 = arith.constant 1 : i32
      %add3A_164 = arith.addi %add3A_132, %add3A_163 : i32
      %dma_start3A_165 = arith.constant 80 : i32
      %dma_start3A_166 = arith.constant 0 : i32
      %dma_start3A_167 = tpu.memref_slice %arg8[%dma_start3A_165, %dma_start3A_166] : memref<400x16xf32, #tpu.memory_space<vmem>> -> memref<80x16xf32, #tpu.memory_space<vmem>>
      %dma_start3A_168 = arith.constant 0 : i32
      %dma_start3A_169 = tpu.memref_slice %arg7[%add3A_164, %dma_start3A_168] : memref<125x80xi32, #tpu.memory_space<vmem>> -> memref<1x80xi32, #tpu.memory_space<vmem>>
      %dma_start3A_170 = tpu.memref_squeeze %dma_start3A_169 : memref<1x80xi32, #tpu.memory_space<vmem>> -> memref<80xi32, #tpu.memory_space<vmem>>
      %dma_start3A_171 = arith.constant 0 : i32
      %dma_start3A_172 = arith.constant 0 : i32
      %dma_start3A_173 = tpu.memref_slice %arg11[%dma_start3A_171, %dma_start3A_172] : memref<10000x16xf32, #tpu.memory_space<vmem_shared>> -> memref<10000x16xf32, #tpu.memory_space<vmem_shared>>
      tpu.enqueue_indirect_dma source(%dma_start3A_167 : memref<80x16xf32, #tpu.memory_space<vmem>>) target(%dma_start3A_173 : memref<10000x16xf32, #tpu.memory_space<vmem_shared>>) offsets(%dma_start3A_170 : memref<80xi32, #tpu.memory_space<vmem>>) semaphore(%arg14 : memref<!tpu.dma_semaphore, #tpu.memory_space<semaphore_mem>>) {add = true}
      %add3A_174 = arith.constant 2 : i32
      %add3A_175 = arith.addi %add3A_132, %add3A_174 : i32
      %dma_start3A_176 = arith.constant 160 : i32
      %dma_start3A_177 = arith.constant 0 : i32
      %dma_start3A_178 = tpu.memref_slice %arg8[%dma_start3A_176, %dma_start3A_177] : memref<400x16xf32, #tpu.memory_space<vmem>> -> memref<80x16xf32, #tpu.memory_space<vmem>>
      %dma_start3A_179 = arith.constant 0 : i32
      %dma_start3A_180 = tpu.memref_slice %arg7[%add3A_175, %dma_start3A_179] : memref<125x80xi32, #tpu.memory_space<vmem>> -> memref<1x80xi32, #tpu.memory_space<vmem>>
      %dma_start3A_181 = tpu.memref_squeeze %dma_start3A_180 : memref<1x80xi32, #tpu.memory_space<vmem>> -> memref<80xi32, #tpu.memory_space<vmem>>
      %dma_start3A_182 = arith.constant 0 : i32
      %dma_start3A_183 = arith.constant 0 : i32
      %dma_start3A_184 = tpu.memref_slice %arg11[%dma_start3A_182, %dma_start3A_183] : memref<10000x16xf32, #tpu.memory_space<vmem_shared>> -> memref<10000x16xf32, #tpu.memory_space<vmem_shared>>
      tpu.enqueue_indirect_dma source(%dma_start3A_178 : memref<80x16xf32, #tpu.memory_space<vmem>>) target(%dma_start3A_184 : memref<10000x16xf32, #tpu.memory_space<vmem_shared>>) offsets(%dma_start3A_181 : memref<80xi32, #tpu.memory_space<vmem>>) semaphore(%arg14 : memref<!tpu.dma_semaphore, #tpu.memory_space<semaphore_mem>>) {add = true}
      %add3A_185 = arith.constant 3 : i32
      %add3A_186 = arith.addi %add3A_132, %add3A_185 : i32
      %dma_start3A_187 = arith.constant 240 : i32
      %dma_start3A_188 = arith.constant 0 : i32
      %dma_start3A_189 = tpu.memref_slice %arg8[%dma_start3A_187, %dma_start3A_188] : memref<400x16xf32, #tpu.memory_space<vmem>> -> memref<80x16xf32, #tpu.memory_space<vmem>>
      %dma_start3A_190 = arith.constant 0 : i32
      %dma_start3A_191 = tpu.memref_slice %arg7[%add3A_186, %dma_start3A_190] : memref<125x80xi32, #tpu.memory_space<vmem>> -> memref<1x80xi32, #tpu.memory_space<vmem>>
      %dma_start3A_192 = tpu.memref_squeeze %dma_start3A_191 : memref<1x80xi32, #tpu.memory_space<vmem>> -> memref<80xi32, #tpu.memory_space<vmem>>
      %dma_start3A_193 = arith.constant 0 : i32
      %dma_start3A_194 = arith.constant 0 : i32
      %dma_start3A_195 = tpu.memref_slice %arg11[%dma_start3A_193, %dma_start3A_194] : memref<10000x16xf32, #tpu.memory_space<vmem_shared>> -> memref<10000x16xf32, #tpu.memory_space<vmem_shared>>
      tpu.enqueue_indirect_dma source(%dma_start3A_189 : memref<80x16xf32, #tpu.memory_space<vmem>>) target(%dma_start3A_195 : memref<10000x16xf32, #tpu.memory_space<vmem_shared>>) offsets(%dma_start3A_192 : memref<80xi32, #tpu.memory_space<vmem>>) semaphore(%arg14 : memref<!tpu.dma_semaphore, #tpu.memory_space<semaphore_mem>>) {add = true}
      %add3A_196 = arith.constant 4 : i32
      %add3A_197 = arith.addi %add3A_132, %add3A_196 : i32
      %dma_start3A_198 = arith.constant 320 : i32
      %dma_start3A_199 = arith.constant 0 : i32
      %dma_start3A_200 = tpu.memref_slice %arg8[%dma_start3A_198, %dma_start3A_199] : memref<400x16xf32, #tpu.memory_space<vmem>> -> memref<80x16xf32, #tpu.memory_space<vmem>>
      %dma_start3A_201 = arith.constant 0 : i32
      %dma_start3A_202 = tpu.memref_slice %arg7[%add3A_197, %dma_start3A_201] : memref<125x80xi32, #tpu.memory_space<vmem>> -> memref<1x80xi32, #tpu.memory_space<vmem>>
      %dma_start3A_203 = tpu.memref_squeeze %dma_start3A_202 : memref<1x80xi32, #tpu.memory_space<vmem>> -> memref<80xi32, #tpu.memory_space<vmem>>
      %dma_start3A_204 = arith.constant 0 : i32
      %dma_start3A_205 = arith.constant 0 : i32
      %dma_start3A_206 = tpu.memref_slice %arg11[%dma_start3A_204, %dma_start3A_205] : memref<10000x16xf32, #tpu.memory_space<vmem_shared>> -> memref<10000x16xf32, #tpu.memory_space<vmem_shared>>
      tpu.enqueue_indirect_dma source(%dma_start3A_200 : memref<80x16xf32, #tpu.memory_space<vmem>>) target(%dma_start3A_206 : memref<10000x16xf32, #tpu.memory_space<vmem_shared>>) offsets(%dma_start3A_203 : memref<80xi32, #tpu.memory_space<vmem>>) semaphore(%arg14 : memref<!tpu.dma_semaphore, #tpu.memory_space<semaphore_mem>>) {add = true}
      %dma_wait3A_207 = arith.constant 0 : i32
      %dma_wait3A_208 = tpu.memref_slice %arg2[%add3A_143, %dma_wait3A_207] : memref<320000x16xf32, #tpu.memory_space<hbm>> -> memref<400x16xf32, #tpu.memory_space<hbm>>
      %dma_wait3A_209 = arith.constant 0 : i32
      %dma_wait3A_210 = tpu.memref_slice %arg2[%add3A_143, %dma_wait3A_209] : memref<320000x16xf32, #tpu.memory_space<hbm>> -> memref<400x16xf32, #tpu.memory_space<hbm>>
      tpu.wait_dma2 semaphore(%arg13 : memref<!tpu.dma_semaphore, #tpu.memory_space<semaphore_mem>>) src(%dma_wait3A_210 : memref<400x16xf32, #tpu.memory_space<hbm>>) dst(%arg9 : memref<400x16xf32, #tpu.memory_space<vmem>>)
      %add3A_211 = arith.constant 5 : i32
      %add3A_212 = arith.addi %add3A_132, %add3A_211 : i32
      %add3A_213 = arith.constant 0 : i32
      %add3A_214 = arith.addi %add3A_212, %add3A_213 : i32
      %dma_start3A_215 = arith.constant 0 : i32
      %dma_start3A_216 = arith.constant 0 : i32
      %dma_start3A_217 = tpu.memref_slice %arg9[%dma_start3A_215, %dma_start3A_216] : memref<400x16xf32, #tpu.memory_space<vmem>> -> memref<80x16xf32, #tpu.memory_space<vmem>>
      %dma_start3A_218 = arith.constant 0 : i32
      %dma_start3A_219 = tpu.memref_slice %arg7[%add3A_214, %dma_start3A_218] : memref<125x80xi32, #tpu.memory_space<vmem>> -> memref<1x80xi32, #tpu.memory_space<vmem>>
      %dma_start3A_220 = tpu.memref_squeeze %dma_start3A_219 : memref<1x80xi32, #tpu.memory_space<vmem>> -> memref<80xi32, #tpu.memory_space<vmem>>
      %dma_start3A_221 = arith.constant 0 : i32
      %dma_start3A_222 = arith.constant 0 : i32
      %dma_start3A_223 = tpu.memref_slice %arg11[%dma_start3A_221, %dma_start3A_222] : memref<10000x16xf32, #tpu.memory_space<vmem_shared>> -> memref<10000x16xf32, #tpu.memory_space<vmem_shared>>
      tpu.enqueue_indirect_dma source(%dma_start3A_217 : memref<80x16xf32, #tpu.memory_space<vmem>>) target(%dma_start3A_223 : memref<10000x16xf32, #tpu.memory_space<vmem_shared>>) offsets(%dma_start3A_220 : memref<80xi32, #tpu.memory_space<vmem>>) semaphore(%arg15 : memref<!tpu.dma_semaphore, #tpu.memory_space<semaphore_mem>>) {add = true}
      %add3A_224 = arith.constant 1 : i32
      %add3A_225 = arith.addi %add3A_212, %add3A_224 : i32
      %dma_start3A_226 = arith.constant 80 : i32
      %dma_start3A_227 = arith.constant 0 : i32
      %dma_start3A_228 = tpu.memref_slice %arg9[%dma_start3A_226, %dma_start3A_227] : memref<400x16xf32, #tpu.memory_space<vmem>> -> memref<80x16xf32, #tpu.memory_space<vmem>>
      %dma_start3A_229 = arith.constant 0 : i32
      %dma_start3A_230 = tpu.memref_slice %arg7[%add3A_225, %dma_start3A_229] : memref<125x80xi32, #tpu.memory_space<vmem>> -> memref<1x80xi32, #tpu.memory_space<vmem>>
      %dma_start3A_231 = tpu.memref_squeeze %dma_start3A_230 : memref<1x80xi32, #tpu.memory_space<vmem>> -> memref<80xi32, #tpu.memory_space<vmem>>
      %dma_start3A_232 = arith.constant 0 : i32
      %dma_start3A_233 = arith.constant 0 : i32
      %dma_start3A_234 = tpu.memref_slice %arg11[%dma_start3A_232, %dma_start3A_233] : memref<10000x16xf32, #tpu.memory_space<vmem_shared>> -> memref<10000x16xf32, #tpu.memory_space<vmem_shared>>
      tpu.enqueue_indirect_dma source(%dma_start3A_228 : memref<80x16xf32, #tpu.memory_space<vmem>>) target(%dma_start3A_234 : memref<10000x16xf32, #tpu.memory_space<vmem_shared>>) offsets(%dma_start3A_231 : memref<80xi32, #tpu.memory_space<vmem>>) semaphore(%arg15 : memref<!tpu.dma_semaphore, #tpu.memory_space<semaphore_mem>>) {add = true}
      %add3A_235 = arith.constant 2 : i32
      %add3A_236 = arith.addi %add3A_212, %add3A_235 : i32
      %dma_start3A_237 = arith.constant 160 : i32
      %dma_start3A_238 = arith.constant 0 : i32
      %dma_start3A_239 = tpu.memref_slice %arg9[%dma_start3A_237, %dma_start3A_238] : memref<400x16xf32, #tpu.memory_space<vmem>> -> memref<80x16xf32, #tpu.memory_space<vmem>>
      %dma_start3A_240 = arith.constant 0 : i32
      %dma_start3A_241 = tpu.memref_slice %arg7[%add3A_236, %dma_start3A_240] : memref<125x80xi32, #tpu.memory_space<vmem>> -> memref<1x80xi32, #tpu.memory_space<vmem>>
      %dma_start3A_242 = tpu.memref_squeeze %dma_start3A_241 : memref<1x80xi32, #tpu.memory_space<vmem>> -> memref<80xi32, #tpu.memory_space<vmem>>
      %dma_start3A_243 = arith.constant 0 : i32
      %dma_start3A_244 = arith.constant 0 : i32
      %dma_start3A_245 = tpu.memref_slice %arg11[%dma_start3A_243, %dma_start3A_244] : memref<10000x16xf32, #tpu.memory_space<vmem_shared>> -> memref<10000x16xf32, #tpu.memory_space<vmem_shared>>
      tpu.enqueue_indirect_dma source(%dma_start3A_239 : memref<80x16xf32, #tpu.memory_space<vmem>>) target(%dma_start3A_245 : memref<10000x16xf32, #tpu.memory_space<vmem_shared>>) offsets(%dma_start3A_242 : memref<80xi32, #tpu.memory_space<vmem>>) semaphore(%arg15 : memref<!tpu.dma_semaphore, #tpu.memory_space<semaphore_mem>>) {add = true}
      %add3A_246 = arith.constant 3 : i32
      %add3A_247 = arith.addi %add3A_212, %add3A_246 : i32
      %dma_start3A_248 = arith.constant 240 : i32
      %dma_start3A_249 = arith.constant 0 : i32
      %dma_start3A_250 = tpu.memref_slice %arg9[%dma_start3A_248, %dma_start3A_249] : memref<400x16xf32, #tpu.memory_space<vmem>> -> memref<80x16xf32, #tpu.memory_space<vmem>>
      %dma_start3A_251 = arith.constant 0 : i32
      %dma_start3A_252 = tpu.memref_slice %arg7[%add3A_247, %dma_start3A_251] : memref<125x80xi32, #tpu.memory_space<vmem>> -> memref<1x80xi32, #tpu.memory_space<vmem>>
      %dma_start3A_253 = tpu.memref_squeeze %dma_start3A_252 : memref<1x80xi32, #tpu.memory_space<vmem>> -> memref<80xi32, #tpu.memory_space<vmem>>
      %dma_start3A_254 = arith.constant 0 : i32
      %dma_start3A_255 = arith.constant 0 : i32
      %dma_start3A_256 = tpu.memref_slice %arg11[%dma_start3A_254, %dma_start3A_255] : memref<10000x16xf32, #tpu.memory_space<vmem_shared>> -> memref<10000x16xf32, #tpu.memory_space<vmem_shared>>
      tpu.enqueue_indirect_dma source(%dma_start3A_250 : memref<80x16xf32, #tpu.memory_space<vmem>>) target(%dma_start3A_256 : memref<10000x16xf32, #tpu.memory_space<vmem_shared>>) offsets(%dma_start3A_253 : memref<80xi32, #tpu.memory_space<vmem>>) semaphore(%arg15 : memref<!tpu.dma_semaphore, #tpu.memory_space<semaphore_mem>>) {add = true}
      %add3A_257 = arith.constant 4 : i32
      %add3A_258 = arith.addi %add3A_212, %add3A_257 : i32
      %dma_start3A_259 = arith.constant 320 : i32
      %dma_start3A_260 = arith.constant 0 : i32
      %dma_start3A_261 = tpu.memref_slice %arg9[%dma_start3A_259, %dma_start3A_260] : memref<400x16xf32, #tpu.memory_space<vmem>> -> memref<80x16xf32, #tpu.memory_space<vmem>>
      %dma_start3A_262 = arith.constant 0 : i32
      %dma_start3A_263 = tpu.memref_slice %arg7[%add3A_258, %dma_start3A_262] : memref<125x80xi32, #tpu.memory_space<vmem>> -> memref<1x80xi32, #tpu.memory_space<vmem>>
      %dma_start3A_264 = tpu.memref_squeeze %dma_start3A_263 : memref<1x80xi32, #tpu.memory_space<vmem>> -> memref<80xi32, #tpu.memory_space<vmem>>
      %dma_start3A_265 = arith.constant 0 : i32
      %dma_start3A_266 = arith.constant 0 : i32
      %dma_start3A_267 = tpu.memref_slice %arg11[%dma_start3A_265, %dma_start3A_266] : memref<10000x16xf32, #tpu.memory_space<vmem_shared>> -> memref<10000x16xf32, #tpu.memory_space<vmem_shared>>
      tpu.enqueue_indirect_dma source(%dma_start3A_261 : memref<80x16xf32, #tpu.memory_space<vmem>>) target(%dma_start3A_267 : memref<10000x16xf32, #tpu.memory_space<vmem_shared>>) offsets(%dma_start3A_264 : memref<80xi32, #tpu.memory_space<vmem>>) semaphore(%arg15 : memref<!tpu.dma_semaphore, #tpu.memory_space<semaphore_mem>>) {add = true}
      %dma_wait3A_268 = arith.constant 0 : i32
      %dma_wait3A_269 = arith.constant 0 : i32
      %dma_wait3A_270 = tpu.memref_slice %arg8[%dma_wait3A_268, %dma_wait3A_269] : memref<400x16xf32, #tpu.memory_space<vmem>> -> memref<80x16xf32, #tpu.memory_space<vmem>>
      %dma_wait3A_271 = arith.constant 0 : i32
      %dma_wait3A_272 = tpu.memref_slice %arg7[%add3A_153, %dma_wait3A_271] : memref<125x80xi32, #tpu.memory_space<vmem>> -> memref<1x80xi32, #tpu.memory_space<vmem>>
      %dma_wait3A_273 = tpu.memref_squeeze %dma_wait3A_272 : memref<1x80xi32, #tpu.memory_space<vmem>> -> memref<80xi32, #tpu.memory_space<vmem>>
      %dma_wait3A_274 = arith.constant 0 : i32
      %dma_wait3A_275 = arith.constant 0 : i32
      %dma_wait3A_276 = tpu.memref_slice %arg11[%dma_wait3A_274, %dma_wait3A_275] : memref<10000x16xf32, #tpu.memory_space<vmem_shared>> -> memref<10000x16xf32, #tpu.memory_space<vmem_shared>>
      tpu.wait_indirect_dma semaphore(%arg14 : memref<!tpu.dma_semaphore, #tpu.memory_space<semaphore_mem>>) src(%dma_wait3A_270 : memref<80x16xf32, #tpu.memory_space<vmem>>) dst(%dma_wait3A_276 : memref<10000x16xf32, #tpu.memory_space<vmem_shared>>)
      %dma_wait3A_277 = arith.constant 80 : i32
      %dma_wait3A_278 = arith.constant 0 : i32
      %dma_wait3A_279 = tpu.memref_slice %arg8[%dma_wait3A_277, %dma_wait3A_278] : memref<400x16xf32, #tpu.memory_space<vmem>> -> memref<80x16xf32, #tpu.memory_space<vmem>>
      %dma_wait3A_280 = arith.constant 0 : i32
      %dma_wait3A_281 = tpu.memref_slice %arg7[%add3A_164, %dma_wait3A_280] : memref<125x80xi32, #tpu.memory_space<vmem>> -> memref<1x80xi32, #tpu.memory_space<vmem>>
      %dma_wait3A_282 = tpu.memref_squeeze %dma_wait3A_281 : memref<1x80xi32, #tpu.memory_space<vmem>> -> memref<80xi32, #tpu.memory_space<vmem>>
      %dma_wait3A_283 = arith.constant 0 : i32
      %dma_wait3A_284 = arith.constant 0 : i32
      %dma_wait3A_285 = tpu.memref_slice %arg11[%dma_wait3A_283, %dma_wait3A_284] : memref<10000x16xf32, #tpu.memory_space<vmem_shared>> -> memref<10000x16xf32, #tpu.memory_space<vmem_shared>>
      tpu.wait_indirect_dma semaphore(%arg14 : memref<!tpu.dma_semaphore, #tpu.memory_space<semaphore_mem>>) src(%dma_wait3A_279 : memref<80x16xf32, #tpu.memory_space<vmem>>) dst(%dma_wait3A_285 : memref<10000x16xf32, #tpu.memory_space<vmem_shared>>)
      %dma_wait3A_286 = arith.constant 160 : i32
      %dma_wait3A_287 = arith.constant 0 : i32
      %dma_wait3A_288 = tpu.memref_slice %arg8[%dma_wait3A_286, %dma_wait3A_287] : memref<400x16xf32, #tpu.memory_space<vmem>> -> memref<80x16xf32, #tpu.memory_space<vmem>>
      %dma_wait3A_289 = arith.constant 0 : i32
      %dma_wait3A_290 = tpu.memref_slice %arg7[%add3A_175, %dma_wait3A_289] : memref<125x80xi32, #tpu.memory_space<vmem>> -> memref<1x80xi32, #tpu.memory_space<vmem>>
      %dma_wait3A_291 = tpu.memref_squeeze %dma_wait3A_290 : memref<1x80xi32, #tpu.memory_space<vmem>> -> memref<80xi32, #tpu.memory_space<vmem>>
      %dma_wait3A_292 = arith.constant 0 : i32
      %dma_wait3A_293 = arith.constant 0 : i32
      %dma_wait3A_294 = tpu.memref_slice %arg11[%dma_wait3A_292, %dma_wait3A_293] : memref<10000x16xf32, #tpu.memory_space<vmem_shared>> -> memref<10000x16xf32, #tpu.memory_space<vmem_shared>>
      tpu.wait_indirect_dma semaphore(%arg14 : memref<!tpu.dma_semaphore, #tpu.memory_space<semaphore_mem>>) src(%dma_wait3A_288 : memref<80x16xf32, #tpu.memory_space<vmem>>) dst(%dma_wait3A_294 : memref<10000x16xf32, #tpu.memory_space<vmem_shared>>)
      %dma_wait3A_295 = arith.constant 240 : i32
      %dma_wait3A_296 = arith.constant 0 : i32
      %dma_wait3A_297 = tpu.memref_slice %arg8[%dma_wait3A_295, %dma_wait3A_296] : memref<400x16xf32, #tpu.memory_space<vmem>> -> memref<80x16xf32, #tpu.memory_space<vmem>>
      %dma_wait3A_298 = arith.constant 0 : i32
      %dma_wait3A_299 = tpu.memref_slice %arg7[%add3A_186, %dma_wait3A_298] : memref<125x80xi32, #tpu.memory_space<vmem>> -> memref<1x80xi32, #tpu.memory_space<vmem>>
      %dma_wait3A_300 = tpu.memref_squeeze %dma_wait3A_299 : memref<1x80xi32, #tpu.memory_space<vmem>> -> memref<80xi32, #tpu.memory_space<vmem>>
      %dma_wait3A_301 = arith.constant 0 : i32
      %dma_wait3A_302 = arith.constant 0 : i32
      %dma_wait3A_303 = tpu.memref_slice %arg11[%dma_wait3A_301, %dma_wait3A_302] : memref<10000x16xf32, #tpu.memory_space<vmem_shared>> -> memref<10000x16xf32, #tpu.memory_space<vmem_shared>>
      tpu.wait_indirect_dma semaphore(%arg14 : memref<!tpu.dma_semaphore, #tpu.memory_space<semaphore_mem>>) src(%dma_wait3A_297 : memref<80x16xf32, #tpu.memory_space<vmem>>) dst(%dma_wait3A_303 : memref<10000x16xf32, #tpu.memory_space<vmem_shared>>)
      %dma_wait3A_304 = arith.constant 320 : i32
      %dma_wait3A_305 = arith.constant 0 : i32
      %dma_wait3A_306 = tpu.memref_slice %arg8[%dma_wait3A_304, %dma_wait3A_305] : memref<400x16xf32, #tpu.memory_space<vmem>> -> memref<80x16xf32, #tpu.memory_space<vmem>>
      %dma_wait3A_307 = arith.constant 0 : i32
      %dma_wait3A_308 = tpu.memref_slice %arg7[%add3A_197, %dma_wait3A_307] : memref<125x80xi32, #tpu.memory_space<vmem>> -> memref<1x80xi32, #tpu.memory_space<vmem>>
      %dma_wait3A_309 = tpu.memref_squeeze %dma_wait3A_308 : memref<1x80xi32, #tpu.memory_space<vmem>> -> memref<80xi32, #tpu.memory_space<vmem>>
      %dma_wait3A_310 = arith.constant 0 : i32
      %dma_wait3A_311 = arith.constant 0 : i32
      %dma_wait3A_312 = tpu.memref_slice %arg11[%dma_wait3A_310, %dma_wait3A_311] : memref<10000x16xf32, #tpu.memory_space<vmem_shared>> -> memref<10000x16xf32, #tpu.memory_space<vmem_shared>>
      tpu.wait_indirect_dma semaphore(%arg14 : memref<!tpu.dma_semaphore, #tpu.memory_space<semaphore_mem>>) src(%dma_wait3A_306 : memref<80x16xf32, #tpu.memory_space<vmem>>) dst(%dma_wait3A_312 : memref<10000x16xf32, #tpu.memory_space<vmem_shared>>)
      %dma_wait3A_313 = arith.constant 0 : i32
      %dma_wait3A_314 = arith.constant 0 : i32
      %dma_wait3A_315 = tpu.memref_slice %arg9[%dma_wait3A_313, %dma_wait3A_314] : memref<400x16xf32, #tpu.memory_space<vmem>> -> memref<80x16xf32, #tpu.memory_space<vmem>>
      %dma_wait3A_316 = arith.constant 0 : i32
      %dma_wait3A_317 = tpu.memref_slice %arg7[%add3A_214, %dma_wait3A_316] : memref<125x80xi32, #tpu.memory_space<vmem>> -> memref<1x80xi32, #tpu.memory_space<vmem>>
      %dma_wait3A_318 = tpu.memref_squeeze %dma_wait3A_317 : memref<1x80xi32, #tpu.memory_space<vmem>> -> memref<80xi32, #tpu.memory_space<vmem>>
      %dma_wait3A_319 = arith.constant 0 : i32
      %dma_wait3A_320 = arith.constant 0 : i32
      %dma_wait3A_321 = tpu.memref_slice %arg11[%dma_wait3A_319, %dma_wait3A_320] : memref<10000x16xf32, #tpu.memory_space<vmem_shared>> -> memref<10000x16xf32, #tpu.memory_space<vmem_shared>>
      tpu.wait_indirect_dma semaphore(%arg15 : memref<!tpu.dma_semaphore, #tpu.memory_space<semaphore_mem>>) src(%dma_wait3A_315 : memref<80x16xf32, #tpu.memory_space<vmem>>) dst(%dma_wait3A_321 : memref<10000x16xf32, #tpu.memory_space<vmem_shared>>)
      %dma_wait3A_322 = arith.constant 80 : i32
      %dma_wait3A_323 = arith.constant 0 : i32
      %dma_wait3A_324 = tpu.memref_slice %arg9[%dma_wait3A_322, %dma_wait3A_323] : memref<400x16xf32, #tpu.memory_space<vmem>> -> memref<80x16xf32, #tpu.memory_space<vmem>>
      %dma_wait3A_325 = arith.constant 0 : i32
      %dma_wait3A_326 = tpu.memref_slice %arg7[%add3A_225, %dma_wait3A_325] : memref<125x80xi32, #tpu.memory_space<vmem>> -> memref<1x80xi32, #tpu.memory_space<vmem>>
      %dma_wait3A_327 = tpu.memref_squeeze %dma_wait3A_326 : memref<1x80xi32, #tpu.memory_space<vmem>> -> memref<80xi32, #tpu.memory_space<vmem>>
      %dma_wait3A_328 = arith.constant 0 : i32
      %dma_wait3A_329 = arith.constant 0 : i32
      %dma_wait3A_330 = tpu.memref_slice %arg11[%dma_wait3A_328, %dma_wait3A_329] : memref<10000x16xf32, #tpu.memory_space<vmem_shared>> -> memref<10000x16xf32, #tpu.memory_space<vmem_shared>>
      tpu.wait_indirect_dma semaphore(%arg15 : memref<!tpu.dma_semaphore, #tpu.memory_space<semaphore_mem>>) src(%dma_wait3A_324 : memref<80x16xf32, #tpu.memory_space<vmem>>) dst(%dma_wait3A_330 : memref<10000x16xf32, #tpu.memory_space<vmem_shared>>)
      %dma_wait3A_331 = arith.constant 160 : i32
      %dma_wait3A_332 = arith.constant 0 : i32
      %dma_wait3A_333 = tpu.memref_slice %arg9[%dma_wait3A_331, %dma_wait3A_332] : memref<400x16xf32, #tpu.memory_space<vmem>> -> memref<80x16xf32, #tpu.memory_space<vmem>>
      %dma_wait3A_334 = arith.constant 0 : i32
      %dma_wait3A_335 = tpu.memref_slice %arg7[%add3A_236, %dma_wait3A_334] : memref<125x80xi32, #tpu.memory_space<vmem>> -> memref<1x80xi32, #tpu.memory_space<vmem>>
      %dma_wait3A_336 = tpu.memref_squeeze %dma_wait3A_335 : memref<1x80xi32, #tpu.memory_space<vmem>> -> memref<80xi32, #tpu.memory_space<vmem>>
      %dma_wait3A_337 = arith.constant 0 : i32
      %dma_wait3A_338 = arith.constant 0 : i32
      %dma_wait3A_339 = tpu.memref_slice %arg11[%dma_wait3A_337, %dma_wait3A_338] : memref<10000x16xf32, #tpu.memory_space<vmem_shared>> -> memref<10000x16xf32, #tpu.memory_space<vmem_shared>>
      tpu.wait_indirect_dma semaphore(%arg15 : memref<!tpu.dma_semaphore, #tpu.memory_space<semaphore_mem>>) src(%dma_wait3A_333 : memref<80x16xf32, #tpu.memory_space<vmem>>) dst(%dma_wait3A_339 : memref<10000x16xf32, #tpu.memory_space<vmem_shared>>)
      %dma_wait3A_340 = arith.constant 240 : i32
      %dma_wait3A_341 = arith.constant 0 : i32
      %dma_wait3A_342 = tpu.memref_slice %arg9[%dma_wait3A_340, %dma_wait3A_341] : memref<400x16xf32, #tpu.memory_space<vmem>> -> memref<80x16xf32, #tpu.memory_space<vmem>>
      %dma_wait3A_343 = arith.constant 0 : i32
      %dma_wait3A_344 = tpu.memref_slice %arg7[%add3A_247, %dma_wait3A_343] : memref<125x80xi32, #tpu.memory_space<vmem>> -> memref<1x80xi32, #tpu.memory_space<vmem>>
      %dma_wait3A_345 = tpu.memref_squeeze %dma_wait3A_344 : memref<1x80xi32, #tpu.memory_space<vmem>> -> memref<80xi32, #tpu.memory_space<vmem>>
      %dma_wait3A_346 = arith.constant 0 : i32
      %dma_wait3A_347 = arith.constant 0 : i32
      %dma_wait3A_348 = tpu.memref_slice %arg11[%dma_wait3A_346, %dma_wait3A_347] : memref<10000x16xf32, #tpu.memory_space<vmem_shared>> -> memref<10000x16xf32, #tpu.memory_space<vmem_shared>>
      tpu.wait_indirect_dma semaphore(%arg15 : memref<!tpu.dma_semaphore, #tpu.memory_space<semaphore_mem>>) src(%dma_wait3A_342 : memref<80x16xf32, #tpu.memory_space<vmem>>) dst(%dma_wait3A_348 : memref<10000x16xf32, #tpu.memory_space<vmem_shared>>)
      %dma_wait3A_349 = arith.constant 320 : i32
      %dma_wait3A_350 = arith.constant 0 : i32
      %dma_wait3A_351 = tpu.memref_slice %arg9[%dma_wait3A_349, %dma_wait3A_350] : memref<400x16xf32, #tpu.memory_space<vmem>> -> memref<80x16xf32, #tpu.memory_space<vmem>>
      %dma_wait3A_352 = arith.constant 0 : i32
      %dma_wait3A_353 = tpu.memref_slice %arg7[%add3A_258, %dma_wait3A_352] : memref<125x80xi32, #tpu.memory_space<vmem>> -> memref<1x80xi32, #tpu.memory_space<vmem>>
      %dma_wait3A_354 = tpu.memref_squeeze %dma_wait3A_353 : memref<1x80xi32, #tpu.memory_space<vmem>> -> memref<80xi32, #tpu.memory_space<vmem>>
      %dma_wait3A_355 = arith.constant 0 : i32
      %dma_wait3A_356 = arith.constant 0 : i32
      %dma_wait3A_357 = tpu.memref_slice %arg11[%dma_wait3A_355, %dma_wait3A_356] : memref<10000x16xf32, #tpu.memory_space<vmem_shared>> -> memref<10000x16xf32, #tpu.memory_space<vmem_shared>>
      tpu.wait_indirect_dma semaphore(%arg15 : memref<!tpu.dma_semaphore, #tpu.memory_space<semaphore_mem>>) src(%dma_wait3A_351 : memref<80x16xf32, #tpu.memory_space<vmem>>) dst(%dma_wait3A_357 : memref<10000x16xf32, #tpu.memory_space<vmem_shared>>)
    }
    %scan3A_14 = arith.constant 12 : i32
    %mul3A_15 = arith.constant 10000 : i32
    %mul3A_16 = arith.muli %add3A, %mul3A_15 : i32
    %add3A_17 = arith.constant 9600 : i32
    %add3A_18 = arith.addi %mul3A_16, %add3A_17 : i32
    "tpu.region"() ({
      %run_scoped3A = tpu.sem_alloc : memref<!tpu.dma_semaphore, #tpu.memory_space<semaphore_mem>>
      %dma_start3A_128 = arith.constant 0 : i32
      %dma_start3A_129 = tpu.memref_slice %arg2[%add3A_18, %dma_start3A_128] : memref<320000x16xf32, #tpu.memory_space<hbm>> -> memref<400x16xf32, #tpu.memory_space<hbm>>
      %dma_start3A_130 = arith.constant 0 : i32
      %dma_start3A_131 = tpu.memref_slice %arg2[%add3A_18, %dma_start3A_130] : memref<320000x16xf32, #tpu.memory_space<hbm>> -> memref<400x16xf32, #tpu.memory_space<hbm>>
      tpu.enqueue_dma source(%dma_start3A_131 : memref<400x16xf32, #tpu.memory_space<hbm>>) target(%arg8 : memref<400x16xf32, #tpu.memory_space<vmem>>) target_semaphore(%run_scoped3A : memref<!tpu.dma_semaphore, #tpu.memory_space<semaphore_mem>>)
      %dma_wait3A_132 = arith.constant 0 : i32
      %dma_wait3A_133 = tpu.memref_slice %arg2[%add3A_18, %dma_wait3A_132] : memref<320000x16xf32, #tpu.memory_space<hbm>> -> memref<400x16xf32, #tpu.memory_space<hbm>>
      %dma_wait3A_134 = arith.constant 0 : i32
      %dma_wait3A_135 = tpu.memref_slice %arg2[%add3A_18, %dma_wait3A_134] : memref<320000x16xf32, #tpu.memory_space<hbm>> -> memref<400x16xf32, #tpu.memory_space<hbm>>
      tpu.wait_dma2 semaphore(%run_scoped3A : memref<!tpu.dma_semaphore, #tpu.memory_space<semaphore_mem>>) src(%dma_wait3A_135 : memref<400x16xf32, #tpu.memory_space<hbm>>) dst(%arg8 : memref<400x16xf32, #tpu.memory_space<vmem>>)
      tpu.yield
    }) : () -> ()
    %dma_start3A = arith.constant 120 : i32
    %dma_start3A_19 = arith.constant 0 : i32
    %dma_start3A_20 = arith.constant 0 : i32
    %dma_start3A_21 = tpu.memref_slice %arg8[%dma_start3A_19, %dma_start3A_20] : memref<400x16xf32, #tpu.memory_space<vmem>> -> memref<80x16xf32, #tpu.memory_space<vmem>>
    %dma_start3A_22 = arith.constant 0 : i32
    %dma_start3A_23 = tpu.memref_slice %arg7[%dma_start3A, %dma_start3A_22] : memref<125x80xi32, #tpu.memory_space<vmem>> -> memref<1x80xi32, #tpu.memory_space<vmem>>
    %dma_start3A_24 = tpu.memref_squeeze %dma_start3A_23 : memref<1x80xi32, #tpu.memory_space<vmem>> -> memref<80xi32, #tpu.memory_space<vmem>>
    %dma_start3A_25 = arith.constant 0 : i32
    %dma_start3A_26 = arith.constant 0 : i32
    %dma_start3A_27 = tpu.memref_slice %arg11[%dma_start3A_25, %dma_start3A_26] : memref<10000x16xf32, #tpu.memory_space<vmem_shared>> -> memref<10000x16xf32, #tpu.memory_space<vmem_shared>>
    tpu.enqueue_indirect_dma source(%dma_start3A_21 : memref<80x16xf32, #tpu.memory_space<vmem>>) target(%dma_start3A_27 : memref<10000x16xf32, #tpu.memory_space<vmem_shared>>) offsets(%dma_start3A_24 : memref<80xi32, #tpu.memory_space<vmem>>) semaphore(%arg14 : memref<!tpu.dma_semaphore, #tpu.memory_space<semaphore_mem>>) {add = true}
    %dma_start3A_28 = arith.constant 121 : i32
    %dma_start3A_29 = arith.constant 80 : i32
    %dma_start3A_30 = arith.constant 0 : i32
    %dma_start3A_31 = tpu.memref_slice %arg8[%dma_start3A_29, %dma_start3A_30] : memref<400x16xf32, #tpu.memory_space<vmem>> -> memref<80x16xf32, #tpu.memory_space<vmem>>
    %dma_start3A_32 = arith.constant 0 : i32
    %dma_start3A_33 = tpu.memref_slice %arg7[%dma_start3A_28, %dma_start3A_32] : memref<125x80xi32, #tpu.memory_space<vmem>> -> memref<1x80xi32, #tpu.memory_space<vmem>>
    %dma_start3A_34 = tpu.memref_squeeze %dma_start3A_33 : memref<1x80xi32, #tpu.memory_space<vmem>> -> memref<80xi32, #tpu.memory_space<vmem>>
    %dma_start3A_35 = arith.constant 0 : i32
    %dma_start3A_36 = arith.constant 0 : i32
    %dma_start3A_37 = tpu.memref_slice %arg11[%dma_start3A_35, %dma_start3A_36] : memref<10000x16xf32, #tpu.memory_space<vmem_shared>> -> memref<10000x16xf32, #tpu.memory_space<vmem_shared>>
    tpu.enqueue_indirect_dma source(%dma_start3A_31 : memref<80x16xf32, #tpu.memory_space<vmem>>) target(%dma_start3A_37 : memref<10000x16xf32, #tpu.memory_space<vmem_shared>>) offsets(%dma_start3A_34 : memref<80xi32, #tpu.memory_space<vmem>>) semaphore(%arg14 : memref<!tpu.dma_semaphore, #tpu.memory_space<semaphore_mem>>) {add = true}
    %dma_start3A_38 = arith.constant 122 : i32
    %dma_start3A_39 = arith.constant 160 : i32
    %dma_start3A_40 = arith.constant 0 : i32
    %dma_start3A_41 = tpu.memref_slice %arg8[%dma_start3A_39, %dma_start3A_40] : memref<400x16xf32, #tpu.memory_space<vmem>> -> memref<80x16xf32, #tpu.memory_space<vmem>>
    %dma_start3A_42 = arith.constant 0 : i32
    %dma_start3A_43 = tpu.memref_slice %arg7[%dma_start3A_38, %dma_start3A_42] : memref<125x80xi32, #tpu.memory_space<vmem>> -> memref<1x80xi32, #tpu.memory_space<vmem>>
    %dma_start3A_44 = tpu.memref_squeeze %dma_start3A_43 : memref<1x80xi32, #tpu.memory_space<vmem>> -> memref<80xi32, #tpu.memory_space<vmem>>
    %dma_start3A_45 = arith.constant 0 : i32
    %dma_start3A_46 = arith.constant 0 : i32
    %dma_start3A_47 = tpu.memref_slice %arg11[%dma_start3A_45, %dma_start3A_46] : memref<10000x16xf32, #tpu.memory_space<vmem_shared>> -> memref<10000x16xf32, #tpu.memory_space<vmem_shared>>
    tpu.enqueue_indirect_dma source(%dma_start3A_41 : memref<80x16xf32, #tpu.memory_space<vmem>>) target(%dma_start3A_47 : memref<10000x16xf32, #tpu.memory_space<vmem_shared>>) offsets(%dma_start3A_44 : memref<80xi32, #tpu.memory_space<vmem>>) semaphore(%arg14 : memref<!tpu.dma_semaphore, #tpu.memory_space<semaphore_mem>>) {add = true}
    %dma_start3A_48 = arith.constant 123 : i32
    %dma_start3A_49 = arith.constant 240 : i32
    %dma_start3A_50 = arith.constant 0 : i32
    %dma_start3A_51 = tpu.memref_slice %arg8[%dma_start3A_49, %dma_start3A_50] : memref<400x16xf32, #tpu.memory_space<vmem>> -> memref<80x16xf32, #tpu.memory_space<vmem>>
    %dma_start3A_52 = arith.constant 0 : i32
    %dma_start3A_53 = tpu.memref_slice %arg7[%dma_start3A_48, %dma_start3A_52] : memref<125x80xi32, #tpu.memory_space<vmem>> -> memref<1x80xi32, #tpu.memory_space<vmem>>
    %dma_start3A_54 = tpu.memref_squeeze %dma_start3A_53 : memref<1x80xi32, #tpu.memory_space<vmem>> -> memref<80xi32, #tpu.memory_space<vmem>>
    %dma_start3A_55 = arith.constant 0 : i32
    %dma_start3A_56 = arith.constant 0 : i32
    %dma_start3A_57 = tpu.memref_slice %arg11[%dma_start3A_55, %dma_start3A_56] : memref<10000x16xf32, #tpu.memory_space<vmem_shared>> -> memref<10000x16xf32, #tpu.memory_space<vmem_shared>>
    tpu.enqueue_indirect_dma source(%dma_start3A_51 : memref<80x16xf32, #tpu.memory_space<vmem>>) target(%dma_start3A_57 : memref<10000x16xf32, #tpu.memory_space<vmem_shared>>) offsets(%dma_start3A_54 : memref<80xi32, #tpu.memory_space<vmem>>) semaphore(%arg14 : memref<!tpu.dma_semaphore, #tpu.memory_space<semaphore_mem>>) {add = true}
    %dma_start3A_58 = arith.constant 124 : i32
    %dma_start3A_59 = arith.constant 320 : i32
    %dma_start3A_60 = arith.constant 0 : i32
    %dma_start3A_61 = tpu.memref_slice %arg8[%dma_start3A_59, %dma_start3A_60] : memref<400x16xf32, #tpu.memory_space<vmem>> -> memref<80x16xf32, #tpu.memory_space<vmem>>
    %dma_start3A_62 = arith.constant 0 : i32
    %dma_start3A_63 = tpu.memref_slice %arg7[%dma_start3A_58, %dma_start3A_62] : memref<125x80xi32, #tpu.memory_space<vmem>> -> memref<1x80xi32, #tpu.memory_space<vmem>>
    %dma_start3A_64 = tpu.memref_squeeze %dma_start3A_63 : memref<1x80xi32, #tpu.memory_space<vmem>> -> memref<80xi32, #tpu.memory_space<vmem>>
    %dma_start3A_65 = arith.constant 0 : i32
    %dma_start3A_66 = arith.constant 0 : i32
    %dma_start3A_67 = tpu.memref_slice %arg11[%dma_start3A_65, %dma_start3A_66] : memref<10000x16xf32, #tpu.memory_space<vmem_shared>> -> memref<10000x16xf32, #tpu.memory_space<vmem_shared>>
    tpu.enqueue_indirect_dma source(%dma_start3A_61 : memref<80x16xf32, #tpu.memory_space<vmem>>) target(%dma_start3A_67 : memref<10000x16xf32, #tpu.memory_space<vmem_shared>>) offsets(%dma_start3A_64 : memref<80xi32, #tpu.memory_space<vmem>>) semaphore(%arg14 : memref<!tpu.dma_semaphore, #tpu.memory_space<semaphore_mem>>) {add = true}
    %dma_wait3A = arith.constant 120 : i32
    %dma_wait3A_68 = arith.constant 0 : i32
    %dma_wait3A_69 = arith.constant 0 : i32
    %dma_wait3A_70 = tpu.memref_slice %arg8[%dma_wait3A_68, %dma_wait3A_69] : memref<400x16xf32, #tpu.memory_space<vmem>> -> memref<80x16xf32, #tpu.memory_space<vmem>>
    %dma_wait3A_71 = arith.constant 0 : i32
    %dma_wait3A_72 = tpu.memref_slice %arg7[%dma_wait3A, %dma_wait3A_71] : memref<125x80xi32, #tpu.memory_space<vmem>> -> memref<1x80xi32, #tpu.memory_space<vmem>>
    %dma_wait3A_73 = tpu.memref_squeeze %dma_wait3A_72 : memref<1x80xi32, #tpu.memory_space<vmem>> -> memref<80xi32, #tpu.memory_space<vmem>>
    %dma_wait3A_74 = arith.constant 0 : i32
    %dma_wait3A_75 = arith.constant 0 : i32
    %dma_wait3A_76 = tpu.memref_slice %arg11[%dma_wait3A_74, %dma_wait3A_75] : memref<10000x16xf32, #tpu.memory_space<vmem_shared>> -> memref<10000x16xf32, #tpu.memory_space<vmem_shared>>
    tpu.wait_indirect_dma semaphore(%arg14 : memref<!tpu.dma_semaphore, #tpu.memory_space<semaphore_mem>>) src(%dma_wait3A_70 : memref<80x16xf32, #tpu.memory_space<vmem>>) dst(%dma_wait3A_76 : memref<10000x16xf32, #tpu.memory_space<vmem_shared>>)
    %dma_wait3A_77 = arith.constant 121 : i32
    %dma_wait3A_78 = arith.constant 80 : i32
    %dma_wait3A_79 = arith.constant 0 : i32
    %dma_wait3A_80 = tpu.memref_slice %arg8[%dma_wait3A_78, %dma_wait3A_79] : memref<400x16xf32, #tpu.memory_space<vmem>> -> memref<80x16xf32, #tpu.memory_space<vmem>>
    %dma_wait3A_81 = arith.constant 0 : i32
    %dma_wait3A_82 = tpu.memref_slice %arg7[%dma_wait3A_77, %dma_wait3A_81] : memref<125x80xi32, #tpu.memory_space<vmem>> -> memref<1x80xi32, #tpu.memory_space<vmem>>
    %dma_wait3A_83 = tpu.memref_squeeze %dma_wait3A_82 : memref<1x80xi32, #tpu.memory_space<vmem>> -> memref<80xi32, #tpu.memory_space<vmem>>
    %dma_wait3A_84 = arith.constant 0 : i32
    %dma_wait3A_85 = arith.constant 0 : i32
    %dma_wait3A_86 = tpu.memref_slice %arg11[%dma_wait3A_84, %dma_wait3A_85] : memref<10000x16xf32, #tpu.memory_space<vmem_shared>> -> memref<10000x16xf32, #tpu.memory_space<vmem_shared>>
    tpu.wait_indirect_dma semaphore(%arg14 : memref<!tpu.dma_semaphore, #tpu.memory_space<semaphore_mem>>) src(%dma_wait3A_80 : memref<80x16xf32, #tpu.memory_space<vmem>>) dst(%dma_wait3A_86 : memref<10000x16xf32, #tpu.memory_space<vmem_shared>>)
    %dma_wait3A_87 = arith.constant 122 : i32
    %dma_wait3A_88 = arith.constant 160 : i32
    %dma_wait3A_89 = arith.constant 0 : i32
    %dma_wait3A_90 = tpu.memref_slice %arg8[%dma_wait3A_88, %dma_wait3A_89] : memref<400x16xf32, #tpu.memory_space<vmem>> -> memref<80x16xf32, #tpu.memory_space<vmem>>
    %dma_wait3A_91 = arith.constant 0 : i32
    %dma_wait3A_92 = tpu.memref_slice %arg7[%dma_wait3A_87, %dma_wait3A_91] : memref<125x80xi32, #tpu.memory_space<vmem>> -> memref<1x80xi32, #tpu.memory_space<vmem>>
    %dma_wait3A_93 = tpu.memref_squeeze %dma_wait3A_92 : memref<1x80xi32, #tpu.memory_space<vmem>> -> memref<80xi32, #tpu.memory_space<vmem>>
    %dma_wait3A_94 = arith.constant 0 : i32
    %dma_wait3A_95 = arith.constant 0 : i32
    %dma_wait3A_96 = tpu.memref_slice %arg11[%dma_wait3A_94, %dma_wait3A_95] : memref<10000x16xf32, #tpu.memory_space<vmem_shared>> -> memref<10000x16xf32, #tpu.memory_space<vmem_shared>>
    tpu.wait_indirect_dma semaphore(%arg14 : memref<!tpu.dma_semaphore, #tpu.memory_space<semaphore_mem>>) src(%dma_wait3A_90 : memref<80x16xf32, #tpu.memory_space<vmem>>) dst(%dma_wait3A_96 : memref<10000x16xf32, #tpu.memory_space<vmem_shared>>)
    %dma_wait3A_97 = arith.constant 123 : i32
    %dma_wait3A_98 = arith.constant 240 : i32
    %dma_wait3A_99 = arith.constant 0 : i32
    %dma_wait3A_100 = tpu.memref_slice %arg8[%dma_wait3A_98, %dma_wait3A_99] : memref<400x16xf32, #tpu.memory_space<vmem>> -> memref<80x16xf32, #tpu.memory_space<vmem>>
    %dma_wait3A_101 = arith.constant 0 : i32
    %dma_wait3A_102 = tpu.memref_slice %arg7[%dma_wait3A_97, %dma_wait3A_101] : memref<125x80xi32, #tpu.memory_space<vmem>> -> memref<1x80xi32, #tpu.memory_space<vmem>>
    %dma_wait3A_103 = tpu.memref_squeeze %dma_wait3A_102 : memref<1x80xi32, #tpu.memory_space<vmem>> -> memref<80xi32, #tpu.memory_space<vmem>>
    %dma_wait3A_104 = arith.constant 0 : i32
    %dma_wait3A_105 = arith.constant 0 : i32
    %dma_wait3A_106 = tpu.memref_slice %arg11[%dma_wait3A_104, %dma_wait3A_105] : memref<10000x16xf32, #tpu.memory_space<vmem_shared>> -> memref<10000x16xf32, #tpu.memory_space<vmem_shared>>
    tpu.wait_indirect_dma semaphore(%arg14 : memref<!tpu.dma_semaphore, #tpu.memory_space<semaphore_mem>>) src(%dma_wait3A_100 : memref<80x16xf32, #tpu.memory_space<vmem>>) dst(%dma_wait3A_106 : memref<10000x16xf32, #tpu.memory_space<vmem_shared>>)
    %dma_wait3A_107 = arith.constant 124 : i32
    %dma_wait3A_108 = arith.constant 320 : i32
    %dma_wait3A_109 = arith.constant 0 : i32
    %dma_wait3A_110 = tpu.memref_slice %arg8[%dma_wait3A_108, %dma_wait3A_109] : memref<400x16xf32, #tpu.memory_space<vmem>> -> memref<80x16xf32, #tpu.memory_space<vmem>>
    %dma_wait3A_111 = arith.constant 0 : i32
    %dma_wait3A_112 = tpu.memref_slice %arg7[%dma_wait3A_107, %dma_wait3A_111] : memref<125x80xi32, #tpu.memory_space<vmem>> -> memref<1x80xi32, #tpu.memory_space<vmem>>
    %dma_wait3A_113 = tpu.memref_squeeze %dma_wait3A_112 : memref<1x80xi32, #tpu.memory_space<vmem>> -> memref<80xi32, #tpu.memory_space<vmem>>
    %dma_wait3A_114 = arith.constant 0 : i32
    %dma_wait3A_115 = arith.constant 0 : i32
    %dma_wait3A_116 = tpu.memref_slice %arg11[%dma_wait3A_114, %dma_wait3A_115] : memref<10000x16xf32, #tpu.memory_space<vmem_shared>> -> memref<10000x16xf32, #tpu.memory_space<vmem_shared>>
    tpu.wait_indirect_dma semaphore(%arg14 : memref<!tpu.dma_semaphore, #tpu.memory_space<semaphore_mem>>) src(%dma_wait3A_110 : memref<80x16xf32, #tpu.memory_space<vmem>>) dst(%dma_wait3A_116 : memref<10000x16xf32, #tpu.memory_space<vmem_shared>>)
    %scan3A_117 = arith.constant 0 : i32
    %scan3A_118 = arith.constant 125 : i32
    %scan3A_119 = arith.addi %scan3A_117, %scan3A_118 : i32
    %scan3A_120 = arith.constant 1 : i32
    scf.for %scan3A_128 = %scan3A_117 to %scan3A_119 step %scan3A_120  : i32 {
      %mul3A_129 = arith.constant 1 : i32
      %mul3A_130 = arith.muli %scan3A_128, %mul3A_129 : i32
      %add3A_131 = arith.constant 0 : i32
      %add3A_132 = arith.addi %add3A_131, %mul3A_130 : i32
      %get3A = arith.index_cast %add3A_132 : i32 to index
      %get3A_133 = arith.constant 0 : index
      %get3A_134 = tpu.vector_load %arg7[%get3A, %get3A_133] {strides = array<i32>} : memref<125x80xi32, #tpu.memory_space<vmem>>, vector<16xi32>,
      tpu.vector_store_idx %arg10[%get3A_134], %broadcast_in_dim3A_3 {add = true} : memref<10000xf32, #tpu.memory_space<vmem>>[vector<16xi32>], vector<16xf32>,
      %get3A_135 = arith.index_cast %add3A_132 : i32 to index
      %get3A_136 = arith.constant 16 : index
      %get3A_137 = tpu.vector_load %arg7[%get3A_135, %get3A_136] {strides = array<i32>} : memref<125x80xi32, #tpu.memory_space<vmem>>, vector<16xi32>,
      tpu.vector_store_idx %arg10[%get3A_137], %broadcast_in_dim3A_3 {add = true} : memref<10000xf32, #tpu.memory_space<vmem>>[vector<16xi32>], vector<16xf32>,
      %get3A_138 = arith.index_cast %add3A_132 : i32 to index
      %get3A_139 = arith.constant 32 : index
      %get3A_140 = tpu.vector_load %arg7[%get3A_138, %get3A_139] {strides = array<i32>} : memref<125x80xi32, #tpu.memory_space<vmem>>, vector<16xi32>,
      tpu.vector_store_idx %arg10[%get3A_140], %broadcast_in_dim3A_3 {add = true} : memref<10000xf32, #tpu.memory_space<vmem>>[vector<16xi32>], vector<16xf32>,
      %get3A_141 = arith.index_cast %add3A_132 : i32 to index
      %get3A_142 = arith.constant 48 : index
      %get3A_143 = tpu.vector_load %arg7[%get3A_141, %get3A_142] {strides = array<i32>} : memref<125x80xi32, #tpu.memory_space<vmem>>, vector<16xi32>,
      tpu.vector_store_idx %arg10[%get3A_143], %broadcast_in_dim3A_3 {add = true} : memref<10000xf32, #tpu.memory_space<vmem>>[vector<16xi32>], vector<16xf32>,
      %get3A_144 = arith.index_cast %add3A_132 : i32 to index
      %get3A_145 = arith.constant 64 : index
      %get3A_146 = tpu.vector_load %arg7[%get3A_144, %get3A_145] {strides = array<i32>} : memref<125x80xi32, #tpu.memory_space<vmem>>, vector<16xi32>,
      tpu.vector_store_idx %arg10[%get3A_146], %broadcast_in_dim3A_3 {add = true} : memref<10000xf32, #tpu.memory_space<vmem>>[vector<16xi32>], vector<16xf32>,
    }
    %scan3A_121 = arith.constant 125 : i32
    %barrier3A_122 = arith.constant 0 : index
    tpu.barrier barrier_id(%barrier3A_122)
    %eq3A_123 = arith.constant 0 : i32
    %eq3A_124 = arith.cmpi eq, %arg1, %eq3A_123 : i32
    %convert_element_type3A_125 = arith.extui %eq3A_124 : i1 to i32
    %cond3A_126 = arith.constant 0 : i32
    %cond3A_127 = arith.cmpi ne, %convert_element_type3A_125, %cond3A_126 : i32
    scf.if %cond3A_127 {
      "tpu.region"() ({
        %run_scoped3A = tpu.sem_alloc : memref<!tpu.dma_semaphore, #tpu.memory_space<semaphore_mem>>
        %dma_start3A_128 = arith.constant 0 : i32
        %dma_start3A_129 = arith.constant 0 : i32
        %dma_start3A_130 = tpu.memref_slice %arg5[%arg0, %dma_start3A_128, %dma_start3A_129] : memref<2x10000x16xf32, #tpu.memory_space<hbm>> -> memref<1x10000x16xf32, #tpu.memory_space<hbm>>
        %dma_start3A_131 = tpu.memref_squeeze %dma_start3A_130 : memref<1x10000x16xf32, #tpu.memory_space<hbm>> -> memref<10000x16xf32, #tpu.memory_space<hbm>>
        tpu.enqueue_dma source(%arg11 : memref<10000x16xf32, #tpu.memory_space<vmem_shared>>) target(%dma_start3A_131 : memref<10000x16xf32, #tpu.memory_space<hbm>>) target_semaphore(%run_scoped3A : memref<!tpu.dma_semaphore, #tpu.memory_space<semaphore_mem>>)
        %dma_wait3A_132 = arith.constant 0 : i32
        %dma_wait3A_133 = arith.constant 0 : i32
        %dma_wait3A_134 = tpu.memref_slice %arg5[%arg0, %dma_wait3A_132, %dma_wait3A_133] : memref<2x10000x16xf32, #tpu.memory_space<hbm>> -> memref<1x10000x16xf32, #tpu.memory_space<hbm>>
        %dma_wait3A_135 = tpu.memref_squeeze %dma_wait3A_134 : memref<1x10000x16xf32, #tpu.memory_space<hbm>> -> memref<10000x16xf32, #tpu.memory_space<hbm>>
        tpu.wait_dma2 semaphore(%run_scoped3A : memref<!tpu.dma_semaphore, #tpu.memory_space<semaphore_mem>>) src(%arg11 : memref<10000x16xf32, #tpu.memory_space<vmem_shared>>) dst(%dma_wait3A_135 : memref<10000x16xf32, #tpu.memory_space<hbm>>)
        tpu.yield
      }) : () -> ()
    } else {
    }
    "tpu.region"() ({
      %run_scoped3A = tpu.sem_alloc : memref<!tpu.dma_semaphore, #tpu.memory_space<semaphore_mem>>
      %dma_start3A_128 = arith.constant 0 : i32
      %dma_start3A_129 = tpu.memref_slice %arg6[%add3A, %dma_start3A_128] : memref<32x10000xf32, #tpu.memory_space<hbm>> -> memref<1x10000xf32, #tpu.memory_space<hbm>>
      %dma_start3A_130 = tpu.memref_squeeze %dma_start3A_129 : memref<1x10000xf32, #tpu.memory_space<hbm>> -> memref<10000xf32, #tpu.memory_space<hbm>>
      %dma_start3A_131 = arith.constant 0 : i32
      %dma_start3A_132 = tpu.memref_slice %arg6[%add3A, %dma_start3A_131] : memref<32x10000xf32, #tpu.memory_space<hbm>> -> memref<1x10000xf32, #tpu.memory_space<hbm>>
      %dma_start3A_133 = tpu.memref_squeeze %dma_start3A_132 : memref<1x10000xf32, #tpu.memory_space<hbm>> -> memref<10000xf32, #tpu.memory_space<hbm>>
      tpu.enqueue_dma source(%arg10 : memref<10000xf32, #tpu.memory_space<vmem>>) target(%dma_start3A_133 : memref<10000xf32, #tpu.memory_space<hbm>>) target_semaphore(%run_scoped3A : memref<!tpu.dma_semaphore, #tpu.memory_space<semaphore_mem>>)
      %dma_wait3A_134 = arith.constant 0 : i32
      %dma_wait3A_135 = tpu.memref_slice %arg6[%add3A, %dma_wait3A_134] : memref<32x10000xf32, #tpu.memory_space<hbm>> -> memref<1x10000xf32, #tpu.memory_space<hbm>>
      %dma_wait3A_136 = tpu.memref_squeeze %dma_wait3A_135 : memref<1x10000xf32, #tpu.memory_space<hbm>> -> memref<10000xf32, #tpu.memory_space<hbm>>
      %dma_wait3A_137 = arith.constant 0 : i32
      %dma_wait3A_138 = tpu.memref_slice %arg6[%add3A, %dma_wait3A_137] : memref<32x10000xf32, #tpu.memory_space<hbm>> -> memref<1x10000xf32, #tpu.memory_space<hbm>>
      %dma_wait3A_139 = tpu.memref_squeeze %dma_wait3A_138 : memref<1x10000xf32, #tpu.memory_space<hbm>> -> memref<10000xf32, #tpu.memory_space<hbm>>
      tpu.wait_dma2 semaphore(%run_scoped3A : memref<!tpu.dma_semaphore, #tpu.memory_space<semaphore_mem>>) src(%arg10 : memref<10000xf32, #tpu.memory_space<vmem>>) dst(%dma_wait3A_139 : memref<10000xf32, #tpu.memory_space<hbm>>)
      tpu.yield
    }) : () -> ()
    return
  }
}

module attributes {stable_mosaic.version = 14 : i64} {
  func.func @_node_proj_body(%arg0: memref<1250x1024xf32, #tpu.memory_space<vmem>>, %arg1: memref<1024x128xf32, #tpu.memory_space<vmem>>, %arg2: memref<1024x128xf32, #tpu.memory_space<vmem>>, %arg3: memref<1250x128xf32, #tpu.memory_space<vmem>>, %arg4: memref<1250x128xf32, #tpu.memory_space<vmem>>) attributes {dimension_semantics = [], scalar_prefetch = 0 : i64, scratch_operands = 0 : i64, tpu.core_type = #tpu.core_type<tc>} {
    %get3A = arith.constant 0 : index
    %get3A_0 = arith.constant 0 : index
    %get3A_1 = vector.load %arg0[%get3A, %get3A_0] : memref<1250x1024xf32, #tpu.memory_space<vmem>>, vector<1250x1024xf32>
    %get3A_2 = arith.constant 0 : index
    %get3A_3 = arith.constant 0 : index
    %get3A_4 = vector.load %arg1[%get3A_2, %get3A_3] : memref<1024x128xf32, #tpu.memory_space<vmem>>, vector<1024x128xf32>
    %dot_general3A = arith.constant dense<0.000000e+00> : vector<1250x128xf32>
    %dot_general3A_5 = tpu.matmul %get3A_1, %get3A_4, %dot_general3A {dimension_numbers = #tpu.dot_dimension_numbers<[1], [0], [0], [1], [0, 0, 1, 1], [], []>, precision = #tpu.contract_precision<fp32>, transpose_lhs_hint = false} : vector<1250x1024xf32>, vector<1024x128xf32>, vector<1250x128xf32> -> vector<1250x128xf32>
    %swap3A = arith.constant 0 : index
    %swap3A_6 = arith.constant 0 : index
    %swap3A_7 = vector.load %arg3[%swap3A, %swap3A_6] : memref<1250x128xf32, #tpu.memory_space<vmem>>, vector<1250x128xf32>
    tpu.vector_store %arg3[%swap3A, %swap3A_6], %dot_general3A_5 {strides = array<i32>} : memref<1250x128xf32, #tpu.memory_space<vmem>>, vector<1250x128xf32>,
    %get3A_8 = arith.constant 0 : index
    %get3A_9 = arith.constant 0 : index
    %get3A_10 = vector.load %arg2[%get3A_8, %get3A_9] : memref<1024x128xf32, #tpu.memory_space<vmem>>, vector<1024x128xf32>
    %dot_general3A_11 = arith.constant dense<0.000000e+00> : vector<1250x128xf32>
    %dot_general3A_12 = tpu.matmul %get3A_1, %get3A_10, %dot_general3A_11 {dimension_numbers = #tpu.dot_dimension_numbers<[1], [0], [0], [1], [0, 0, 1, 1], [], []>, precision = #tpu.contract_precision<fp32>, transpose_lhs_hint = false} : vector<1250x1024xf32>, vector<1024x128xf32>, vector<1250x128xf32> -> vector<1250x128xf32>
    %swap3A_13 = arith.constant 0 : index
    %swap3A_14 = arith.constant 0 : index
    %swap3A_15 = vector.load %arg4[%swap3A_13, %swap3A_14] : memref<1250x128xf32, #tpu.memory_space<vmem>>, vector<1250x128xf32>
    tpu.vector_store %arg4[%swap3A_13, %swap3A_14], %dot_general3A_12 {strides = array<i32>} : memref<1250x128xf32, #tpu.memory_space<vmem>>, vector<1250x128xf32>,
    return
  }
}

module attributes {stable_mosaic.version = 14 : i64} {
  func.func @_mlp_body(%arg0: i32, %arg1: memref<2500x256xf32, #tpu.memory_space<vmem>>, %arg2: memref<2500x256xf32, #tpu.memory_space<vmem>>, %arg3: memref<4x2500x128xf32, #tpu.memory_space<vmem>>, %arg4: memref<4x128x256xbf16, #tpu.memory_space<vmem>>, %arg5: memref<1x256xf32, #tpu.memory_space<vmem>>, %arg6: memref<128x128xf32, #tpu.memory_space<vmem>>, %arg7: memref<1x128xf32, #tpu.memory_space<vmem>>, %arg8: memref<128x128xf32, #tpu.memory_space<vmem>>, %arg9: memref<1x128xf32, #tpu.memory_space<vmem>>, %arg10: memref<2500x256xf32, #tpu.memory_space<vmem>>) attributes {dimension_semantics = [#tpu.dimension_semantics<arbitrary>], iteration_bounds = array<i64: 8>, scalar_prefetch = 0 : i64, scratch_operands = 0 : i64, tpu.core_type = #tpu.core_type<tc>, window_params = [{transform_indices = @transform_0, window_bounds = array<i64: 2500, 256>}, {transform_indices = @transform_1, window_bounds = array<i64: 2500, 256>}, {pipeline_mode = #tpu.pipeline_mode<synchronous>, transform_indices = @transform_2, window_bounds = array<i64: 4, 2500, 128>}, {transform_indices = @transform_3, window_bounds = array<i64: 4, 128, 256>}, {transform_indices = @transform_4, window_bounds = array<i64: 1, 256>}, {pipeline_mode = #tpu.pipeline_mode<synchronous>, transform_indices = @transform_5, window_bounds = array<i64: 128, 128>}, {pipeline_mode = #tpu.pipeline_mode<synchronous>, transform_indices = @transform_6, window_bounds = array<i64: 1, 128>}, {pipeline_mode = #tpu.pipeline_mode<synchronous>, transform_indices = @transform_7, window_bounds = array<i64: 128, 128>}, {pipeline_mode = #tpu.pipeline_mode<synchronous>, transform_indices = @transform_8, window_bounds = array<i64: 1, 128>}, {transform_indices = @transform_9, window_bounds = array<i64: 2500, 256>}]} {
    %broadcast_in_dim3A = arith.constant 0.000000e+00 : f32
    %broadcast_in_dim3A_0 = vector.broadcast %broadcast_in_dim3A : f32 to vector<2500x256xf32>
    %get3A = arith.constant 0 : index
    %get3A_1 = arith.constant 0 : index
    %get3A_2 = arith.constant 0 : index
    %get3A_3 = vector.load %arg3[%get3A, %get3A_1, %get3A_2] : memref<4x2500x128xf32, #tpu.memory_space<vmem>>, vector<1x2500x128xf32>
    %get3A_4 = vector.shape_cast %get3A_3 : vector<1x2500x128xf32> to vector<2500x128xf32>
    %convert_element_type3A = arith.truncf %get3A_4 : vector<2500x128xf32> to vector<2500x128xbf16>
    %get3A_5 = arith.constant 0 : index
    %get3A_6 = arith.constant 0 : index
    %get3A_7 = arith.constant 0 : index
    %get3A_8 = vector.load %arg4[%get3A_5, %get3A_6, %get3A_7] : memref<4x128x256xbf16, #tpu.memory_space<vmem>>, vector<1x128x256xbf16>
    %get3A_9 = vector.shape_cast %get3A_8 : vector<1x128x256xbf16> to vector<128x256xbf16>
    %dot_general3A = arith.constant dense<0.000000e+00> : vector<2500x256xf32>
    %dot_general3A_10 = tpu.matmul %convert_element_type3A, %get3A_9, %dot_general3A {dimension_numbers = #tpu.dot_dimension_numbers<[1], [0], [0], [1], [0, 0, 1, 1], [], []>, transpose_lhs_hint = false} : vector<2500x128xbf16>, vector<128x256xbf16>, vector<2500x256xf32> -> vector<2500x256xf32>
    %add3A = arith.addf %broadcast_in_dim3A_0, %dot_general3A_10 : vector<2500x256xf32>
    %get3A_11 = arith.constant 1 : index
    %get3A_12 = arith.constant 0 : index
    %get3A_13 = arith.constant 0 : index
    %get3A_14 = vector.load %arg3[%get3A_11, %get3A_12, %get3A_13] : memref<4x2500x128xf32, #tpu.memory_space<vmem>>, vector<1x2500x128xf32>
    %get3A_15 = vector.shape_cast %get3A_14 : vector<1x2500x128xf32> to vector<2500x128xf32>
    %convert_element_type3A_16 = arith.truncf %get3A_15 : vector<2500x128xf32> to vector<2500x128xbf16>
    %get3A_17 = arith.constant 1 : index
    %get3A_18 = arith.constant 0 : index
    %get3A_19 = arith.constant 0 : index
    %get3A_20 = vector.load %arg4[%get3A_17, %get3A_18, %get3A_19] : memref<4x128x256xbf16, #tpu.memory_space<vmem>>, vector<1x128x256xbf16>
    %get3A_21 = vector.shape_cast %get3A_20 : vector<1x128x256xbf16> to vector<128x256xbf16>
    %dot_general3A_22 = arith.constant dense<0.000000e+00> : vector<2500x256xf32>
    %dot_general3A_23 = tpu.matmul %convert_element_type3A_16, %get3A_21, %dot_general3A_22 {dimension_numbers = #tpu.dot_dimension_numbers<[1], [0], [0], [1], [0, 0, 1, 1], [], []>, transpose_lhs_hint = false} : vector<2500x128xbf16>, vector<128x256xbf16>, vector<2500x256xf32> -> vector<2500x256xf32>
    %add3A_24 = arith.addf %add3A, %dot_general3A_23 : vector<2500x256xf32>
    %get3A_25 = arith.constant 2 : index
    %get3A_26 = arith.constant 0 : index
    %get3A_27 = arith.constant 0 : index
    %get3A_28 = vector.load %arg3[%get3A_25, %get3A_26, %get3A_27] : memref<4x2500x128xf32, #tpu.memory_space<vmem>>, vector<1x2500x128xf32>
    %get3A_29 = vector.shape_cast %get3A_28 : vector<1x2500x128xf32> to vector<2500x128xf32>
    %convert_element_type3A_30 = arith.truncf %get3A_29 : vector<2500x128xf32> to vector<2500x128xbf16>
    %get3A_31 = arith.constant 2 : index
    %get3A_32 = arith.constant 0 : index
    %get3A_33 = arith.constant 0 : index
    %get3A_34 = vector.load %arg4[%get3A_31, %get3A_32, %get3A_33] : memref<4x128x256xbf16, #tpu.memory_space<vmem>>, vector<1x128x256xbf16>
    %get3A_35 = vector.shape_cast %get3A_34 : vector<1x128x256xbf16> to vector<128x256xbf16>
    %dot_general3A_36 = arith.constant dense<0.000000e+00> : vector<2500x256xf32>
    %dot_general3A_37 = tpu.matmul %convert_element_type3A_30, %get3A_35, %dot_general3A_36 {dimension_numbers = #tpu.dot_dimension_numbers<[1], [0], [0], [1], [0, 0, 1, 1], [], []>, transpose_lhs_hint = false} : vector<2500x128xbf16>, vector<128x256xbf16>, vector<2500x256xf32> -> vector<2500x256xf32>
    %add3A_38 = arith.addf %add3A_24, %dot_general3A_37 : vector<2500x256xf32>
    %get3A_39 = arith.constant 3 : index
    %get3A_40 = arith.constant 0 : index
    %get3A_41 = arith.constant 0 : index
    %get3A_42 = vector.load %arg3[%get3A_39, %get3A_40, %get3A_41] : memref<4x2500x128xf32, #tpu.memory_space<vmem>>, vector<1x2500x128xf32>
    %get3A_43 = vector.shape_cast %get3A_42 : vector<1x2500x128xf32> to vector<2500x128xf32>
    %convert_element_type3A_44 = arith.truncf %get3A_43 : vector<2500x128xf32> to vector<2500x128xbf16>
    %get3A_45 = arith.constant 3 : index
    %get3A_46 = arith.constant 0 : index
    %get3A_47 = arith.constant 0 : index
    %get3A_48 = vector.load %arg4[%get3A_45, %get3A_46, %get3A_47] : memref<4x128x256xbf16, #tpu.memory_space<vmem>>, vector<1x128x256xbf16>
    %get3A_49 = vector.shape_cast %get3A_48 : vector<1x128x256xbf16> to vector<128x256xbf16>
    %dot_general3A_50 = arith.constant dense<0.000000e+00> : vector<2500x256xf32>
    %dot_general3A_51 = tpu.matmul %convert_element_type3A_44, %get3A_49, %dot_general3A_50 {dimension_numbers = #tpu.dot_dimension_numbers<[1], [0], [0], [1], [0, 0, 1, 1], [], []>, transpose_lhs_hint = false} : vector<2500x128xbf16>, vector<128x256xbf16>, vector<2500x256xf32> -> vector<2500x256xf32>
    %add3A_52 = arith.addf %add3A_38, %dot_general3A_51 : vector<2500x256xf32>
    %get3A_53 = arith.constant 0 : index
    %get3A_54 = arith.constant 0 : index
    %get3A_55 = vector.load %arg1[%get3A_53, %get3A_54] : memref<2500x256xf32, #tpu.memory_space<vmem>>, vector<2500x256xf32>
    %get3A_56 = arith.constant 0 : index
    %get3A_57 = arith.constant 0 : index
    %get3A_58 = vector.load %arg2[%get3A_56, %get3A_57] : memref<2500x256xf32, #tpu.memory_space<vmem>>, vector<2500x256xf32>
    %add3A_59 = arith.addf %get3A_55, %get3A_58 : vector<2500x256xf32>
    %add3A_60 = arith.addf %add3A_59, %add3A_52 : vector<2500x256xf32>
    %get3A_61 = arith.constant 0 : index
    %get3A_62 = arith.constant 0 : index
    %get3A_63 = vector.load %arg5[%get3A_61, %get3A_62] : memref<1x256xf32, #tpu.memory_space<vmem>>, vector<1x256xf32>
    %add3A_64 = vector.broadcast %get3A_63 : vector<1x256xf32> to vector<2500x256xf32>
    %add3A_65 = arith.addf %add3A_60, %add3A_64 : vector<2500x256xf32>
    %max3A = arith.constant 0.000000e+00 : f32
    %max3A_66 = vector.broadcast %max3A : f32 to vector<2500x256xf32>
    %max3A_67 = arith.maximumf %add3A_65, %max3A_66 : vector<2500x256xf32>
    %slice3A = vector.extract_strided_slice %max3A_67 {offsets = [0, 0], sizes = [2500, 128], strides = [1, 1]} : vector<2500x256xf32> to vector<2500x128xf32>
    %get3A_68 = arith.constant 0 : index
    %get3A_69 = arith.constant 0 : index
    %get3A_70 = vector.load %arg6[%get3A_68, %get3A_69] : memref<128x128xf32, #tpu.memory_space<vmem>>, vector<128x128xf32>
    %dot_general3A_71 = arith.constant dense<0.000000e+00> : vector<2500x128xf32>
    %dot_general3A_72 = tpu.matmul %slice3A, %get3A_70, %dot_general3A_71 {dimension_numbers = #tpu.dot_dimension_numbers<[1], [0], [0], [1], [0, 0, 1, 1], [], []>, precision = #tpu.contract_precision<fp32>, transpose_lhs_hint = false} : vector<2500x128xf32>, vector<128x128xf32>, vector<2500x128xf32> -> vector<2500x128xf32>
    %get3A_73 = arith.constant 0 : index
    %get3A_74 = arith.constant 0 : index
    %get3A_75 = vector.load %arg7[%get3A_73, %get3A_74] : memref<1x128xf32, #tpu.memory_space<vmem>>, vector<1x128xf32>
    %add3A_76 = vector.broadcast %get3A_75 : vector<1x128xf32> to vector<2500x128xf32>
    %add3A_77 = arith.addf %dot_general3A_72, %add3A_76 : vector<2500x128xf32>
    %max3A_78 = arith.constant 0.000000e+00 : f32
    %max3A_79 = vector.broadcast %max3A_78 : f32 to vector<2500x128xf32>
    %max3A_80 = arith.maximumf %add3A_77, %max3A_79 : vector<2500x128xf32>
    %get3A_81 = arith.constant 0 : index
    %get3A_82 = arith.constant 0 : index
    %get3A_83 = vector.load %arg8[%get3A_81, %get3A_82] : memref<128x128xf32, #tpu.memory_space<vmem>>, vector<128x128xf32>
    %dot_general3A_84 = arith.constant dense<0.000000e+00> : vector<2500x128xf32>
    %dot_general3A_85 = tpu.matmul %max3A_80, %get3A_83, %dot_general3A_84 {dimension_numbers = #tpu.dot_dimension_numbers<[1], [0], [0], [1], [0, 0, 1, 1], [], []>, precision = #tpu.contract_precision<fp32>, transpose_lhs_hint = false} : vector<2500x128xf32>, vector<128x128xf32>, vector<2500x128xf32> -> vector<2500x128xf32>
    %get3A_86 = arith.constant 0 : index
    %get3A_87 = arith.constant 0 : index
    %get3A_88 = vector.load %arg9[%get3A_86, %get3A_87] : memref<1x128xf32, #tpu.memory_space<vmem>>, vector<1x128xf32>
    %add3A_89 = vector.broadcast %get3A_88 : vector<1x128xf32> to vector<2500x128xf32>
    %add3A_90 = arith.addf %dot_general3A_85, %add3A_89 : vector<2500x128xf32>
    %max3A_91 = arith.constant 0.000000e+00 : f32
    %max3A_92 = vector.broadcast %max3A_91 : f32 to vector<2500x128xf32>
    %max3A_93 = arith.maximumf %add3A_90, %max3A_92 : vector<2500x128xf32>
    %slice3A_94 = vector.extract_strided_slice %max3A_67 {offsets = [0, 128], sizes = [2500, 128], strides = [1, 1]} : vector<2500x256xf32> to vector<2500x128xf32>
    %get3A_95 = arith.constant 0 : index
    %get3A_96 = arith.constant 0 : index
    %get3A_97 = vector.load %arg6[%get3A_95, %get3A_96] : memref<128x128xf32, #tpu.memory_space<vmem>>, vector<128x128xf32>
    %dot_general3A_98 = arith.constant dense<0.000000e+00> : vector<2500x128xf32>
    %dot_general3A_99 = tpu.matmul %slice3A_94, %get3A_97, %dot_general3A_98 {dimension_numbers = #tpu.dot_dimension_numbers<[1], [0], [0], [1], [0, 0, 1, 1], [], []>, precision = #tpu.contract_precision<fp32>, transpose_lhs_hint = false} : vector<2500x128xf32>, vector<128x128xf32>, vector<2500x128xf32> -> vector<2500x128xf32>
    %get3A_100 = arith.constant 0 : index
    %get3A_101 = arith.constant 0 : index
    %get3A_102 = vector.load %arg7[%get3A_100, %get3A_101] : memref<1x128xf32, #tpu.memory_space<vmem>>, vector<1x128xf32>
    %add3A_103 = vector.broadcast %get3A_102 : vector<1x128xf32> to vector<2500x128xf32>
    %add3A_104 = arith.addf %dot_general3A_99, %add3A_103 : vector<2500x128xf32>
    %max3A_105 = arith.constant 0.000000e+00 : f32
    %max3A_106 = vector.broadcast %max3A_105 : f32 to vector<2500x128xf32>
    %max3A_107 = arith.maximumf %add3A_104, %max3A_106 : vector<2500x128xf32>
    %get3A_108 = arith.constant 0 : index
    %get3A_109 = arith.constant 0 : index
    %get3A_110 = vector.load %arg8[%get3A_108, %get3A_109] : memref<128x128xf32, #tpu.memory_space<vmem>>, vector<128x128xf32>
    %dot_general3A_111 = arith.constant dense<0.000000e+00> : vector<2500x128xf32>
    %dot_general3A_112 = tpu.matmul %max3A_107, %get3A_110, %dot_general3A_111 {dimension_numbers = #tpu.dot_dimension_numbers<[1], [0], [0], [1], [0, 0, 1, 1], [], []>, precision = #tpu.contract_precision<fp32>, transpose_lhs_hint = false} : vector<2500x128xf32>, vector<128x128xf32>, vector<2500x128xf32> -> vector<2500x128xf32>
    %get3A_113 = arith.constant 0 : index
    %get3A_114 = arith.constant 0 : index
    %get3A_115 = vector.load %arg9[%get3A_113, %get3A_114] : memref<1x128xf32, #tpu.memory_space<vmem>>, vector<1x128xf32>
    %add3A_116 = vector.broadcast %get3A_115 : vector<1x128xf32> to vector<2500x128xf32>
    %add3A_117 = arith.addf %dot_general3A_112, %add3A_116 : vector<2500x128xf32>
    %max3A_118 = arith.constant 0.000000e+00 : f32
    %max3A_119 = vector.broadcast %max3A_118 : f32 to vector<2500x128xf32>
    %max3A_120 = arith.maximumf %add3A_117, %max3A_119 : vector<2500x128xf32>
    %concatenate3A = tpu.concatenate %max3A_93, %max3A_120 in 1 : vector<2500x128xf32>, vector<2500x128xf32> -> vector<2500x256xf32>
    %swap3A = arith.constant 0 : index
    %swap3A_121 = arith.constant 0 : index
    %swap3A_122 = vector.load %arg10[%swap3A, %swap3A_121] : memref<2500x256xf32, #tpu.memory_space<vmem>>, vector<2500x256xf32>
    tpu.vector_store %arg10[%swap3A, %swap3A_121], %concatenate3A {strides = array<i32>} : memref<2500x256xf32, #tpu.memory_space<vmem>>, vector<2500x256xf32>,
    return
  }
  func.func @transform_0(%arg0: i32) -> (i32, i32) {
    %c0_i32 = arith.constant 0 : i32
    %c0_i32_0 = arith.constant 0 : i32
    return %c0_i32, %arg0 : i32, i32
  }
  func.func @transform_1(%arg0: i32) -> (i32, i32) {
    %c0_i32 = arith.constant 0 : i32
    %c0_i32_0 = arith.constant 0 : i32
    return %c0_i32, %arg0 : i32, i32
  }
  func.func @transform_2(%arg0: i32) -> (i32, i32, i32) {
    %c0_i32 = arith.constant 0 : i32
    %c0_i32_0 = arith.constant 0 : i32
    %c0_i32_1 = arith.constant 0 : i32
    %c0_i32_2 = arith.constant 0 : i32
    return %c0_i32, %c0_i32_0, %c0_i32_1 : i32, i32, i32
  }
  func.func @transform_3(%arg0: i32) -> (i32, i32, i32) {
    %c0_i32 = arith.constant 0 : i32
    %c0_i32_0 = arith.constant 0 : i32
    %c0_i32_1 = arith.constant 0 : i32
    return %c0_i32, %c0_i32_0, %arg0 : i32, i32, i32
  }
  func.func @transform_4(%arg0: i32) -> (i32, i32) {
    %c0_i32 = arith.constant 0 : i32
    %c0_i32_0 = arith.constant 0 : i32
    return %c0_i32, %arg0 : i32, i32
  }
  func.func @transform_5(%arg0: i32) -> (i32, i32) {
    %c0_i32 = arith.constant 0 : i32
    %c0_i32_0 = arith.constant 0 : i32
    %c0_i32_1 = arith.constant 0 : i32
    return %c0_i32, %c0_i32_0 : i32, i32
  }
  func.func @transform_6(%arg0: i32) -> (i32, i32) {
    %c0_i32 = arith.constant 0 : i32
    %c0_i32_0 = arith.constant 0 : i32
    %c0_i32_1 = arith.constant 0 : i32
    return %c0_i32, %c0_i32_0 : i32, i32
  }
  func.func @transform_7(%arg0: i32) -> (i32, i32) {
    %c0_i32 = arith.constant 0 : i32
    %c0_i32_0 = arith.constant 0 : i32
    %c0_i32_1 = arith.constant 0 : i32
    return %c0_i32, %c0_i32_0 : i32, i32
  }
  func.func @transform_8(%arg0: i32) -> (i32, i32) {
    %c0_i32 = arith.constant 0 : i32
    %c0_i32_0 = arith.constant 0 : i32
    %c0_i32_1 = arith.constant 0 : i32
    return %c0_i32, %c0_i32_0 : i32, i32
  }
  func.func @transform_9(%arg0: i32) -> (i32, i32) {
    %c0_i32 = arith.constant 0 : i32
    %c0_i32_0 = arith.constant 0 : i32
    return %c0_i32, %arg0 : i32, i32
  }
}

module attributes {stable_mosaic.version = 14 : i64} {
  func.func @_out_body(%arg0: memref<2x625x256xf32, #tpu.memory_space<vmem>>, %arg1: memref<20000x16xf32, #tpu.memory_space<vmem>>, %arg2: memref<256x2048xf32, #tpu.memory_space<vmem>>, %arg3: memref<16x2048xf32, #tpu.memory_space<vmem>>, %arg4: memref<625x2048xf32, #tpu.memory_space<vmem>>) attributes {dimension_semantics = [], scalar_prefetch = 0 : i64, scratch_operands = 0 : i64, tpu.core_type = #tpu.core_type<tc>} {
    %get3A = arith.constant 0 : index
    %get3A_0 = arith.constant 0 : index
    %get3A_1 = arith.constant 0 : index
    %get3A_2 = vector.load %arg0[%get3A, %get3A_0, %get3A_1] : memref<2x625x256xf32, #tpu.memory_space<vmem>>, vector<1x625x256xf32>
    %get3A_3 = vector.shape_cast %get3A_2 : vector<1x625x256xf32> to vector<625x256xf32>
    %get3A_4 = arith.constant 1 : index
    %get3A_5 = arith.constant 0 : index
    %get3A_6 = arith.constant 0 : index
    %get3A_7 = vector.load %arg0[%get3A_4, %get3A_5, %get3A_6] : memref<2x625x256xf32, #tpu.memory_space<vmem>>, vector<1x625x256xf32>
    %get3A_8 = vector.shape_cast %get3A_7 : vector<1x625x256xf32> to vector<625x256xf32>
    %add3A = arith.addf %get3A_3, %get3A_8 : vector<625x256xf32>
    %get3A_9 = arith.constant 0 : index
    %get3A_10 = arith.constant 0 : index
    %get3A_11 = vector.load %arg1[%get3A_9, %get3A_10] : memref<20000x16xf32, #tpu.memory_space<vmem>>, vector<20000x16xf32>
    %reshape3A = vector.shape_cast %get3A_11 : vector<20000x16xf32> to vector<32x625x16xf32>
    %reduce_sum3A = arith.constant dense<0.000000e+00> : vector<625x16xf32>
    %reduce_sum3A_12 = vector.multi_reduction <add>, %reshape3A, %reduce_sum3A [0] : vector<32x625x16xf32> to vector<625x16xf32>
    %get3A_13 = arith.constant 0 : index
    %get3A_14 = arith.constant 0 : index
    %get3A_15 = vector.load %arg2[%get3A_13, %get3A_14] : memref<256x2048xf32, #tpu.memory_space<vmem>>, vector<256x2048xf32>
    %dot_general3A = arith.constant dense<0.000000e+00> : vector<625x2048xf32>
    %dot_general3A_16 = tpu.matmul %add3A, %get3A_15, %dot_general3A {dimension_numbers = #tpu.dot_dimension_numbers<[1], [0], [0], [1], [0, 0, 1, 1], [], []>, precision = #tpu.contract_precision<fp32>, transpose_lhs_hint = false} : vector<625x256xf32>, vector<256x2048xf32>, vector<625x2048xf32> -> vector<625x2048xf32>
    %get3A_17 = arith.constant 0 : index
    %get3A_18 = arith.constant 0 : index
    %get3A_19 = vector.load %arg3[%get3A_17, %get3A_18] : memref<16x2048xf32, #tpu.memory_space<vmem>>, vector<16x2048xf32>
    %dot_general3A_20 = arith.constant dense<0.000000e+00> : vector<625x2048xf32>
    %dot_general3A_21 = tpu.matmul %reduce_sum3A_12, %get3A_19, %dot_general3A_20 {dimension_numbers = #tpu.dot_dimension_numbers<[1], [0], [0], [1], [0, 0, 1, 1], [], []>, precision = #tpu.contract_precision<fp32>, transpose_lhs_hint = false} : vector<625x16xf32>, vector<16x2048xf32>, vector<625x2048xf32> -> vector<625x2048xf32>
    %add3A_22 = arith.addf %dot_general3A_16, %dot_general3A_21 : vector<625x2048xf32>
    %swap3A = arith.constant 0 : index
    %swap3A_23 = arith.constant 0 : index
    %swap3A_24 = vector.load %arg4[%swap3A, %swap3A_23] : memref<625x2048xf32, #tpu.memory_space<vmem>>, vector<625x2048xf32>
    tpu.vector_store %arg4[%swap3A, %swap3A_23], %add3A_22 {strides = array<i32>} : memref<625x2048xf32, #tpu.memory_space<vmem>>, vector<625x2048xf32>,
    return
  }
}

</mosaic_0001>

<sc_bundles>
// kernel: kernel.10.cloned.1.call-start
scs
__scs_entry_jumppad:
0x0: {  	(pc) =	sbr.rel $0x88, $3  }
0x1: {  	(tag) =	ssettag $0x0;
	lr =	simm.s32 $0x1  }
0x2: {  	[smem:$0x3F96] =	sst lr;
	_ =	strace $0xD0000000  }
0x3: {  	_ = 	snop  }
0x4: {  	_ = 	snop  }
0x5: {  	_ = 	snop  }
0x6: {  	_ = 	snop  }
0x7: {  	_ = 	snop  }
__scs_overlays_trampoline_lowered:
0x8: {  	[smem:$0x3FA5] =	sst s0  }
0x9: {  	[smem:$0x3FA6] =	sst s1  }
0xa: {  	[smem:$0x3FA7] =	sst s2  }
0xb: {  	[smem:$0x3FA8] =	sst s3  }
0xc: {  	[smem:$0x3FA9] =	sst s4  }
0xd: {  	[smem:$0x3FAA] =	sst s5  }
0xe: {  	[smem:$0x3FAB] =	sst s6  }
0xf: {  	[smem:$0x3FAC] =	sst s7  }
0x10: {  	[smem:$0x3FAD] =	sst s8  }
0x11: {  	[smem:$0x3FAE] =	sst s9;
	s0 =	simm.s32 @!p0 $0x0  }
0x12: {  	s1 =	sld [smem:$0x3F94];
	s0 =	simm.s32 @p0 $0x1  }
0x13: {  	[smem:$0x3FAF] =	sst s0;
	s0 =	simm.s32 @!p1 $0x0  }
0x14: {  	s2 =	sld [smem:$0x3F93];
	s0 =	simm.s32 @p1 $0x1  }
0x15: {  	[smem:$0x3FB0] =	sst s0;
	s0 =	simm.s32 @!p2 $0x0  }
0x16: {  	s3 =	sld [smem:$0x3FDB];
	s0 =	simm.s32 @p2 $0x1  }
0x17: {  	s4 =	simm.s32 $0x1BF5;
	[smem:$0x3FB2] =	sst s0  }
0x18: {  	s0 =	sld [smem:$0x3F95];
	_ =	swait.ge [sflag:s4], $0x0  }
0x19: {  	s7 =	sld [smem:$0x3F96]  }
0x1a: {  	s8 =	sadd.s32 $0xFFFFE003, lr  }
0x1b: {  	s9 =	sadd.s32 $0xFFFFFEF7, lr;
	s5 =	simm.s32 $0xFFFFFFFF;
	p2 =	slt.u32 s8, $0xFFFFF086  }
0x1c: {  	p1 =	slt.u32 s9, $0xF7A;
	s5 =	simm.s32 @!p2 $0x0  }
0x1d: {  	s5 =	simm.s32 @p1 $0x1;
	p0 =	seq.s32 s7, s2  }
0x1e: {  	s7 =	smul.u32 @!p0 $0xF7A, s2;
	p2 =	seq.s32 @!p0 s5, $0x0  }
0x1f: {  	s9 =	smul.u32 $0xF7A, s1;
	s8 =	simm.s32 @!p0 $0x1BF5;
	p2 =	por !p2, p0  }
0x20: {  	[sflag:s8] =	ssyncset.s32 @!p0 $0xFFFFF086;
	s6 =	sadd.s32 @!p0 s3, s7;
	s7 =	simm.s32 @!p0 $0x108  }
0x21: {  	s3 =	sadd.s32 s3, s9;
	s6 =	sadd.s32 @!p0 $0x88, s6;
	s7 =	simm.s32 @p2 $0x1082  }
0x22: {  	[simem:s7], [sflag:s8] =	dma.local @!p0 [hbm:s6], $0xF7A  }
0x23: {  	s9 =	sor.u32 $0xD0000000, s2;
	s6 =	simm.s32 $0x108;
	_ =	swait.ge @!p0 [sflag:s8], $0x0  }
0x24: {  	s3 =	sadd.s32 $0x88, s3;
	s6 =	simm.s32 @!p1 $0x1082;
	[sflag:s4] =	ssyncset.s32 $0xFFFFF086  }
0x25: {  	[simem:s6], [sflag:s4] =	dma.local [hbm:s3], $0xF7A  }
0x26: {  	[smem:$0x3F96] =	sst s1;
	(tag) =	ssettag s2;
	_ =	strace s9  }
0x27: {  	s1 =	sld [smem:$0x3FA6]  }
0x28: {  	s2 =	sld [smem:$0x3FA7]  }
0x29: {  	s4 =	sld [smem:$0x3FA9]  }
0x2a: {  	p0 =	seq.s32 s5, $0x0;
	s5 =	sld [smem:$0x3FAA]  }
0x2b: {  	s6 =	sld [smem:$0x3FAB]  }
0x2c: {  	s7 =	sld [smem:$0x3FAC]  }
0x2d: {  	s3 =	simm.s32 $0x108;
	s8 =	sld [smem:$0x3FAD]  }
0x2e: {  	s3 =	simm.s32 @!p0 $0x1082;
	s9 =	sld [smem:$0x3FAE]  }
0x2f: {  	lr =	sadd.s32 s0, s3;
	s0 =	sld [smem:$0x3FA5]  }
0x30: {  	s3 =	sld [smem:$0x3FA8]  }
0x31: {  	[smem:$0x3FB1] =	sst s10  }
0x32: {  	s10 =	sld [smem:$0x3FAF];
	_ =	sdelay $0x3  }
0x33: {  	p0 =	seq.s32 s10, $0x1;
	s10 =	sld [smem:$0x3FB1];
	_ =	sdelay $0x3  }
0x34: {  	[smem:$0x3FB1] =	sst s10  }
0x35: {  	s10 =	sld [smem:$0x3FB0];
	_ =	sdelay $0x3  }
0x36: {  	p1 =	seq.s32 s10, $0x1;
	s10 =	sld [smem:$0x3FB1];
	_ =	sdelay $0x3  }
0x37: {  	[smem:$0x3FB1] =	sst s10  }
0x38: {  	s10 =	sld [smem:$0x3FB2]  }
0x39: {  	_ = 	snop;
	(pc) =	sbr.ind lr, $3  }
0x3a: {  	_ = 	snop  }
0x3b: {  	_ = 	snop  }
0x3c: {  	p2 =	seq.s32 s10, $0x1;
	s10 =	sld [smem:$0x3FB1]  }
0x3d: {  	_ =	shalt  }
0x3e: {  	_ =	shalt  }
0x3f: {  	_ =	shalt  }
0x40: {  	_ =	shalt  }
0x41: {  	_ =	shalt  }
0x42: {  	_ =	shalt  }
0x43: {  	_ =	shalt  }
0x44: {  	_ =	shalt  }
0x45: {  	_ =	shalt  }
0x46: {  	_ =	shalt  }
0x47: {  	_ =	shalt  }
0x48: {  	_ =	shalt  }
0x49: {  	_ =	shalt  }
0x4a: {  	_ =	shalt  }
0x4b: {  	_ =	shalt  }
0x4c: {  	_ =	shalt  }
0x4d: {  	_ =	shalt  }
0x4e: {  	_ =	shalt  }
0x4f: {  	_ =	shalt  }
0x50: {  	_ =	shalt  }
0x51: {  	_ =	shalt  }
0x52: {  	_ =	shalt  }
0x53: {  	_ =	shalt  }
0x54: {  	_ =	shalt  }
0x55: {  	_ =	shalt  }
0x56: {  	_ =	shalt  }
0x57: {  	_ =	shalt  }
0x58: {  	_ =	shalt  }
0x59: {  	_ =	shalt  }
0x5a: {  	_ =	shalt  }
0x5b: {  	_ =	shalt  }
0x5c: {  	_ =	shalt  }
0x5d: {  	_ =	shalt  }
0x5e: {  	_ =	shalt  }
0x5f: {  	_ =	shalt  }
0x60: {  	_ =	shalt  }
0x61: {  	_ =	shalt  }
0x62: {  	_ =	shalt  }
0x63: {  	_ =	shalt  }
0x64: {  	_ =	shalt  }
0x65: {  	_ =	shalt  }
0x66: {  	_ =	shalt  }
0x67: {  	_ =	shalt  }
0x68: {  	_ =	shalt  }
0x69: {  	_ =	shalt  }
0x6a: {  	_ =	shalt  }
0x6b: {  	_ =	shalt  }
0x6c: {  	_ =	shalt  }
0x6d: {  	_ =	shalt  }
0x6e: {  	_ =	shalt  }
0x6f: {  	_ =	shalt  }
0x70: {  	_ =	shalt  }
0x71: {  	_ =	shalt  }
0x72: {  	_ =	shalt  }
0x73: {  	_ =	shalt  }
0x74: {  	_ =	shalt  }
0x75: {  	_ =	shalt  }
0x76: {  	_ =	shalt  }
0x77: {  	_ =	shalt  }
0x78: {  	_ =	shalt  }
0x79: {  	_ =	shalt  }
0x7a: {  	_ =	shalt  }
0x7b: {  	_ =	shalt  }
0x7c: {  	_ =	shalt  }
0x7d: {  	_ =	shalt  }
0x7e: {  	_ =	shalt  }
0x7f: {  	_ =	shalt  }
0x80: {  	_ =	shalt  }
0x81: {  	_ =	shalt  }
0x82: {  	_ =	shalt  }
0x83: {  	_ =	shalt  }
0x84: {  	_ =	shalt  }
0x85: {  	_ =	shalt  }
0x86: {  	_ =	shalt  }
0x87: {  	_ =	shalt  }
.Lfunc_end0:
.L_simem_size_0:
called_computation.1_lowered:
.L_overlay_start_0:
0x88: {  	s2 =	sld [smem:$0x3FD9]  }
0x89: {  	s3 =	sld [smem:$0x3FFE];
	_ =	sdelay $0x1  }
0x8a: {  	s1 =	srdreg.scid  }
0x8b: {  	s0 =	sand.u32 $0x1, s1  }
0x8c: {  	s17 =	sshll.u32 s0, $0xA;
	s2 =	sadd.s32 s3, s2  }
0x8d: {  	s2 =	sadd.s32 s2, s17  }
0x8e: {  	[smem:$0x3FBD] =	sst s2  }
0x8f: {  	_ = 	snop  }
0x90: {  	s2 =	sld [smem:$0x3FD0];
	(tm) =	ssettm $0x1  }
0x91: {  	s18 =	sld [smem:$0x3FFB];
	_ =	sdelay $0x3  }
0x92: {  	_ =	strace s18  }
0x93: {  	s3 =	sld [smem:$0x3FFC];
	_ =	sdelay $0x3  }
0x94: {  	_ =	strace s3  }
0x95: {  	s3 =	sld [smem:$0x3FFD];
	_ =	sdelay $0x3  }
0x96: {  	_ =	strace s3  }
0x97: {  	_ =	strace $0x8FFFFFFF  }
0x98: {  	s19 =	sld [smem:$0x3FDB];
	_ =	sdelay $0x1  }
0x99: {  	s4 =	simm.s32 $_scs_section_size  }
0x9a: {  	s5 =	simm.s32 $_size__tile_overlayer_lowered;
	s6 =	simm.s32 $_tile_overlayer_lowered  }
0x9b: {  	s22 =	simm.s32 $0x1BFF;
	s21 =	sshll.u32 s6, $0x1;
	s3 =	sadd.s32 s4, s19  }
0x9c: {  	s7 =	simm.s32 $0x0;
	s20 =	sshll.u32 s5, $0x1;
	s5 =	sadd.s32 s21, s3  }
0x9d: {  	[timem:s7], [sflag:s22] =	dma.local [hbm:s5], s20  }
0x9e: {  	_ =	swait.ge [sflag:s22], s20  }
0x9f: {  	s4 =	ssub.s32 $0x0, s20;
	[sflag:s22] =	ssyncset.done $0x0  }
0xa0: {  	[sflag:s22] =	ssyncadd.s32 s4;
	_ =	sdelay $0x1  }
0xa1: {  	s23 =	simm.s32 $0x1B8B  }
0xa2: {  	_ =	swait.ge [sflag:s23], $0x1  }
0xa3: {  	[sflag:s23] =	ssyncset.done $0x0  }
0xa4: {  	s25 =	simm.s32 $0x1B8E;
	s24 =	sld [smem:$0x3FFE];
	[sflag:s23] =	ssyncadd.s32 $0xFFFFFFFF  }
0xa5: {  	s26 =	simm.s32 $execute0_lowered;
	[smem:$0x3FD2] =	sst s25  }
0xa6: {  	s5 =	sshll.u32 s26, $0x1;
	_ =	strace $0x80000049;
	[dreg:$0x1] =	wrdreg $0xFFFFFFFF  }
0xa7: {  	s28 =	simm.s32 $_size_execute0_lowered;
	s3 =	sadd.s32 s3, s5;
	[dreg:$0x0] =	wrdreg $0x0  }
0xa8: {  	s5 =	sshll.u32 s28, $0x1;
	[dreg:$0x2] =	wrdreg s3  }
0xa9: {  	[dreg:$0x3] =	wrdreg s5  }
0xaa: {  	[dreg:$0x4] =	wrdreg $0xC0  }
0xab: {  	_ =	task [dreg:s7], $0x5FFFF  }
0xac: {  	[dreg:$0x1] =	wrdreg $0xFFFFFFFF  }
0xad: {  	[dreg:$0x0] =	wrdreg $0x60  }
0xae: {  	[dreg:$0x2] =	wrdreg s24  }
0xaf: {  	[dreg:$0x3] =	wrdreg s2  }
0xb0: {  	[dreg:$0x4] =	wrdreg $0x80200  }
0xb1: {  	[dreg:$0x5] =	wrdreg $0x9  }
0xb2: {  	_ =	task.clear_ibuf [dreg:s7], $0x6FFFF;
	_ =	strace $0x90000049  }
0xb3: {  	s29 =	simm.s32 $0x9;
	_ =	strace $0x8000004B  }
0xb4: {  	_ =	swait.ge [sflag:s29], $0x1  }
0xb5: {  	[sflag:s29] =	ssyncadd.s32 $0xFFFFFFFF  }
0xb6: {  	_ =	strace $0x9000004B  }
0xb7: {  	_ =	sfence  }
0xb8: {  	s30 =	sld [smem:$0x0];
	_ =	sdelay $0x2  }
0xb9: {  	s31 =	sshll.u32 s1, $0xD;
	s1 =	sshrl.u32 s1, $0x2  }
0xba: {  	s3 =	sand.u32 $0x4000, s31;
	s1 =	sadd.s32 s1, s30  }
0xbb: {  	s0 =	sor.u32 s3, s0;
	s1 =	sshll.u32 s1, $0x11  }
0xbc: {  	s0 =	sor.u32 s1, s0  }
0xbd: {  	s0 =	sadd.s32 $0x8F2B, s0  }
0xbe: {  	[sflag:s0] =	ssyncadd.remote.s32 $0x1  }
0xbf: {  	_ =	sfence.sel $0xFFFF  }
0xc0: {  	[dreg:$0x0] =	wrdreg $0xFFFFFFFF;
	(pc) =	sbr.abs _section_cstart, $3  }
0xc1: {  	[dreg:$0x1] =	wrdreg $0xFFFFFFFF  }
0xc2: {  	_ =	task.clear_ibuf [dreg:s7], $0x2FFFF;
	_ =	strace $0x9FFFFFFF  }
0xc3: {  	(tm) =	ssettm $0x7FFFFFFF  }
tec
execute0_lowered:
.L_overlay_start_1:
0x0: {  	(tag) =	ssettag $0x1  }
0x1: {  	s0 =	rddreg [dreg:$0x0]  }
0x2: {  	s4 =	rddreg [dreg:$0x1]  }
0x3: {  	s1 =	rddreg [dreg:$0x2]  }
0x4: {  	s2 =	srdreg.scid;
	s9 =	stileid.u32  }
0x5: {  	s14 =	simm.s32 $0x1;
	s15 =	simm.s32 $0x50;
	s16 =	simm.s32 $0x2C10  }
0x6: {  	s17 =	simm.s32 $0x3110;
	s18 =	simm.s32 $0x3610;
	s19 =	simm.s32 $0x3B10  }
0x7: {  	s20 =	simm.s32 $0x2;
	s21 =	simm.s32 $0x4510;
	s22 =	simm.s32 $0x4A10  }
0x8: {  	s23 =	simm.s32 $0x4F10;
	s24 =	simm.s32 $0x5410;
	s25 =	simm.s32 $0x3  }
0x9: {  	s28 =	simm.s32 $0x5910;
	s29 =	simm.s32 $0x0;
	s5 =	sand.u32 $0x1, s2  }
0xa: {  	s3 =	sshll.u32 s9, $0x1;
	s2 =	simm.s32 $0x0;
	s8 =	sadd.s32 $0x2000, s0  }
0xb: {  	s26 =	sadd.s32 $0x9E400, s0;
	s13 =	smul.u32 $0x9C40, s9;
	p0 =	sne.s32 s9, $0x0  }
0xc: {  	s10 =	smul.u32 $0x4E20, s5;
	s3 =	sor.u32 s5, s3;
	[smem:$0x7FF] =	sst s2  }
0xd: {  	s5 =	ssub.s32 $0x2, s5;
	s6 =	smul.u32 $0x2710, s3;
	_ =	strace $0x8000004A  }
0xe: {  	s7 =	smul.u32 $0x27100, s3;
	[dreg:$0x4] =	wrdreg s26;
	s12 =	sshrl.u32 s5, $0x1  }
0xf: {  	s30 =	sadd.s32 s13, s8;
	s13 =	simm.s32 $0x4010;
	s26 =	simm.s32 $0x4  }
0x10: {  	s11 =	sadd.s32 s10, s0;
	s12 =	ssub.s32 s5, s12;
	s31 =	sadd.s32 s10, s30  }
0x11: {  	s10 =	sshrl.u32 @!p0 s1, $0x3;
	s6 =	sshrl.u32 s6, $0x3;
	s7 =	sshrl.u32 s7, $0x3  }
0x12: {  	s0 =	sadd.s32 s6, s0;
	s7 =	sadd.s32 s8, s7;
	s4 =	sadd.s32 s4, s6  }
0x13: {  	s6 =	sadd.s32 $0xAD200, s11;
	s8 =	smax.u32 s12, $0x1;
	s11 =	simm.s32 $0x5  }
0x14: {  	v0 =	vimm.f32 $0.0e+00;
	v1 =	vimm.f32 $1.000000000e+00;
	s12 =	simm.s32 $0x2710;
	s5 =	sadd.s32 $0x4B00, s7;
	s7 =	sadd.s32 $0xA3400, s0  }
.LBB2_1:
0x15: {  	s9 =	simm.s32 @!p0 $0x1C05;
	s0 =	rddreg [dreg:$0x4]  }
0x16: {  	[spmem:s10], [sflag:s9] =	dma.local @!p0 [hbm:s0], $0x4E20  }
0x17: {  	s9 =	simm.s32 @!p0 $0x5  }
0x18: {  	_ =	swait.ge @!p0 [sflag:s9], $0x4E20  }
0x19: {  	[sflag:s9] =	ssyncset.done @!p0 $0x0  }
0x1a: {  	[sflag:s9] =	ssyncadd.s32 @!p0 $0xFFFFB1E0  }
0x1b: {  	[tilespmem:s2], [sflag:$0x5] =	stream.linear.gather [hbm4b:s4+s2], $0x2710, $0x38;
	[tilespmem:$0xA730] =	vst v63  }
0x1c: {  	_ =	swait.ge [sflag:s11], $0x2710  }
0x1d: {  	[sflag:s11] =	ssyncset.done $0x0  }
0x1e: {  	s30 =	simm.s32 $0x100;
	s9 =	simm.s32 $0x0;
	[sflag:s11] =	ssyncadd.s32 $0xFFFFD8F0  }
.LBB2_2:
0x1f: {  	p1 =	sne.s32 s30, $0x9C00;
	[tilespmem:s9+$0x5940] =	vst v0;
	s0 =	smov.u32 s30;
	s30 =	sadd.s32 $0x100, s30  }
.Ltmp0:
0x20: {  	[tilespmem:s9+$0x5930] =	vst v0;
	(pc) =	sbr.rel @p1 .LBB2_2-.Ltmp0, $3  }
0x21: {  	[tilespmem:s9+$0x5910] =	vst v0  }
0x22: {  	[tilespmem:s9+$0x5920] =	vst v0;
	_ =	sdelay $0x1  }
0x23: {  	s9 =	sshra.s32 s0, $0x2  }
0x24: {  	[tilespmem:s9+$0x5940] =	vst v0  }
0x25: {  	[tilespmem:s9+$0x5930] =	vst v0  }
0x26: {  	[tilespmem:s9+$0x5910] =	vst v0  }
0x27: {  	[tilespmem:s9+$0x5920] =	vst v0  }
0x28: {  	[bflag:$0x0] =	sbarrier.arrive $0xFFFF  }
0x29: {  	[tilespmem:s12], [sflag:$0x1] =	stream.linear.gather [hbm4b:s31+s2], $0x1900, $0x38;
	[tilespmem:$0xA730] =	vst v63  }
0x2a: {  	s0 =	sadd.s32 $0x320, s31  }
0x2b: {  	[tilespmem:s13], [sflag:$0x2] =	stream.linear.gather [hbm4b:s0+s2], $0x1900, $0x38;
	[tilespmem:$0xA730] =	vst v63  }
0x2c: {  	_ =	swait.ge [sflag:s14], $0x1900  }
0x2d: {  	[sflag:s14] =	ssyncset.done $0x0  }
0x2e: {  	s3 =	simm.s32 $0x0;
	[sflag:s14] =	ssyncadd.s32 $0xFFFFE700  }
0x2f: {  	[spmem:s1] =	stream.indirect.scatter.add.f32 [tilespmem:s12], [sflag:$0x3], $0x10, s3, s15, $0xb8;
	[tilespmem:$0xA730] =	vst v63  }
0x30: {  	s9 =	simm.s32 $0x50  }
0x31: {  	[spmem:s1] =	stream.indirect.scatter.add.f32 [tilespmem:s16], [sflag:$0x3], $0x10, s9, s15, $0xb8;
	[tilespmem:$0xA730] =	vst v63  }
0x32: {  	s3 =	simm.s32 $0xA0  }
0x33: {  	[spmem:s1] =	stream.indirect.scatter.add.f32 [tilespmem:s17], [sflag:$0x3], $0x10, s3, s15, $0xb8;
	[tilespmem:$0xA730] =	vst v63  }
0x34: {  	s9 =	simm.s32 $0xF0  }
0x35: {  	[spmem:s1] =	stream.indirect.scatter.add.f32 [tilespmem:s18], [sflag:$0x3], $0x10, s9, s15, $0xb8;
	[tilespmem:$0xA730] =	vst v63  }
0x36: {  	s3 =	simm.s32 $0x140  }
0x37: {  	[spmem:s1] =	stream.indirect.scatter.add.f32 [tilespmem:s19], [sflag:$0x3], $0x10, s3, s15, $0xb8;
	[tilespmem:$0xA730] =	vst v63  }
0x38: {  	_ =	swait.ge [sflag:s20], $0x1900  }
0x39: {  	[sflag:s20] =	ssyncset.done $0x0  }
0x3a: {  	s9 =	simm.s32 $0x190;
	[sflag:s20] =	ssyncadd.s32 $0xFFFFE700  }
0x3b: {  	[spmem:s1] =	stream.indirect.scatter.add.f32 [tilespmem:s13], [sflag:$0x4], $0x10, s9, s15, $0xb8;
	[tilespmem:$0xA730] =	vst v63  }
0x3c: {  	s3 =	simm.s32 $0x1E0  }
0x3d: {  	[spmem:s1] =	stream.indirect.scatter.add.f32 [tilespmem:s21], [sflag:$0x4], $0x10, s3, s15, $0xb8;
	[tilespmem:$0xA730] =	vst v63  }
0x3e: {  	s9 =	simm.s32 $0x230  }
0x3f: {  	[spmem:s1] =	stream.indirect.scatter.add.f32 [tilespmem:s22], [sflag:$0x4], $0x10, s9, s15, $0xb8;
	[tilespmem:$0xA730] =	vst v63  }
0x40: {  	s3 =	simm.s32 $0x280  }
0x41: {  	[spmem:s1] =	stream.indirect.scatter.add.f32 [tilespmem:s23], [sflag:$0x4], $0x10, s3, s15, $0xb8;
	[tilespmem:$0xA730] =	vst v63  }
0x42: {  	s9 =	simm.s32 $0x2D0  }
0x43: {  	[spmem:s1] =	stream.indirect.scatter.add.f32 [tilespmem:s24], [sflag:$0x4], $0x10, s9, s15, $0xb8;
	[tilespmem:$0xA730] =	vst v63  }
0x44: {  	_ =	swait.ge [sflag:s25], $0x500  }
0x45: {  	[sflag:s25] =	ssyncset.done $0x0  }
0x46: {  	[sflag:s25] =	ssyncadd.s32 $0xFFFFFB00  }
0x47: {  	_ =	swait.ge [sflag:s25], $0x500  }
0x48: {  	[sflag:s25] =	ssyncset.done $0x0  }
0x49: {  	[sflag:s25] =	ssyncadd.s32 $0xFFFFFB00  }
0x4a: {  	_ =	swait.ge [sflag:s25], $0x500  }
0x4b: {  	[sflag:s25] =	ssyncset.done $0x0  }
0x4c: {  	[sflag:s25] =	ssyncadd.s32 $0xFFFFFB00  }
0x4d: {  	_ =	swait.ge [sflag:s25], $0x500  }
0x4e: {  	[sflag:s25] =	ssyncset.done $0x0  }
0x4f: {  	[sflag:s25] =	ssyncadd.s32 $0xFFFFFB00  }
0x50: {  	_ =	swait.ge [sflag:s25], $0x500  }
0x51: {  	[sflag:s25] =	ssyncset.done $0x0  }
0x52: {  	[sflag:s25] =	ssyncadd.s32 $0xFFFFFB00  }
0x53: {  	_ =	swait.ge [sflag:s26], $0x500  }
0x54: {  	[sflag:s26] =	ssyncset.done $0x0  }
0x55: {  	[sflag:s26] =	ssyncadd.s32 $0xFFFFFB00  }
0x56: {  	_ =	swait.ge [sflag:s26], $0x500  }
0x57: {  	[sflag:s26] =	ssyncset.done $0x0  }
0x58: {  	[sflag:s26] =	ssyncadd.s32 $0xFFFFFB00  }
0x59: {  	_ =	swait.ge [sflag:s26], $0x500  }
0x5a: {  	[sflag:s26] =	ssyncset.done $0x0  }
0x5b: {  	[sflag:s26] =	ssyncadd.s32 $0xFFFFFB00  }
0x5c: {  	_ =	swait.ge [sflag:s26], $0x500  }
0x5d: {  	[sflag:s26] =	ssyncset.done $0x0  }
0x5e: {  	[sflag:s26] =	ssyncadd.s32 $0xFFFFFB00  }
0x5f: {  	_ =	swait.ge [sflag:s26], $0x500  }
0x60: {  	s30 =	simm.s32 $0xC80;
	s9 =	smov.u32 s31;
	[sflag:s26] =	ssyncset.done $0x0  }
.LBB2_4:
0x61: {  	p1 =	sne.s32 s30, $0x8980;
	[sflag:s26] =	ssyncadd.s32 $0xFFFFFB00;
	s9 =	sadd.s32 $0x640, s9  }
0x62: {  	[tilespmem:s12], [sflag:$0x1] =	stream.linear.gather [hbm4b:s9+s2], $0x1900, $0x38;
	[tilespmem:$0xA730] =	vst v63  }
0x63: {  	s3 =	smov.u32 s30;
	s30 =	sadd.s32 $0xC80, s30;
	s0 =	sadd.s32 $0x320, s9  }
0x64: {  	[tilespmem:s13], [sflag:$0x2] =	stream.linear.gather [hbm4b:s0+s2], $0x1900, $0x38;
	[tilespmem:$0xA730] =	vst v63  }
0x65: {  	_ =	swait.ge [sflag:s14], $0x1900  }
0x66: {  	[sflag:s14] =	ssyncset.done $0x0  }
0x67: {  	s0 =	sshra.s32 s3, $0x2;
	[sflag:s14] =	ssyncadd.s32 $0xFFFFE700  }
0x68: {  	[spmem:s1] =	stream.indirect.scatter.add.f32 [tilespmem:s12], [sflag:$0x3], $0x10, s0, s15, $0xb8;
	[tilespmem:$0xA730] =	vst v63  }
0x69: {  	s3 =	sadd.s32 $0x50, s0  }
0x6a: {  	[spmem:s1] =	stream.indirect.scatter.add.f32 [tilespmem:s16], [sflag:$0x3], $0x10, s3, s15, $0xb8;
	[tilespmem:$0xA730] =	vst v63  }
0x6b: {  	s3 =	sadd.s32 $0xA0, s0  }
0x6c: {  	[spmem:s1] =	stream.indirect.scatter.add.f32 [tilespmem:s17], [sflag:$0x3], $0x10, s3, s15, $0xb8;
	[tilespmem:$0xA730] =	vst v63  }
0x6d: {  	s3 =	sadd.s32 $0xF0, s0  }
0x6e: {  	[spmem:s1] =	stream.indirect.scatter.add.f32 [tilespmem:s18], [sflag:$0x3], $0x10, s3, s15, $0xb8;
	[tilespmem:$0xA730] =	vst v63  }
0x6f: {  	s3 =	sadd.s32 $0x140, s0  }
0x70: {  	[spmem:s1] =	stream.indirect.scatter.add.f32 [tilespmem:s19], [sflag:$0x3], $0x10, s3, s15, $0xb8;
	[tilespmem:$0xA730] =	vst v63  }
0x71: {  	_ =	swait.ge [sflag:s20], $0x1900  }
0x72: {  	[sflag:s20] =	ssyncset.done $0x0  }
0x73: {  	s3 =	sadd.s32 $0x190, s0;
	[sflag:s20] =	ssyncadd.s32 $0xFFFFE700  }
0x74: {  	[spmem:s1] =	stream.indirect.scatter.add.f32 [tilespmem:s13], [sflag:$0x4], $0x10, s3, s15, $0xb8;
	[tilespmem:$0xA730] =	vst v63  }
0x75: {  	s3 =	sadd.s32 $0x1E0, s0  }
0x76: {  	[spmem:s1] =	stream.indirect.scatter.add.f32 [tilespmem:s21], [sflag:$0x4], $0x10, s3, s15, $0xb8;
	[tilespmem:$0xA730] =	vst v63  }
0x77: {  	s3 =	sadd.s32 $0x230, s0  }
0x78: {  	[spmem:s1] =	stream.indirect.scatter.add.f32 [tilespmem:s22], [sflag:$0x4], $0x10, s3, s15, $0xb8;
	[tilespmem:$0xA730] =	vst v63  }
0x79: {  	s3 =	sadd.s32 $0x280, s0  }
0x7a: {  	[spmem:s1] =	stream.indirect.scatter.add.f32 [tilespmem:s23], [sflag:$0x4], $0x10, s3, s15, $0xb8;
	[tilespmem:$0xA730] =	vst v63  }
0x7b: {  	s0 =	sadd.s32 $0x2D0, s0  }
0x7c: {  	[spmem:s1] =	stream.indirect.scatter.add.f32 [tilespmem:s24], [sflag:$0x4], $0x10, s0, s15, $0xb8;
	[tilespmem:$0xA730] =	vst v63  }
0x7d: {  	_ =	swait.ge [sflag:s25], $0x500  }
0x7e: {  	[sflag:s25] =	ssyncset.done $0x0  }
0x7f: {  	[sflag:s25] =	ssyncadd.s32 $0xFFFFFB00  }
0x80: {  	_ =	swait.ge [sflag:s25], $0x500  }
0x81: {  	[sflag:s25] =	ssyncset.done $0x0  }
0x82: {  	[sflag:s25] =	ssyncadd.s32 $0xFFFFFB00  }
0x83: {  	_ =	swait.ge [sflag:s25], $0x500  }
0x84: {  	[sflag:s25] =	ssyncset.done $0x0  }
0x85: {  	[sflag:s25] =	ssyncadd.s32 $0xFFFFFB00  }
0x86: {  	_ =	swait.ge [sflag:s25], $0x500  }
0x87: {  	[sflag:s25] =	ssyncset.done $0x0  }
0x88: {  	[sflag:s25] =	ssyncadd.s32 $0xFFFFFB00  }
0x89: {  	_ =	swait.ge [sflag:s25], $0x500  }
0x8a: {  	[sflag:s25] =	ssyncset.done $0x0  }
0x8b: {  	[sflag:s25] =	ssyncadd.s32 $0xFFFFFB00  }
0x8c: {  	_ =	swait.ge [sflag:s26], $0x500  }
0x8d: {  	[sflag:s26] =	ssyncset.done $0x0  }
0x8e: {  	[sflag:s26] =	ssyncadd.s32 $0xFFFFFB00  }
0x8f: {  	_ =	swait.ge [sflag:s26], $0x500  }
0x90: {  	[sflag:s26] =	ssyncset.done $0x0  }
0x91: {  	[sflag:s26] =	ssyncadd.s32 $0xFFFFFB00  }
0x92: {  	_ =	swait.ge [sflag:s26], $0x500  }
0x93: {  	[sflag:s26] =	ssyncset.done $0x0  }
0x94: {  	[sflag:s26] =	ssyncadd.s32 $0xFFFFFB00  }
.Ltmp1:
0x95: {  	_ =	swait.ge [sflag:s26], $0x500;
	(pc) =	sbr.rel @p1 .LBB2_4-.Ltmp1, $4  }
0x96: {  	[sflag:s26] =	ssyncset.done $0x0  }
0x97: {  	[sflag:s26] =	ssyncadd.s32 $0xFFFFFB00  }
0x98: {  	_ =	swait.ge [sflag:s26], $0x500  }
0x99: {  	[sflag:s26] =	ssyncset.done $0x0  }
0x9a: {  	[sflag:s26] =	ssyncadd.s32 $0xFFFFFB00;
	s9 =	simm.s32 $0x0  }
0x9b: {  	[tilespmem:s12], [sflag:$0x5] =	stream.linear.gather [hbm4b:s5+s9], $0x1900, $0x38;
	[tilespmem:$0xA730] =	vst v63  }
0x9c: {  	_ =	swait.ge [sflag:s11], $0x1900  }
0x9d: {  	[sflag:s11] =	ssyncset.done $0x0  }
0x9e: {  	s0 =	simm.s32 $0x2580;
	[sflag:s11] =	ssyncadd.s32 $0xFFFFE700  }
0x9f: {  	[spmem:s1] =	stream.indirect.scatter.add.f32 [tilespmem:s12], [sflag:$0x3], $0x10, s0, s15, $0xb8;
	[tilespmem:$0xA730] =	vst v63  }
0xa0: {  	s3 =	simm.s32 $0x25D0  }
0xa1: {  	[spmem:s1] =	stream.indirect.scatter.add.f32 [tilespmem:s16], [sflag:$0x3], $0x10, s3, s15, $0xb8;
	[tilespmem:$0xA730] =	vst v63  }
0xa2: {  	s30 =	simm.s32 $0x2620  }
0xa3: {  	[spmem:s1] =	stream.indirect.scatter.add.f32 [tilespmem:s17], [sflag:$0x3], $0x10, s30, s15, $0xb8;
	[tilespmem:$0xA730] =	vst v63  }
0xa4: {  	s3 =	simm.s32 $0x2670  }
0xa5: {  	[spmem:s1] =	stream.indirect.scatter.add.f32 [tilespmem:s18], [sflag:$0x3], $0x10, s3, s15, $0xb8;
	[tilespmem:$0xA730] =	vst v63  }
0xa6: {  	s30 =	simm.s32 $0x26C0  }
0xa7: {  	[spmem:s1] =	stream.indirect.scatter.add.f32 [tilespmem:s19], [sflag:$0x3], $0x10, s30, s15, $0xb8;
	[tilespmem:$0xA730] =	vst v63  }
0xa8: {  	_ =	swait.ge [sflag:s25], $0x500  }
0xa9: {  	[sflag:s25] =	ssyncset.done $0x0  }
0xaa: {  	[sflag:s25] =	ssyncadd.s32 $0xFFFFFB00  }
0xab: {  	_ =	swait.ge [sflag:s25], $0x500  }
0xac: {  	[sflag:s25] =	ssyncset.done $0x0  }
0xad: {  	[sflag:s25] =	ssyncadd.s32 $0xFFFFFB00  }
0xae: {  	_ =	swait.ge [sflag:s25], $0x500  }
0xaf: {  	[sflag:s25] =	ssyncset.done $0x0  }
0xb0: {  	[sflag:s25] =	ssyncadd.s32 $0xFFFFFB00  }
0xb1: {  	_ =	swait.ge [sflag:s25], $0x500  }
0xb2: {  	[sflag:s25] =	ssyncset.done $0x0  }
0xb3: {  	[sflag:s25] =	ssyncadd.s32 $0xFFFFFB00  }
0xb4: {  	_ =	swait.ge [sflag:s25], $0x500  }
0xb5: {  	[sflag:s25] =	ssyncset.done $0x0  }
0xb6: {  	[sflag:s25] =	ssyncadd.s32 $0xFFFFFB00  }
.LBB2_6:
0xb7: {  	s0 =	sshra.s32 s9, $0x2  }
0xb8: {  	v2 =	vld [tilespmem:s0+$0x0];
	_ =	sdelay $0x7  }
0xb9: {  	[tilespmem:v2+s28+$0x0] =	vst.idx.add.f32.msk $0xffff, v1  }
0xba: {  	v2 =	vld [tilespmem:s0+$0x10];
	_ =	sdelay $0x7  }
0xbb: {  	[tilespmem:v2+s28+$0x0] =	vst.idx.add.f32.msk $0xffff, v1  }
0xbc: {  	v2 =	vld [tilespmem:s0+$0x20];
	_ =	sdelay $0x7  }
0xbd: {  	[tilespmem:v2+s28+$0x0] =	vst.idx.add.f32.msk $0xffff, v1  }
0xbe: {  	v2 =	vld [tilespmem:s0+$0x30];
	_ =	sdelay $0x7  }
0xbf: {  	[tilespmem:v2+s28+$0x0] =	vst.idx.add.f32.msk $0xffff, v1  }
0xc0: {  	v2 =	vld [tilespmem:s0+$0x40];
	_ =	sdelay $0x2  }
0xc1: {  	p1 =	sne.s32 s9, $0x9B00  }
.Ltmp2:
0xc2: {  	_ = 	snop;
	(pc) =	sbr.rel @p1 .LBB2_6-.Ltmp2, $2  }
0xc3: {  	_ =	sdelay $0x2  }
0xc4: {  	s9 =	sadd.s32 $0x140, s9;
	[tilespmem:v2+s28+$0x0] =	vst.idx.add.f32.msk $0xffff, v1  }
0xc5: {  	[bflag:$0x0] =	sbarrier.arrive $0xFFFF;
	s0 =	simm.s32 @!p0 $0x1C05  }
0xc6: {  	[hbm:s6], [sflag:s0] =	dma.local @!p0 [spmem:s10], $0x4E20  }
0xc7: {  	s0 =	simm.s32 @!p0 $0x5  }
0xc8: {  	s29 =	sadd.s32 $0x1, s29;
	_ =	swait.ge @!p0 [sflag:s0], $0x4E20  }
0xc9: {  	p1 =	sne.s32 s29, s8;
	[sflag:s0] =	ssyncset.done @!p0 $0x0  }
.Ltmp3:
0xca: {  	[sflag:s0] =	ssyncadd.s32 @!p0 $0xFFFFB1E0;
	(pc) =	sbr.rel @p1 .LBB2_1-.Ltmp3, $4  }
0xcb: {  	[hbm4b:s7+s2] =	stream.linear.scatter [tilespmem:s28], [sflag:$0x5], $0x2710, $0x38;
	[tilespmem:$0xA730] =	vst v63  }
0xcc: {  	_ =	swait.ge [sflag:s11], $0x2710  }
0xcd: {  	[sflag:s11] =	ssyncset.done $0x0  }
0xce: {  	[sflag:s11] =	ssyncadd.s32 $0xFFFFD8F0  }
0xcf: {  	_ =	sfence.sel $0x180000  }
0xd0: {  	[bflag:$0x0] =	sbarrier.arrive $0xFFFF  }
0xd1: {  	_ =	strace $0x9000004A  }
0xd2: {  	[bflag:$0x2] =	sbarrier.arrive $0xFFFF  }
0xd3: {  	s0 =	rddreg [dreg:$0x3]  }
0xd4: {  	s0 =	sadd.s32 @!p0 $0x100000, s0  }
0xd5: {  	[sflag:s0] =	ssyncadd.tile.s32 @!p0 $0x1;
	_ =	shalt  }
.Lfunc_end2:
_tile_overlayer_lowered:
.L_overlay_start_2:
0xd6: {  	(tag) =	ssettag $0x2  }
0xd7: {  	s0 =	rddreg [dreg:$0x0];
	s2 =	stileid.u32  }
0xd8: {  	s1 =	rddreg [dreg:$0x1];
	p0 =	sne.s32 s2, $0x0  }
0xd9: {  	s3 =	rddreg [dreg:$0x2];
	[bflag:$0x3] =	sbarrier.arrive $0xFFFF;
	s2 =	simm.s32 @!p0 $0x1C05  }
0xda: {  	[timem:s3], [sflag:s2] =	dma.local @!p0 [hbm:s0], s1  }
0xdb: {  	s0 =	simm.s32 @!p0 $0x5  }
0xdc: {  	_ =	swait.ge @!p0 [sflag:s0], s1  }
0xdd: {  	s1 =	ssub.s32 @!p0 $0x0, s1;
	[sflag:s0] =	ssyncset.done @!p0 $0x0  }
0xde: {  	[sflag:s0] =	ssyncadd.s32 @!p0 s1  }
0xdf: {  	[bflag:$0x3] =	sbarrier.arrive $0xFFFF  }
0xe0: {  	_ =	shalt  }

// kernel: kernel.7.cloned.1.call-start
scs
__scs_entry_jumppad:
0x0: {  	(pc) =	sbr.rel $0x88, $3  }
0x1: {  	(tag) =	ssettag $0x0;
	lr =	simm.s32 $0x1  }
0x2: {  	[smem:$0x3F96] =	sst lr;
	_ =	strace $0xD0000000  }
0x3: {  	_ = 	snop  }
0x4: {  	_ = 	snop  }
0x5: {  	_ = 	snop  }
0x6: {  	_ = 	snop  }
0x7: {  	_ = 	snop  }
__scs_overlays_trampoline_lowered:
0x8: {  	[smem:$0x3FA5] =	sst s0  }
0x9: {  	[smem:$0x3FA6] =	sst s1  }
0xa: {  	[smem:$0x3FA7] =	sst s2  }
0xb: {  	[smem:$0x3FA8] =	sst s3  }
0xc: {  	[smem:$0x3FA9] =	sst s4  }
0xd: {  	[smem:$0x3FAA] =	sst s5  }
0xe: {  	[smem:$0x3FAB] =	sst s6  }
0xf: {  	[smem:$0x3FAC] =	sst s7  }
0x10: {  	[smem:$0x3FAD] =	sst s8  }
0x11: {  	[smem:$0x3FAE] =	sst s9;
	s0 =	simm.s32 @!p0 $0x0  }
0x12: {  	s1 =	sld [smem:$0x3F94];
	s0 =	simm.s32 @p0 $0x1  }
0x13: {  	[smem:$0x3FAF] =	sst s0;
	s0 =	simm.s32 @!p1 $0x0  }
0x14: {  	s2 =	sld [smem:$0x3F93];
	s0 =	simm.s32 @p1 $0x1  }
0x15: {  	[smem:$0x3FB0] =	sst s0;
	s0 =	simm.s32 @!p2 $0x0  }
0x16: {  	s3 =	sld [smem:$0x3FDB];
	s0 =	simm.s32 @p2 $0x1  }
0x17: {  	s4 =	simm.s32 $0x1BF5;
	[smem:$0x3FB2] =	sst s0  }
0x18: {  	s0 =	sld [smem:$0x3F95];
	_ =	swait.ge [sflag:s4], $0x0  }
0x19: {  	s7 =	sld [smem:$0x3F96]  }
0x1a: {  	s8 =	sadd.s32 $0xFFFFE003, lr  }
0x1b: {  	s9 =	sadd.s32 $0xFFFFFEF7, lr;
	s5 =	simm.s32 $0xFFFFFFFF;
	p2 =	slt.u32 s8, $0xFFFFF086  }
0x1c: {  	p1 =	slt.u32 s9, $0xF7A;
	s5 =	simm.s32 @!p2 $0x0  }
0x1d: {  	s5 =	simm.s32 @p1 $0x1;
	p0 =	seq.s32 s7, s2  }
0x1e: {  	s7 =	smul.u32 @!p0 $0xF7A, s2;
	p2 =	seq.s32 @!p0 s5, $0x0  }
0x1f: {  	s9 =	smul.u32 $0xF7A, s1;
	s8 =	simm.s32 @!p0 $0x1BF5;
	p2 =	por !p2, p0  }
0x20: {  	[sflag:s8] =	ssyncset.s32 @!p0 $0xFFFFF086;
	s6 =	sadd.s32 @!p0 s3, s7;
	s7 =	simm.s32 @!p0 $0x108  }
0x21: {  	s3 =	sadd.s32 s3, s9;
	s6 =	sadd.s32 @!p0 $0x88, s6;
	s7 =	simm.s32 @p2 $0x1082  }
0x22: {  	[simem:s7], [sflag:s8] =	dma.local @!p0 [hbm:s6], $0xF7A  }
0x23: {  	s9 =	sor.u32 $0xD0000000, s2;
	s6 =	simm.s32 $0x108;
	_ =	swait.ge @!p0 [sflag:s8], $0x0  }
0x24: {  	s3 =	sadd.s32 $0x88, s3;
	s6 =	simm.s32 @!p1 $0x1082;
	[sflag:s4] =	ssyncset.s32 $0xFFFFF086  }
0x25: {  	[simem:s6], [sflag:s4] =	dma.local [hbm:s3], $0xF7A  }
0x26: {  	[smem:$0x3F96] =	sst s1;
	(tag) =	ssettag s2;
	_ =	strace s9  }
0x27: {  	s1 =	sld [smem:$0x3FA6]  }
0x28: {  	s2 =	sld [smem:$0x3FA7]  }
0x29: {  	s4 =	sld [smem:$0x3FA9]  }
0x2a: {  	p0 =	seq.s32 s5, $0x0;
	s5 =	sld [smem:$0x3FAA]  }
0x2b: {  	s6 =	sld [smem:$0x3FAB]  }
0x2c: {  	s7 =	sld [smem:$0x3FAC]  }
0x2d: {  	s3 =	simm.s32 $0x108;
	s8 =	sld [smem:$0x3FAD]  }
0x2e: {  	s3 =	simm.s32 @!p0 $0x1082;
	s9 =	sld [smem:$0x3FAE]  }
0x2f: {  	lr =	sadd.s32 s0, s3;
	s0 =	sld [smem:$0x3FA5]  }
0x30: {  	s3 =	sld [smem:$0x3FA8]  }
0x31: {  	[smem:$0x3FB1] =	sst s10  }
0x32: {  	s10 =	sld [smem:$0x3FAF];
	_ =	sdelay $0x3  }
0x33: {  	p0 =	seq.s32 s10, $0x1;
	s10 =	sld [smem:$0x3FB1];
	_ =	sdelay $0x3  }
0x34: {  	[smem:$0x3FB1] =	sst s10  }
0x35: {  	s10 =	sld [smem:$0x3FB0];
	_ =	sdelay $0x3  }
0x36: {  	p1 =	seq.s32 s10, $0x1;
	s10 =	sld [smem:$0x3FB1];
	_ =	sdelay $0x3  }
0x37: {  	[smem:$0x3FB1] =	sst s10  }
0x38: {  	s10 =	sld [smem:$0x3FB2]  }
0x39: {  	_ = 	snop;
	(pc) =	sbr.ind lr, $3  }
0x3a: {  	_ = 	snop  }
0x3b: {  	_ = 	snop  }
0x3c: {  	p2 =	seq.s32 s10, $0x1;
	s10 =	sld [smem:$0x3FB1]  }
0x3d: {  	_ =	shalt  }
0x3e: {  	_ =	shalt  }
0x3f: {  	_ =	shalt  }
0x40: {  	_ =	shalt  }
0x41: {  	_ =	shalt  }
0x42: {  	_ =	shalt  }
0x43: {  	_ =	shalt  }
0x44: {  	_ =	shalt  }
0x45: {  	_ =	shalt  }
0x46: {  	_ =	shalt  }
0x47: {  	_ =	shalt  }
0x48: {  	_ =	shalt  }
0x49: {  	_ =	shalt  }
0x4a: {  	_ =	shalt  }
0x4b: {  	_ =	shalt  }
0x4c: {  	_ =	shalt  }
0x4d: {  	_ =	shalt  }
0x4e: {  	_ =	shalt  }
0x4f: {  	_ =	shalt  }
0x50: {  	_ =	shalt  }
0x51: {  	_ =	shalt  }
0x52: {  	_ =	shalt  }
0x53: {  	_ =	shalt  }
0x54: {  	_ =	shalt  }
0x55: {  	_ =	shalt  }
0x56: {  	_ =	shalt  }
0x57: {  	_ =	shalt  }
0x58: {  	_ =	shalt  }
0x59: {  	_ =	shalt  }
0x5a: {  	_ =	shalt  }
0x5b: {  	_ =	shalt  }
0x5c: {  	_ =	shalt  }
0x5d: {  	_ =	shalt  }
0x5e: {  	_ =	shalt  }
0x5f: {  	_ =	shalt  }
0x60: {  	_ =	shalt  }
0x61: {  	_ =	shalt  }
0x62: {  	_ =	shalt  }
0x63: {  	_ =	shalt  }
0x64: {  	_ =	shalt  }
0x65: {  	_ =	shalt  }
0x66: {  	_ =	shalt  }
0x67: {  	_ =	shalt  }
0x68: {  	_ =	shalt  }
0x69: {  	_ =	shalt  }
0x6a: {  	_ =	shalt  }
0x6b: {  	_ =	shalt  }
0x6c: {  	_ =	shalt  }
0x6d: {  	_ =	shalt  }
0x6e: {  	_ =	shalt  }
0x6f: {  	_ =	shalt  }
0x70: {  	_ =	shalt  }
0x71: {  	_ =	shalt  }
0x72: {  	_ =	shalt  }
0x73: {  	_ =	shalt  }
0x74: {  	_ =	shalt  }
0x75: {  	_ =	shalt  }
0x76: {  	_ =	shalt  }
0x77: {  	_ =	shalt  }
0x78: {  	_ =	shalt  }
0x79: {  	_ =	shalt  }
0x7a: {  	_ =	shalt  }
0x7b: {  	_ =	shalt  }
0x7c: {  	_ =	shalt  }
0x7d: {  	_ =	shalt  }
0x7e: {  	_ =	shalt  }
0x7f: {  	_ =	shalt  }
0x80: {  	_ =	shalt  }
0x81: {  	_ =	shalt  }
0x82: {  	_ =	shalt  }
0x83: {  	_ =	shalt  }
0x84: {  	_ =	shalt  }
0x85: {  	_ =	shalt  }
0x86: {  	_ =	shalt  }
0x87: {  	_ =	shalt  }
.Lfunc_end0:
.L_simem_size_0:
called_computation_lowered:
.L_overlay_start_0:
0x88: {  	s2 =	sld [smem:$0x3FD9]  }
0x89: {  	s3 =	sld [smem:$0x3FFE];
	_ =	sdelay $0x1  }
0x8a: {  	s1 =	srdreg.scid  }
0x8b: {  	s0 =	sand.u32 $0x1, s1  }
0x8c: {  	s17 =	sshll.u32 s0, $0xA;
	s2 =	sadd.s32 s3, s2  }
0x8d: {  	s2 =	sadd.s32 s2, s17  }
0x8e: {  	[smem:$0x3FBD] =	sst s2  }
0x8f: {  	_ = 	snop  }
0x90: {  	s2 =	sld [smem:$0x3FD0];
	(tm) =	ssettm $0x1  }
0x91: {  	s18 =	sld [smem:$0x3FFB];
	_ =	sdelay $0x3  }
0x92: {  	_ =	strace s18  }
0x93: {  	s3 =	sld [smem:$0x3FFC];
	_ =	sdelay $0x3  }
0x94: {  	_ =	strace s3  }
0x95: {  	s3 =	sld [smem:$0x3FFD];
	_ =	sdelay $0x3  }
0x96: {  	_ =	strace s3  }
0x97: {  	_ =	strace $0x8FFFFFFF  }
0x98: {  	s19 =	sld [smem:$0x3FDB];
	_ =	sdelay $0x1  }
0x99: {  	s4 =	simm.s32 $_scs_section_size  }
0x9a: {  	s5 =	simm.s32 $_size__tile_overlayer_lowered;
	s6 =	simm.s32 $_tile_overlayer_lowered  }
0x9b: {  	s22 =	simm.s32 $0x1BFF;
	s21 =	sshll.u32 s6, $0x1;
	s3 =	sadd.s32 s4, s19  }
0x9c: {  	s7 =	simm.s32 $0x0;
	s20 =	sshll.u32 s5, $0x1;
	s5 =	sadd.s32 s21, s3  }
0x9d: {  	[timem:s7], [sflag:s22] =	dma.local [hbm:s5], s20  }
0x9e: {  	_ =	swait.ge [sflag:s22], s20  }
0x9f: {  	s4 =	ssub.s32 $0x0, s20;
	[sflag:s22] =	ssyncset.done $0x0  }
0xa0: {  	[sflag:s22] =	ssyncadd.s32 s4;
	_ =	sdelay $0x1  }
0xa1: {  	s23 =	simm.s32 $0x1B8B  }
0xa2: {  	_ =	swait.ge [sflag:s23], $0x1  }
0xa3: {  	[sflag:s23] =	ssyncset.done $0x0  }
0xa4: {  	s25 =	simm.s32 $0x1B8E;
	s24 =	sld [smem:$0x3FFE];
	[sflag:s23] =	ssyncadd.s32 $0xFFFFFFFF  }
0xa5: {  	s26 =	simm.s32 $execute0_lowered;
	[smem:$0x3FD2] =	sst s25  }
0xa6: {  	s5 =	sshll.u32 s26, $0x1;
	_ =	strace $0x80000046;
	[dreg:$0x1] =	wrdreg $0xFFFFFFFF  }
0xa7: {  	s28 =	simm.s32 $_size_execute0_lowered;
	s3 =	sadd.s32 s3, s5;
	[dreg:$0x0] =	wrdreg $0x0  }
0xa8: {  	s5 =	sshll.u32 s28, $0x1;
	[dreg:$0x2] =	wrdreg s3  }
0xa9: {  	[dreg:$0x3] =	wrdreg s5  }
0xaa: {  	[dreg:$0x4] =	wrdreg $0xC0  }
0xab: {  	_ =	task [dreg:s7], $0x5FFFF  }
0xac: {  	[dreg:$0x1] =	wrdreg $0xFFFFFFFF  }
0xad: {  	[dreg:$0x0] =	wrdreg $0x60  }
0xae: {  	[dreg:$0x2] =	wrdreg s24  }
0xaf: {  	[dreg:$0x3] =	wrdreg s2  }
0xb0: {  	[dreg:$0x4] =	wrdreg $0x9  }
0xb1: {  	_ =	task.clear_ibuf [dreg:s7], $0x5FFFF;
	_ =	strace $0x90000046  }
0xb2: {  	s29 =	simm.s32 $0x9;
	_ =	strace $0x80000048  }
0xb3: {  	_ =	swait.ge [sflag:s29], $0x1  }
0xb4: {  	[sflag:s29] =	ssyncadd.s32 $0xFFFFFFFF  }
0xb5: {  	_ =	strace $0x90000048  }
0xb6: {  	_ =	sfence  }
0xb7: {  	s30 =	sld [smem:$0x0];
	_ =	sdelay $0x2  }
0xb8: {  	s31 =	sshll.u32 s1, $0xD;
	s1 =	sshrl.u32 s1, $0x2  }
0xb9: {  	s3 =	sand.u32 $0x4000, s31;
	s1 =	sadd.s32 s1, s30  }
0xba: {  	s0 =	sor.u32 s3, s0;
	s1 =	sshll.u32 s1, $0x11  }
0xbb: {  	s0 =	sor.u32 s1, s0  }
0xbc: {  	s0 =	sadd.s32 $0x8F2B, s0  }
0xbd: {  	[sflag:s0] =	ssyncadd.remote.s32 $0x1  }
0xbe: {  	_ =	sfence.sel $0xFFFF  }
0xbf: {  	[dreg:$0x0] =	wrdreg $0xFFFFFFFF;
	(pc) =	sbr.abs _section_cstart, $3  }
0xc0: {  	[dreg:$0x1] =	wrdreg $0xFFFFFFFF  }
0xc1: {  	_ =	task.clear_ibuf [dreg:s7], $0x2FFFF;
	_ =	strace $0x9FFFFFFF  }
0xc2: {  	(tm) =	ssettm $0x7FFFFFFF  }
0xc3: {  	_ =	shalt  }
tec
execute0_lowered:
.L_overlay_start_1:
0x0: {  	(tag) =	ssettag $0x1  }
0x1: {  	s0 =	rddreg [dreg:$0x0];
	s1 =	srdreg.scid  }
0x2: {  	s12 =	stileid.u32;
	s5 =	rddreg [dreg:$0x1]  }
0x3: {  	s2 =	simm.s32 $0x0;
	s20 =	simm.s32 $0x8520;
	s21 =	simm.s32 $0x9E20  }
0x4: {  	s22 =	simm.s32 $0x8A20;
	s23 =	simm.s32 $0xA320;
	s24 =	simm.s32 $0x8F20  }
0x5: {  	s25 =	simm.s32 $0xA820;
	s26 =	simm.s32 $0x9420;
	s31 =	simm.s32 $0xAD20  }
0x6: {  	s28 =	simm.s32 $0x1;
	s29 =	simm.s32 $0x2;
	s30 =	simm.s32 $0x3  }
0x7: {  	s1 =	sand.u32 $0x1, s1;
	s3 =	sshll.u32 s12, $0x1;
	[smem:$0x7FF] =	sst s2  }
0x8: {  	s4 =	sadd.s32 $0x10E00, s0;
	_ =	strace $0x80000047;
	[dreg:$0x3] =	wrdreg s20  }
0x9: {  	s10 =	sadd.s32 $0x15E00, s0;
	s15 =	smul.u32 $0x9C40, s12;
	[dreg:$0x4] =	wrdreg s21  }
0xa: {  	s12 =	simm.s32 $0x4;
	s6 =	sor.u32 s1, s3;
	[dreg:$0x5] =	wrdreg s22  }
0xb: {  	s3 =	sadd.s32 $0xBE00, s0;
	s8 =	ssub.s32 $0x2, s1;
	[dreg:$0x6] =	wrdreg s23  }
0xc: {  	s1 =	smul.u32 $0x4E20, s1;
	s20 =	simm.s32 $0x7120;
	[dreg:$0x7] =	wrdreg s24  }
0xd: {  	s21 =	simm.s32 $0x5D20;
	s22 =	simm.s32 $0x7620;
	[dreg:$0x8] =	wrdreg s25  }
0xe: {  	s23 =	simm.s32 $0x6220;
	[dreg:$0x9] =	wrdreg s26;
	s24 =	simm.s32 $0x7B20  }
0xf: {  	[dreg:$0xa] =	wrdreg s31;
	s25 =	simm.s32 $0x8020;
	s7 =	smul.u32 $0x2710, s6  }
0x10: {  	s26 =	simm.s32 $0x9920;
	s6 =	smul.u32 $0x27100, s6;
	s11 =	sshrl.u32 s8, $0x1  }
0x11: {  	s18 =	sadd.s32 s15, s10;
	s11 =	ssub.s32 s8, s11;
	s7 =	sshrl.u32 s7, $0x3  }
0x12: {  	s6 =	sshrl.u32 s6, $0x3;
	s19 =	smax.u32 s11, $0x1;
	s11 =	sadd.s32 s1, s18  }
0x13: {  	s18 =	simm.s32 $0x6C20;
	s9 =	sadd.s32 s7, s0;
	s0 =	sadd.s32 $0xB2200, s0  }
0x14: {  	s6 =	sadd.s32 $0x4B00, s6;
	s5 =	sadd.s32 s5, s7;
	[dreg:$0xf] =	wrdreg s19  }
0x15: {  	s19 =	simm.s32 $0x5820;
	s14 =	sadd.s32 $0x2000, s9;
	[dreg:$0xc] =	wrdreg s5  }
0x16: {  	s16 =	sadd.s32 s10, s6;
	s17 =	sadd.s32 s0, s6;
	[dreg:$0xb] =	wrdreg s14  }
0x17: {  	s0 =	sadd.s32 s15, s0;
	s15 =	simm.s32 $0x4E20;
	[dreg:$0xd] =	wrdreg s16  }
0x18: {  	[dreg:$0xe] =	wrdreg s17;
	s10 =	sadd.s32 s1, s0;
	s14 =	simm.s32 $0x50  }
0x19: {  	s16 =	simm.s32 $0x6720;
	s17 =	simm.s32 $0x5320;
	s0 =	simm.s32 $0x0  }
.LBB2_1:
0x1a: {  	s1 =	rddreg [dreg:$0xb]  }
0x1b: {  	[tilespmem:s2], [sflag:$0x4] =	stream.linear.gather [hbm4b:s1+s2], $0x2710, $0x38;
	[tilespmem:$0xB220] =	vst v63  }
0x1c: {  	_ =	swait.ge [sflag:s12], $0x2710  }
0x1d: {  	[sflag:s12] =	ssyncset.done $0x0  }
0x1e: {  	s5 =	simm.s32 $0x2710;
	s6 =	rddreg [dreg:$0xc];
	[sflag:s12] =	ssyncadd.s32 $0xFFFFD8F0  }
0x1f: {  	[tilespmem:s5], [sflag:$0x4] =	stream.linear.gather [hbm4b:s6+s2], $0x2710, $0x38;
	[tilespmem:$0xB220] =	vst v63  }
0x20: {  	_ =	swait.ge [sflag:s12], $0x2710  }
0x21: {  	[sflag:s12] =	ssyncset.done $0x0  }
0x22: {  	s7 =	simm.s32 $0x0;
	[sflag:s12] =	ssyncadd.s32 $0xFFFFD8F0  }
0x23: {  	[tilespmem:s15], [sflag:$0x1] =	stream.indirect.gather [hbm4b:s3+s14], $0x10, s7, s14, $0xb8;
	[tilespmem:$0xB220] =	vst v63  }
0x24: {  	s8 =	simm.s32 $0x2710  }
0x25: {  	[tilespmem:s16], [sflag:$0x1] =	stream.indirect.gather [hbm4b:s4+s14], $0x10, s8, s14, $0xb8;
	[tilespmem:$0xB220] =	vst v63  }
0x26: {  	s9 =	simm.s32 $0x50  }
0x27: {  	[tilespmem:s17], [sflag:$0x1] =	stream.indirect.gather [hbm4b:s3+s14], $0x10, s9, s14, $0xb8;
	[tilespmem:$0xB220] =	vst v63  }
0x28: {  	s13 =	simm.s32 $0x2760  }
0x29: {  	[tilespmem:s18], [sflag:$0x1] =	stream.indirect.gather [hbm4b:s4+s14], $0x10, s13, s14, $0xb8;
	[tilespmem:$0xB220] =	vst v63  }
0x2a: {  	s5 =	simm.s32 $0xA0  }
0x2b: {  	[tilespmem:s19], [sflag:$0x1] =	stream.indirect.gather [hbm4b:s3+s14], $0x10, s5, s14, $0xb8;
	[tilespmem:$0xB220] =	vst v63  }
0x2c: {  	s6 =	simm.s32 $0x27B0  }
0x2d: {  	[tilespmem:s20], [sflag:$0x1] =	stream.indirect.gather [hbm4b:s4+s14], $0x10, s6, s14, $0xb8;
	[tilespmem:$0xB220] =	vst v63  }
0x2e: {  	s7 =	simm.s32 $0xF0  }
0x2f: {  	[tilespmem:s21], [sflag:$0x1] =	stream.indirect.gather [hbm4b:s3+s14], $0x10, s7, s14, $0xb8;
	[tilespmem:$0xB220] =	vst v63  }
0x30: {  	s8 =	simm.s32 $0x2800  }
0x31: {  	[tilespmem:s22], [sflag:$0x1] =	stream.indirect.gather [hbm4b:s4+s14], $0x10, s8, s14, $0xb8;
	[tilespmem:$0xB220] =	vst v63  }
0x32: {  	s9 =	simm.s32 $0x140  }
0x33: {  	[tilespmem:s23], [sflag:$0x1] =	stream.indirect.gather [hbm4b:s3+s14], $0x10, s9, s14, $0xb8;
	[tilespmem:$0xB220] =	vst v63  }
0x34: {  	s13 =	simm.s32 $0x2850  }
0x35: {  	[tilespmem:s24], [sflag:$0x1] =	stream.indirect.gather [hbm4b:s4+s14], $0x10, s13, s14, $0xb8;
	[tilespmem:$0xB220] =	vst v63  }
0x36: {  	s5 =	simm.s32 $0x190  }
0x37: {  	[tilespmem:s25], [sflag:$0x2] =	stream.indirect.gather [hbm4b:s3+s14], $0x10, s5, s14, $0xb8;
	[tilespmem:$0xB220] =	vst v63  }
0x38: {  	s6 =	simm.s32 $0x28A0  }
0x39: {  	[tilespmem:s26], [sflag:$0x2] =	stream.indirect.gather [hbm4b:s4+s14], $0x10, s6, s14, $0xb8;
	[tilespmem:$0xB220] =	vst v63  }
0x3a: {  	s7 =	rddreg [dreg:$0x3];
	s8 =	simm.s32 $0x1E0  }
0x3b: {  	[tilespmem:s7], [sflag:$0x2] =	stream.indirect.gather [hbm4b:s3+s14], $0x10, s8, s14, $0xb8;
	[tilespmem:$0xB220] =	vst v63  }
0x3c: {  	s9 =	simm.s32 $0x28F0;
	s6 =	rddreg [dreg:$0x4]  }
0x3d: {  	[tilespmem:s6], [sflag:$0x2] =	stream.indirect.gather [hbm4b:s4+s14], $0x10, s9, s14, $0xb8;
	[tilespmem:$0xB220] =	vst v63  }
0x3e: {  	s13 =	rddreg [dreg:$0x5];
	s7 =	simm.s32 $0x230  }
0x3f: {  	[tilespmem:s13], [sflag:$0x2] =	stream.indirect.gather [hbm4b:s3+s14], $0x10, s7, s14, $0xb8;
	[tilespmem:$0xB220] =	vst v63  }
0x40: {  	s8 =	rddreg [dreg:$0x6];
	s9 =	simm.s32 $0x2940  }
0x41: {  	[tilespmem:s8], [sflag:$0x2] =	stream.indirect.gather [hbm4b:s4+s14], $0x10, s9, s14, $0xb8;
	[tilespmem:$0xB220] =	vst v63  }
0x42: {  	s13 =	rddreg [dreg:$0x7];
	s7 =	simm.s32 $0x280  }
0x43: {  	[tilespmem:s13], [sflag:$0x2] =	stream.indirect.gather [hbm4b:s3+s14], $0x10, s7, s14, $0xb8;
	[tilespmem:$0xB220] =	vst v63  }
0x44: {  	s8 =	rddreg [dreg:$0x8];
	s9 =	simm.s32 $0x2990  }
0x45: {  	[tilespmem:s8], [sflag:$0x2] =	stream.indirect.gather [hbm4b:s4+s14], $0x10, s9, s14, $0xb8;
	[tilespmem:$0xB220] =	vst v63  }
0x46: {  	s6 =	simm.s32 $0x2D0;
	s13 =	rddreg [dreg:$0x9]  }
0x47: {  	[tilespmem:s13], [sflag:$0x2] =	stream.indirect.gather [hbm4b:s3+s14], $0x10, s6, s14, $0xb8;
	[tilespmem:$0xB220] =	vst v63  }
0x48: {  	s7 =	rddreg [dreg:$0xa];
	s8 =	simm.s32 $0x29E0  }
0x49: {  	[tilespmem:s7], [sflag:$0x2] =	stream.indirect.gather [hbm4b:s4+s14], $0x10, s8, s14, $0xb8;
	[tilespmem:$0xB220] =	vst v63  }
0x4a: {  	_ =	swait.ge [sflag:s28], $0x500  }
0x4b: {  	[sflag:s28] =	ssyncset.done $0x0  }
0x4c: {  	[sflag:s28] =	ssyncadd.s32 $0xFFFFFB00  }
0x4d: {  	_ =	swait.ge [sflag:s28], $0x500  }
0x4e: {  	[sflag:s28] =	ssyncset.done $0x0  }
0x4f: {  	[sflag:s28] =	ssyncadd.s32 $0xFFFFFB00  }
0x50: {  	_ =	swait.ge [sflag:s28], $0x500  }
0x51: {  	[sflag:s28] =	ssyncset.done $0x0  }
0x52: {  	[sflag:s28] =	ssyncadd.s32 $0xFFFFFB00  }
0x53: {  	_ =	swait.ge [sflag:s28], $0x500  }
0x54: {  	[sflag:s28] =	ssyncset.done $0x0  }
0x55: {  	[sflag:s28] =	ssyncadd.s32 $0xFFFFFB00  }
0x56: {  	_ =	swait.ge [sflag:s28], $0x500  }
0x57: {  	[sflag:s28] =	ssyncset.done $0x0  }
0x58: {  	[sflag:s28] =	ssyncadd.s32 $0xFFFFFB00  }
0x59: {  	_ =	swait.ge [sflag:s28], $0x500  }
0x5a: {  	[sflag:s28] =	ssyncset.done $0x0  }
0x5b: {  	[sflag:s28] =	ssyncadd.s32 $0xFFFFFB00  }
0x5c: {  	_ =	swait.ge [sflag:s28], $0x500  }
0x5d: {  	[sflag:s28] =	ssyncset.done $0x0  }
0x5e: {  	[sflag:s28] =	ssyncadd.s32 $0xFFFFFB00  }
0x5f: {  	_ =	swait.ge [sflag:s28], $0x500  }
0x60: {  	[sflag:s28] =	ssyncset.done $0x0  }
0x61: {  	[sflag:s28] =	ssyncadd.s32 $0xFFFFFB00  }
0x62: {  	_ =	swait.ge [sflag:s28], $0x500  }
0x63: {  	[sflag:s28] =	ssyncset.done $0x0  }
0x64: {  	[sflag:s28] =	ssyncadd.s32 $0xFFFFFB00  }
0x65: {  	_ =	swait.ge [sflag:s28], $0x500  }
0x66: {  	[sflag:s28] =	ssyncset.done $0x0  }
0x67: {  	[sflag:s28] =	ssyncadd.s32 $0xFFFFFB00  }
0x68: {  	[hbm4b:s11+s2] =	stream.linear.scatter [tilespmem:s15], [sflag:$0x3], $0x1900, $0x38;
	[tilespmem:$0xB220] =	vst v63  }
0x69: {  	_ = 	snop  }
0x6a: {  	[hbm4b:s10+s2] =	stream.linear.scatter [tilespmem:s16], [sflag:$0x3], $0x1900, $0x38;
	[tilespmem:$0xB220] =	vst v63  }
0x6b: {  	_ =	swait.ge [sflag:s29], $0x500  }
0x6c: {  	[sflag:s29] =	ssyncset.done $0x0  }
0x6d: {  	[sflag:s29] =	ssyncadd.s32 $0xFFFFFB00  }
0x6e: {  	_ =	swait.ge [sflag:s29], $0x500  }
0x6f: {  	[sflag:s29] =	ssyncset.done $0x0  }
0x70: {  	[sflag:s29] =	ssyncadd.s32 $0xFFFFFB00  }
0x71: {  	_ =	swait.ge [sflag:s29], $0x500  }
0x72: {  	[sflag:s29] =	ssyncset.done $0x0  }
0x73: {  	[sflag:s29] =	ssyncadd.s32 $0xFFFFFB00  }
0x74: {  	_ =	swait.ge [sflag:s29], $0x500  }
0x75: {  	[sflag:s29] =	ssyncset.done $0x0  }
0x76: {  	[sflag:s29] =	ssyncadd.s32 $0xFFFFFB00  }
0x77: {  	_ =	swait.ge [sflag:s29], $0x500  }
0x78: {  	[sflag:s29] =	ssyncset.done $0x0  }
0x79: {  	[sflag:s29] =	ssyncadd.s32 $0xFFFFFB00  }
0x7a: {  	_ =	swait.ge [sflag:s29], $0x500  }
0x7b: {  	[sflag:s29] =	ssyncset.done $0x0  }
0x7c: {  	[sflag:s29] =	ssyncadd.s32 $0xFFFFFB00  }
0x7d: {  	_ =	swait.ge [sflag:s29], $0x500  }
0x7e: {  	[sflag:s29] =	ssyncset.done $0x0  }
0x7f: {  	[sflag:s29] =	ssyncadd.s32 $0xFFFFFB00  }
0x80: {  	_ =	swait.ge [sflag:s29], $0x500  }
0x81: {  	[sflag:s29] =	ssyncset.done $0x0  }
0x82: {  	[sflag:s29] =	ssyncadd.s32 $0xFFFFFB00  }
0x83: {  	_ =	swait.ge [sflag:s29], $0x500  }
0x84: {  	[sflag:s29] =	ssyncset.done $0x0  }
0x85: {  	[sflag:s29] =	ssyncadd.s32 $0xFFFFFB00  }
0x86: {  	_ =	swait.ge [sflag:s29], $0x500  }
0x87: {  	[sflag:s29] =	ssyncset.done $0x0  }
0x88: {  	s9 =	sadd.s32 $0x320, s11;
	[sflag:s29] =	ssyncadd.s32 $0xFFFFFB00  }
0x89: {  	[hbm4b:s9+s2] =	stream.linear.scatter [tilespmem:s25], [sflag:$0x3], $0x1900, $0x38;
	[tilespmem:$0xB220] =	vst v63  }
0x8a: {  	s13 =	sadd.s32 $0x320, s10  }
0x8b: {  	[hbm4b:s13+s2] =	stream.linear.scatter [tilespmem:s26], [sflag:$0x3], $0x1900, $0x38;
	[tilespmem:$0xB220] =	vst v63  }
0x8c: {  	_ =	swait.ge [sflag:s30], $0x1900  }
0x8d: {  	[sflag:s30] =	ssyncset.done $0x0  }
0x8e: {  	[sflag:s30] =	ssyncadd.s32 $0xFFFFE700  }
0x8f: {  	_ =	swait.ge [sflag:s30], $0x1900  }
0x90: {  	[sflag:s30] =	ssyncset.done $0x0  }
0x91: {  	[sflag:s30] =	ssyncadd.s32 $0xFFFFE700  }
0x92: {  	_ =	swait.ge [sflag:s30], $0x1900  }
0x93: {  	[sflag:s30] =	ssyncset.done $0x0  }
0x94: {  	[sflag:s30] =	ssyncadd.s32 $0xFFFFE700  }
0x95: {  	s31 =	sadd.s32 $0x640, s11;
	s1 =	simm.s32 $0xC80;
	_ =	swait.ge [sflag:s30], $0x1900  }
0x96: {  	s5 =	simm.s32 $0x1900;
	s13 =	sadd.s32 $0x640, s10;
	[sflag:s30] =	ssyncset.done $0x0  }
.LBB2_2:
0x97: {  	s6 =	sshra.s32 s1, $0x2;
	[sflag:s30] =	ssyncadd.s32 $0xFFFFE700  }
0x98: {  	[tilespmem:s15], [sflag:$0x1] =	stream.indirect.gather [hbm4b:s3+s14], $0x10, s6, s14, $0xb8;
	[tilespmem:$0xB220] =	vst v63  }
0x99: {  	s9 =	sadd.s32 $0x2710, s6  }
0x9a: {  	[tilespmem:s16], [sflag:$0x1] =	stream.indirect.gather [hbm4b:s4+s14], $0x10, s9, s14, $0xb8;
	[tilespmem:$0xB220] =	vst v63  }
0x9b: {  	s8 =	sadd.s32 $0x50, s6  }
0x9c: {  	[tilespmem:s17], [sflag:$0x1] =	stream.indirect.gather [hbm4b:s3+s14], $0x10, s8, s14, $0xb8;
	[tilespmem:$0xB220] =	vst v63  }
0x9d: {  	s9 =	sadd.s32 $0x2760, s6  }
0x9e: {  	[tilespmem:s18], [sflag:$0x1] =	stream.indirect.gather [hbm4b:s4+s14], $0x10, s9, s14, $0xb8;
	[tilespmem:$0xB220] =	vst v63  }
0x9f: {  	s8 =	sadd.s32 $0xA0, s6  }
0xa0: {  	[tilespmem:s19], [sflag:$0x1] =	stream.indirect.gather [hbm4b:s3+s14], $0x10, s8, s14, $0xb8;
	[tilespmem:$0xB220] =	vst v63  }
0xa1: {  	s9 =	sadd.s32 $0x27B0, s6  }
0xa2: {  	[tilespmem:s20], [sflag:$0x1] =	stream.indirect.gather [hbm4b:s4+s14], $0x10, s9, s14, $0xb8;
	[tilespmem:$0xB220] =	vst v63  }
0xa3: {  	s8 =	sadd.s32 $0xF0, s6  }
0xa4: {  	[tilespmem:s21], [sflag:$0x1] =	stream.indirect.gather [hbm4b:s3+s14], $0x10, s8, s14, $0xb8;
	[tilespmem:$0xB220] =	vst v63  }
0xa5: {  	s9 =	sadd.s32 $0x2800, s6  }
0xa6: {  	[tilespmem:s22], [sflag:$0x1] =	stream.indirect.gather [hbm4b:s4+s14], $0x10, s9, s14, $0xb8;
	[tilespmem:$0xB220] =	vst v63  }
0xa7: {  	s8 =	sadd.s32 $0x140, s6  }
0xa8: {  	[tilespmem:s23], [sflag:$0x1] =	stream.indirect.gather [hbm4b:s3+s14], $0x10, s8, s14, $0xb8;
	[tilespmem:$0xB220] =	vst v63  }
0xa9: {  	s9 =	sadd.s32 $0x2850, s6  }
0xaa: {  	[tilespmem:s24], [sflag:$0x1] =	stream.indirect.gather [hbm4b:s4+s14], $0x10, s9, s14, $0xb8;
	[tilespmem:$0xB220] =	vst v63  }
0xab: {  	s8 =	sadd.s32 $0x190, s6  }
0xac: {  	[tilespmem:s25], [sflag:$0x2] =	stream.indirect.gather [hbm4b:s3+s14], $0x10, s8, s14, $0xb8;
	[tilespmem:$0xB220] =	vst v63  }
0xad: {  	s1 =	smov.u32 s5;
	s7 =	sadd.s32 $0xC80, s5;
	s9 =	sadd.s32 $0x28A0, s6  }
0xae: {  	[tilespmem:s26], [sflag:$0x2] =	stream.indirect.gather [hbm4b:s4+s14], $0x10, s9, s14, $0xb8;
	[tilespmem:$0xB220] =	vst v63  }
0xaf: {  	p0 =	sne.s32 s5, $0x8980;
	s5 =	sadd.s32 $0x1E0, s6;
	s8 =	rddreg [dreg:$0x3]  }
0xb0: {  	[tilespmem:s8], [sflag:$0x2] =	stream.indirect.gather [hbm4b:s3+s14], $0x10, s5, s14, $0xb8;
	[tilespmem:$0xB220] =	vst v63  }
0xb1: {  	s9 =	rddreg [dreg:$0x4];
	s5 =	sadd.s32 $0x28F0, s6  }
0xb2: {  	[tilespmem:s9], [sflag:$0x2] =	stream.indirect.gather [hbm4b:s4+s14], $0x10, s5, s14, $0xb8;
	[tilespmem:$0xB220] =	vst v63  }
0xb3: {  	s8 =	rddreg [dreg:$0x5];
	s5 =	sadd.s32 $0x230, s6  }
0xb4: {  	[tilespmem:s8], [sflag:$0x2] =	stream.indirect.gather [hbm4b:s3+s14], $0x10, s5, s14, $0xb8;
	[tilespmem:$0xB220] =	vst v63  }
0xb5: {  	s9 =	rddreg [dreg:$0x6];
	s5 =	sadd.s32 $0x2940, s6  }
0xb6: {  	[tilespmem:s9], [sflag:$0x2] =	stream.indirect.gather [hbm4b:s4+s14], $0x10, s5, s14, $0xb8;
	[tilespmem:$0xB220] =	vst v63  }
0xb7: {  	s8 =	rddreg [dreg:$0x7];
	s5 =	sadd.s32 $0x280, s6  }
0xb8: {  	[tilespmem:s8], [sflag:$0x2] =	stream.indirect.gather [hbm4b:s3+s14], $0x10, s5, s14, $0xb8;
	[tilespmem:$0xB220] =	vst v63  }
0xb9: {  	s9 =	rddreg [dreg:$0x8];
	s5 =	sadd.s32 $0x2990, s6  }
0xba: {  	[tilespmem:s9], [sflag:$0x2] =	stream.indirect.gather [hbm4b:s4+s14], $0x10, s5, s14, $0xb8;
	[tilespmem:$0xB220] =	vst v63  }
0xbb: {  	s8 =	rddreg [dreg:$0x9];
	s5 =	sadd.s32 $0x2D0, s6  }
0xbc: {  	[tilespmem:s8], [sflag:$0x2] =	stream.indirect.gather [hbm4b:s3+s14], $0x10, s5, s14, $0xb8;
	[tilespmem:$0xB220] =	vst v63  }
0xbd: {  	s9 =	rddreg [dreg:$0xa];
	s6 =	sadd.s32 $0x29E0, s6  }
0xbe: {  	[tilespmem:s9], [sflag:$0x2] =	stream.indirect.gather [hbm4b:s4+s14], $0x10, s6, s14, $0xb8;
	[tilespmem:$0xB220] =	vst v63  }
0xbf: {  	_ =	swait.ge [sflag:s28], $0x500  }
0xc0: {  	[sflag:s28] =	ssyncset.done $0x0  }
0xc1: {  	[sflag:s28] =	ssyncadd.s32 $0xFFFFFB00  }
0xc2: {  	_ =	swait.ge [sflag:s28], $0x500  }
0xc3: {  	[sflag:s28] =	ssyncset.done $0x0  }
0xc4: {  	[sflag:s28] =	ssyncadd.s32 $0xFFFFFB00  }
0xc5: {  	_ =	swait.ge [sflag:s28], $0x500  }
0xc6: {  	[sflag:s28] =	ssyncset.done $0x0  }
0xc7: {  	[sflag:s28] =	ssyncadd.s32 $0xFFFFFB00  }
0xc8: {  	_ =	swait.ge [sflag:s28], $0x500  }
0xc9: {  	[sflag:s28] =	ssyncset.done $0x0  }
0xca: {  	[sflag:s28] =	ssyncadd.s32 $0xFFFFFB00  }
0xcb: {  	_ =	swait.ge [sflag:s28], $0x500  }
0xcc: {  	[sflag:s28] =	ssyncset.done $0x0  }
0xcd: {  	[sflag:s28] =	ssyncadd.s32 $0xFFFFFB00  }
0xce: {  	_ =	swait.ge [sflag:s28], $0x500  }
0xcf: {  	[sflag:s28] =	ssyncset.done $0x0  }
0xd0: {  	[sflag:s28] =	ssyncadd.s32 $0xFFFFFB00  }
0xd1: {  	_ =	swait.ge [sflag:s28], $0x500  }
0xd2: {  	[sflag:s28] =	ssyncset.done $0x0  }
0xd3: {  	[sflag:s28] =	ssyncadd.s32 $0xFFFFFB00  }
0xd4: {  	_ =	swait.ge [sflag:s28], $0x500  }
0xd5: {  	[sflag:s28] =	ssyncset.done $0x0  }
0xd6: {  	[sflag:s28] =	ssyncadd.s32 $0xFFFFFB00  }
0xd7: {  	_ =	swait.ge [sflag:s28], $0x500  }
0xd8: {  	[sflag:s28] =	ssyncset.done $0x0  }
0xd9: {  	[sflag:s28] =	ssyncadd.s32 $0xFFFFFB00  }
0xda: {  	_ =	swait.ge [sflag:s28], $0x500  }
0xdb: {  	[sflag:s28] =	ssyncset.done $0x0  }
0xdc: {  	[sflag:s28] =	ssyncadd.s32 $0xFFFFFB00  }
0xdd: {  	[hbm4b:s31+s2] =	stream.linear.scatter [tilespmem:s15], [sflag:$0x3], $0x1900, $0x38;
	[tilespmem:$0xB220] =	vst v63  }
0xde: {  	_ = 	snop  }
0xdf: {  	[hbm4b:s13+s2] =	stream.linear.scatter [tilespmem:s16], [sflag:$0x3], $0x1900, $0x38;
	[tilespmem:$0xB220] =	vst v63  }
0xe0: {  	_ =	swait.ge [sflag:s29], $0x500  }
0xe1: {  	[sflag:s29] =	ssyncset.done $0x0  }
0xe2: {  	[sflag:s29] =	ssyncadd.s32 $0xFFFFFB00  }
0xe3: {  	_ =	swait.ge [sflag:s29], $0x500  }
0xe4: {  	[sflag:s29] =	ssyncset.done $0x0  }
0xe5: {  	[sflag:s29] =	ssyncadd.s32 $0xFFFFFB00  }
0xe6: {  	_ =	swait.ge [sflag:s29], $0x500  }
0xe7: {  	[sflag:s29] =	ssyncset.done $0x0  }
0xe8: {  	[sflag:s29] =	ssyncadd.s32 $0xFFFFFB00  }
0xe9: {  	_ =	swait.ge [sflag:s29], $0x500  }
0xea: {  	[sflag:s29] =	ssyncset.done $0x0  }
0xeb: {  	[sflag:s29] =	ssyncadd.s32 $0xFFFFFB00  }
0xec: {  	_ =	swait.ge [sflag:s29], $0x500  }
0xed: {  	[sflag:s29] =	ssyncset.done $0x0  }
0xee: {  	[sflag:s29] =	ssyncadd.s32 $0xFFFFFB00  }
0xef: {  	_ =	swait.ge [sflag:s29], $0x500  }
0xf0: {  	[sflag:s29] =	ssyncset.done $0x0  }
0xf1: {  	[sflag:s29] =	ssyncadd.s32 $0xFFFFFB00  }
0xf2: {  	_ =	swait.ge [sflag:s29], $0x500  }
0xf3: {  	[sflag:s29] =	ssyncset.done $0x0  }
0xf4: {  	[sflag:s29] =	ssyncadd.s32 $0xFFFFFB00  }
0xf5: {  	_ =	swait.ge [sflag:s29], $0x500  }
0xf6: {  	[sflag:s29] =	ssyncset.done $0x0  }
0xf7: {  	[sflag:s29] =	ssyncadd.s32 $0xFFFFFB00  }
0xf8: {  	_ =	swait.ge [sflag:s29], $0x500  }
0xf9: {  	[sflag:s29] =	ssyncset.done $0x0  }
0xfa: {  	[sflag:s29] =	ssyncadd.s32 $0xFFFFFB00  }
0xfb: {  	_ =	swait.ge [sflag:s29], $0x500  }
0xfc: {  	[sflag:s29] =	ssyncset.done $0x0  }
0xfd: {  	s8 =	sadd.s32 $0x320, s31;
	[sflag:s29] =	ssyncadd.s32 $0xFFFFFB00  }
0xfe: {  	[hbm4b:s8+s2] =	stream.linear.scatter [tilespmem:s25], [sflag:$0x3], $0x1900, $0x38;
	[tilespmem:$0xB220] =	vst v63  }
0xff: {  	s9 =	sadd.s32 $0x320, s13  }
0x100: {  	[hbm4b:s9+s2] =	stream.linear.scatter [tilespmem:s26], [sflag:$0x3], $0x1900, $0x38;
	[tilespmem:$0xB220] =	vst v63  }
0x101: {  	_ =	swait.ge [sflag:s30], $0x1900  }
0x102: {  	[sflag:s30] =	ssyncset.done $0x0  }
0x103: {  	[sflag:s30] =	ssyncadd.s32 $0xFFFFE700  }
0x104: {  	_ =	swait.ge [sflag:s30], $0x1900  }
0x105: {  	[sflag:s30] =	ssyncset.done $0x0  }
0x106: {  	[sflag:s30] =	ssyncadd.s32 $0xFFFFE700  }
.Ltmp0:
0x107: {  	_ =	swait.ge [sflag:s30], $0x1900;
	(pc) =	sbr.rel @p0 .LBB2_2-.Ltmp0, $4  }
0x108: {  	[sflag:s30] =	ssyncset.done $0x0  }
0x109: {  	[sflag:s30] =	ssyncadd.s32 $0xFFFFE700  }
0x10a: {  	s5 =	smov.u32 s7;
	_ =	swait.ge [sflag:s30], $0x1900  }
0x10b: {  	s31 =	sadd.s32 $0x640, s31;
	s13 =	sadd.s32 $0x640, s13;
	[sflag:s30] =	ssyncset.done $0x0  }
0x10c: {  	s1 =	sshra.s32 s1, $0x2;
	[sflag:s30] =	ssyncadd.s32 $0xFFFFE700  }
0x10d: {  	[tilespmem:s15], [sflag:$0x1] =	stream.indirect.gather [hbm4b:s3+s14], $0x10, s1, s14, $0xb8;
	[tilespmem:$0xB220] =	vst v63  }
0x10e: {  	s5 =	sadd.s32 $0x2710, s1  }
0x10f: {  	[tilespmem:s16], [sflag:$0x1] =	stream.indirect.gather [hbm4b:s4+s14], $0x10, s5, s14, $0xb8;
	[tilespmem:$0xB220] =	vst v63  }
0x110: {  	s7 =	sadd.s32 $0x50, s1  }
0x111: {  	[tilespmem:s17], [sflag:$0x1] =	stream.indirect.gather [hbm4b:s3+s14], $0x10, s7, s14, $0xb8;
	[tilespmem:$0xB220] =	vst v63  }
0x112: {  	s8 =	sadd.s32 $0x2760, s1  }
0x113: {  	[tilespmem:s18], [sflag:$0x1] =	stream.indirect.gather [hbm4b:s4+s14], $0x10, s8, s14, $0xb8;
	[tilespmem:$0xB220] =	vst v63  }
0x114: {  	s9 =	sadd.s32 $0xA0, s1  }
0x115: {  	[tilespmem:s19], [sflag:$0x1] =	stream.indirect.gather [hbm4b:s3+s14], $0x10, s9, s14, $0xb8;
	[tilespmem:$0xB220] =	vst v63  }
0x116: {  	s6 =	sadd.s32 $0x27B0, s1  }
0x117: {  	[tilespmem:s20], [sflag:$0x1] =	stream.indirect.gather [hbm4b:s4+s14], $0x10, s6, s14, $0xb8;
	[tilespmem:$0xB220] =	vst v63  }
0x118: {  	s7 =	sadd.s32 $0xF0, s1  }
0x119: {  	[tilespmem:s21], [sflag:$0x1] =	stream.indirect.gather [hbm4b:s3+s14], $0x10, s7, s14, $0xb8;
	[tilespmem:$0xB220] =	vst v63  }
0x11a: {  	s8 =	sadd.s32 $0x2800, s1  }
0x11b: {  	[tilespmem:s22], [sflag:$0x1] =	stream.indirect.gather [hbm4b:s4+s14], $0x10, s8, s14, $0xb8;
	[tilespmem:$0xB220] =	vst v63  }
0x11c: {  	s9 =	sadd.s32 $0x140, s1  }
0x11d: {  	[tilespmem:s23], [sflag:$0x1] =	stream.indirect.gather [hbm4b:s3+s14], $0x10, s9, s14, $0xb8;
	[tilespmem:$0xB220] =	vst v63  }
0x11e: {  	s6 =	sadd.s32 $0x2850, s1  }
0x11f: {  	[tilespmem:s24], [sflag:$0x1] =	stream.indirect.gather [hbm4b:s4+s14], $0x10, s6, s14, $0xb8;
	[tilespmem:$0xB220] =	vst v63  }
0x120: {  	s7 =	sadd.s32 $0x190, s1  }
0x121: {  	[tilespmem:s25], [sflag:$0x2] =	stream.indirect.gather [hbm4b:s3+s14], $0x10, s7, s14, $0xb8;
	[tilespmem:$0xB220] =	vst v63  }
0x122: {  	s8 =	sadd.s32 $0x28A0, s1  }
0x123: {  	[tilespmem:s26], [sflag:$0x2] =	stream.indirect.gather [hbm4b:s4+s14], $0x10, s8, s14, $0xb8;
	[tilespmem:$0xB220] =	vst v63  }
0x124: {  	s9 =	sadd.s32 $0x1E0, s1;
	s6 =	rddreg [dreg:$0x3]  }
0x125: {  	[tilespmem:s6], [sflag:$0x2] =	stream.indirect.gather [hbm4b:s3+s14], $0x10, s9, s14, $0xb8;
	[tilespmem:$0xB220] =	vst v63  }
0x126: {  	s7 =	rddreg [dreg:$0x4];
	s6 =	sadd.s32 $0x28F0, s1  }
0x127: {  	[tilespmem:s7], [sflag:$0x2] =	stream.indirect.gather [hbm4b:s4+s14], $0x10, s6, s14, $0xb8;
	[tilespmem:$0xB220] =	vst v63  }
0x128: {  	s8 =	rddreg [dreg:$0x5];
	s9 =	sadd.s32 $0x230, s1  }
0x129: {  	[tilespmem:s8], [sflag:$0x2] =	stream.indirect.gather [hbm4b:s3+s14], $0x10, s9, s14, $0xb8;
	[tilespmem:$0xB220] =	vst v63  }
0x12a: {  	s7 =	rddreg [dreg:$0x6];
	s8 =	sadd.s32 $0x2940, s1  }
0x12b: {  	[tilespmem:s7], [sflag:$0x2] =	stream.indirect.gather [hbm4b:s4+s14], $0x10, s8, s14, $0xb8;
	[tilespmem:$0xB220] =	vst v63  }
0x12c: {  	s9 =	rddreg [dreg:$0x7];
	s7 =	sadd.s32 $0x280, s1  }
0x12d: {  	[tilespmem:s9], [sflag:$0x2] =	stream.indirect.gather [hbm4b:s3+s14], $0x10, s7, s14, $0xb8;
	[tilespmem:$0xB220] =	vst v63  }
0x12e: {  	s8 =	rddreg [dreg:$0x8];
	s9 =	sadd.s32 $0x2990, s1  }
0x12f: {  	[tilespmem:s8], [sflag:$0x2] =	stream.indirect.gather [hbm4b:s4+s14], $0x10, s9, s14, $0xb8;
	[tilespmem:$0xB220] =	vst v63  }
0x130: {  	s6 =	rddreg [dreg:$0x9];
	s8 =	sadd.s32 $0x2D0, s1  }
0x131: {  	[tilespmem:s6], [sflag:$0x2] =	stream.indirect.gather [hbm4b:s3+s14], $0x10, s8, s14, $0xb8;
	[tilespmem:$0xB220] =	vst v63  }
0x132: {  	s9 =	rddreg [dreg:$0xa];
	s1 =	sadd.s32 $0x29E0, s1  }
0x133: {  	[tilespmem:s9], [sflag:$0x2] =	stream.indirect.gather [hbm4b:s4+s14], $0x10, s1, s14, $0xb8;
	[tilespmem:$0xB220] =	vst v63  }
0x134: {  	_ =	swait.ge [sflag:s28], $0x500  }
0x135: {  	[sflag:s28] =	ssyncset.done $0x0  }
0x136: {  	[sflag:s28] =	ssyncadd.s32 $0xFFFFFB00  }
0x137: {  	_ =	swait.ge [sflag:s28], $0x500  }
0x138: {  	[sflag:s28] =	ssyncset.done $0x0  }
0x139: {  	[sflag:s28] =	ssyncadd.s32 $0xFFFFFB00  }
0x13a: {  	_ =	swait.ge [sflag:s28], $0x500  }
0x13b: {  	[sflag:s28] =	ssyncset.done $0x0  }
0x13c: {  	[sflag:s28] =	ssyncadd.s32 $0xFFFFFB00  }
0x13d: {  	_ =	swait.ge [sflag:s28], $0x500  }
0x13e: {  	[sflag:s28] =	ssyncset.done $0x0  }
0x13f: {  	[sflag:s28] =	ssyncadd.s32 $0xFFFFFB00  }
0x140: {  	_ =	swait.ge [sflag:s28], $0x500  }
0x141: {  	[sflag:s28] =	ssyncset.done $0x0  }
0x142: {  	[sflag:s28] =	ssyncadd.s32 $0xFFFFFB00  }
0x143: {  	_ =	swait.ge [sflag:s28], $0x500  }
0x144: {  	[sflag:s28] =	ssyncset.done $0x0  }
0x145: {  	[sflag:s28] =	ssyncadd.s32 $0xFFFFFB00  }
0x146: {  	_ =	swait.ge [sflag:s28], $0x500  }
0x147: {  	[sflag:s28] =	ssyncset.done $0x0  }
0x148: {  	[sflag:s28] =	ssyncadd.s32 $0xFFFFFB00  }
0x149: {  	_ =	swait.ge [sflag:s28], $0x500  }
0x14a: {  	[sflag:s28] =	ssyncset.done $0x0  }
0x14b: {  	[sflag:s28] =	ssyncadd.s32 $0xFFFFFB00  }
0x14c: {  	_ =	swait.ge [sflag:s28], $0x500  }
0x14d: {  	[sflag:s28] =	ssyncset.done $0x0  }
0x14e: {  	[sflag:s28] =	ssyncadd.s32 $0xFFFFFB00  }
0x14f: {  	_ =	swait.ge [sflag:s28], $0x500  }
0x150: {  	[sflag:s28] =	ssyncset.done $0x0  }
0x151: {  	[sflag:s28] =	ssyncadd.s32 $0xFFFFFB00  }
0x152: {  	[hbm4b:s31+s2] =	stream.linear.scatter [tilespmem:s15], [sflag:$0x3], $0x1900, $0x38;
	[tilespmem:$0xB220] =	vst v63  }
0x153: {  	_ = 	snop  }
0x154: {  	[hbm4b:s13+s2] =	stream.linear.scatter [tilespmem:s16], [sflag:$0x3], $0x1900, $0x38;
	[tilespmem:$0xB220] =	vst v63  }
0x155: {  	_ =	swait.ge [sflag:s29], $0x500  }
0x156: {  	[sflag:s29] =	ssyncset.done $0x0  }
0x157: {  	[sflag:s29] =	ssyncadd.s32 $0xFFFFFB00  }
0x158: {  	_ =	swait.ge [sflag:s29], $0x500  }
0x159: {  	[sflag:s29] =	ssyncset.done $0x0  }
0x15a: {  	[sflag:s29] =	ssyncadd.s32 $0xFFFFFB00  }
0x15b: {  	_ =	swait.ge [sflag:s29], $0x500  }
0x15c: {  	[sflag:s29] =	ssyncset.done $0x0  }
0x15d: {  	[sflag:s29] =	ssyncadd.s32 $0xFFFFFB00  }
0x15e: {  	_ =	swait.ge [sflag:s29], $0x500  }
0x15f: {  	[sflag:s29] =	ssyncset.done $0x0  }
0x160: {  	[sflag:s29] =	ssyncadd.s32 $0xFFFFFB00  }
0x161: {  	_ =	swait.ge [sflag:s29], $0x500  }
0x162: {  	[sflag:s29] =	ssyncset.done $0x0  }
0x163: {  	[sflag:s29] =	ssyncadd.s32 $0xFFFFFB00  }
0x164: {  	_ =	swait.ge [sflag:s29], $0x500  }
0x165: {  	[sflag:s29] =	ssyncset.done $0x0  }
0x166: {  	[sflag:s29] =	ssyncadd.s32 $0xFFFFFB00  }
0x167: {  	_ =	swait.ge [sflag:s29], $0x500  }
0x168: {  	[sflag:s29] =	ssyncset.done $0x0  }
0x169: {  	[sflag:s29] =	ssyncadd.s32 $0xFFFFFB00  }
0x16a: {  	_ =	swait.ge [sflag:s29], $0x500  }
0x16b: {  	[sflag:s29] =	ssyncset.done $0x0  }
0x16c: {  	[sflag:s29] =	ssyncadd.s32 $0xFFFFFB00  }
0x16d: {  	_ =	swait.ge [sflag:s29], $0x500  }
0x16e: {  	[sflag:s29] =	ssyncset.done $0x0  }
0x16f: {  	[sflag:s29] =	ssyncadd.s32 $0xFFFFFB00  }
0x170: {  	_ =	swait.ge [sflag:s29], $0x500  }
0x171: {  	[sflag:s29] =	ssyncset.done $0x0  }
0x172: {  	s31 =	sadd.s32 $0x320, s31;
	[sflag:s29] =	ssyncadd.s32 $0xFFFFFB00  }
0x173: {  	[hbm4b:s31+s2] =	stream.linear.scatter [tilespmem:s25], [sflag:$0x3], $0x1900, $0x38;
	[tilespmem:$0xB220] =	vst v63  }
0x174: {  	s5 =	sadd.s32 $0x320, s13  }
0x175: {  	[hbm4b:s5+s2] =	stream.linear.scatter [tilespmem:s26], [sflag:$0x3], $0x1900, $0x38;
	[tilespmem:$0xB220] =	vst v63  }
0x176: {  	_ =	swait.ge [sflag:s30], $0x1900  }
0x177: {  	[sflag:s30] =	ssyncset.done $0x0  }
0x178: {  	[sflag:s30] =	ssyncadd.s32 $0xFFFFE700  }
0x179: {  	_ =	swait.ge [sflag:s30], $0x1900  }
0x17a: {  	[sflag:s30] =	ssyncset.done $0x0  }
0x17b: {  	[sflag:s30] =	ssyncadd.s32 $0xFFFFE700  }
0x17c: {  	_ =	swait.ge [sflag:s30], $0x1900  }
0x17d: {  	[sflag:s30] =	ssyncset.done $0x0  }
0x17e: {  	[sflag:s30] =	ssyncadd.s32 $0xFFFFE700  }
0x17f: {  	_ =	swait.ge [sflag:s30], $0x1900  }
0x180: {  	[sflag:s30] =	ssyncset.done $0x0  }
0x181: {  	s6 =	simm.s32 $0x2580;
	[sflag:s30] =	ssyncadd.s32 $0xFFFFE700  }
0x182: {  	[tilespmem:s15], [sflag:$0x1] =	stream.indirect.gather [hbm4b:s3+s14], $0x10, s6, s14, $0xb8;
	[tilespmem:$0xB220] =	vst v63  }
0x183: {  	s7 =	simm.s32 $0x4C90  }
0x184: {  	[tilespmem:s16], [sflag:$0x1] =	stream.indirect.gather [hbm4b:s4+s14], $0x10, s7, s14, $0xb8;
	[tilespmem:$0xB220] =	vst v63  }
0x185: {  	s8 =	simm.s32 $0x25D0  }
0x186: {  	[tilespmem:s17], [sflag:$0x1] =	stream.indirect.gather [hbm4b:s3+s14], $0x10, s8, s14, $0xb8;
	[tilespmem:$0xB220] =	vst v63  }
0x187: {  	s9 =	simm.s32 $0x4CE0  }
0x188: {  	[tilespmem:s18], [sflag:$0x1] =	stream.indirect.gather [hbm4b:s4+s14], $0x10, s9, s14, $0xb8;
	[tilespmem:$0xB220] =	vst v63  }
0x189: {  	s13 =	simm.s32 $0x2620  }
0x18a: {  	[tilespmem:s19], [sflag:$0x1] =	stream.indirect.gather [hbm4b:s3+s14], $0x10, s13, s14, $0xb8;
	[tilespmem:$0xB220] =	vst v63  }
0x18b: {  	s31 =	simm.s32 $0x4D30  }
0x18c: {  	[tilespmem:s20], [sflag:$0x1] =	stream.indirect.gather [hbm4b:s4+s14], $0x10, s31, s14, $0xb8;
	[tilespmem:$0xB220] =	vst v63  }
0x18d: {  	s5 =	simm.s32 $0x2670  }
0x18e: {  	[tilespmem:s21], [sflag:$0x1] =	stream.indirect.gather [hbm4b:s3+s14], $0x10, s5, s14, $0xb8;
	[tilespmem:$0xB220] =	vst v63  }
0x18f: {  	s6 =	simm.s32 $0x4D80  }
0x190: {  	[tilespmem:s22], [sflag:$0x1] =	stream.indirect.gather [hbm4b:s4+s14], $0x10, s6, s14, $0xb8;
	[tilespmem:$0xB220] =	vst v63  }
0x191: {  	s7 =	simm.s32 $0x26C0  }
0x192: {  	[tilespmem:s23], [sflag:$0x1] =	stream.indirect.gather [hbm4b:s3+s14], $0x10, s7, s14, $0xb8;
	[tilespmem:$0xB220] =	vst v63  }
0x193: {  	s8 =	simm.s32 $0x4DD0  }
0x194: {  	[tilespmem:s24], [sflag:$0x1] =	stream.indirect.gather [hbm4b:s4+s14], $0x10, s8, s14, $0xb8;
	[tilespmem:$0xB220] =	vst v63  }
0x195: {  	_ =	swait.ge [sflag:s28], $0x500  }
0x196: {  	[sflag:s28] =	ssyncset.done $0x0  }
0x197: {  	[sflag:s28] =	ssyncadd.s32 $0xFFFFFB00  }
0x198: {  	_ =	swait.ge [sflag:s28], $0x500  }
0x199: {  	[sflag:s28] =	ssyncset.done $0x0  }
0x19a: {  	[sflag:s28] =	ssyncadd.s32 $0xFFFFFB00  }
0x19b: {  	_ =	swait.ge [sflag:s28], $0x500  }
0x19c: {  	[sflag:s28] =	ssyncset.done $0x0  }
0x19d: {  	[sflag:s28] =	ssyncadd.s32 $0xFFFFFB00  }
0x19e: {  	_ =	swait.ge [sflag:s28], $0x500  }
0x19f: {  	[sflag:s28] =	ssyncset.done $0x0  }
0x1a0: {  	[sflag:s28] =	ssyncadd.s32 $0xFFFFFB00  }
0x1a1: {  	_ =	swait.ge [sflag:s28], $0x500  }
0x1a2: {  	[sflag:s28] =	ssyncset.done $0x0  }
0x1a3: {  	[sflag:s28] =	ssyncadd.s32 $0xFFFFFB00  }
0x1a4: {  	_ =	swait.ge [sflag:s28], $0x500  }
0x1a5: {  	[sflag:s28] =	ssyncset.done $0x0  }
0x1a6: {  	[sflag:s28] =	ssyncadd.s32 $0xFFFFFB00  }
0x1a7: {  	_ =	swait.ge [sflag:s28], $0x500  }
0x1a8: {  	[sflag:s28] =	ssyncset.done $0x0  }
0x1a9: {  	[sflag:s28] =	ssyncadd.s32 $0xFFFFFB00  }
0x1aa: {  	_ =	swait.ge [sflag:s28], $0x500  }
0x1ab: {  	[sflag:s28] =	ssyncset.done $0x0  }
0x1ac: {  	[sflag:s28] =	ssyncadd.s32 $0xFFFFFB00  }
0x1ad: {  	_ =	swait.ge [sflag:s28], $0x500  }
0x1ae: {  	[sflag:s28] =	ssyncset.done $0x0  }
0x1af: {  	[sflag:s28] =	ssyncadd.s32 $0xFFFFFB00  }
0x1b0: {  	_ =	swait.ge [sflag:s28], $0x500  }
0x1b1: {  	[sflag:s28] =	ssyncset.done $0x0  }
0x1b2: {  	s9 =	rddreg [dreg:$0xd];
	[sflag:s28] =	ssyncadd.s32 $0xFFFFFB00  }
0x1b3: {  	[hbm4b:s9+s2] =	stream.linear.scatter [tilespmem:s15], [sflag:$0x4], $0x1900, $0x38;
	[tilespmem:$0xB220] =	vst v63  }
0x1b4: {  	_ =	swait.ge [sflag:s12], $0x1900  }
0x1b5: {  	[sflag:s12] =	ssyncset.done $0x0  }
0x1b6: {  	s13 =	rddreg [dreg:$0xe];
	[sflag:s12] =	ssyncadd.s32 $0xFFFFE700  }
0x1b7: {  	[hbm4b:s13+s2] =	stream.linear.scatter [tilespmem:s16], [sflag:$0x4], $0x1900, $0x38;
	[tilespmem:$0xB220] =	vst v63  }
0x1b8: {  	_ =	swait.ge [sflag:s12], $0x1900  }
0x1b9: {  	s0 =	sadd.s32 $0x1, s0;
	s31 =	rddreg [dreg:$0xf]  }
0x1ba: {  	p0 =	sne.s32 s0, s31  }
.Ltmp1:
0x1bb: {  	_ = 	snop;
	(pc) =	sbr.rel @p0 .LBB2_1-.Ltmp1, $3  }
0x1bc: {  	_ =	sdelay $0x1  }
0x1bd: {  	[sflag:s12] =	ssyncset.done $0x0  }
0x1be: {  	[sflag:s12] =	ssyncadd.s32 $0xFFFFE700  }
0x1bf: {  	_ =	sfence.sel $0x180000  }
0x1c0: {  	[bflag:$0x0] =	sbarrier.arrive $0xFFFF  }
0x1c1: {  	_ =	strace $0x90000047  }
0x1c2: {  	s0 =	stileid.u32;
	[bflag:$0x2] =	sbarrier.arrive $0xFFFF  }
0x1c3: {  	p0 =	sne.s32 s0, $0x0;
	s0 =	rddreg [dreg:$0x2]  }
0x1c4: {  	s0 =	sadd.s32 @!p0 $0x100000, s0  }
0x1c5: {  	[sflag:s0] =	ssyncadd.tile.s32 @!p0 $0x1;
	_ =	shalt  }
.Lfunc_end2:
_tile_overlayer_lowered:
.L_overlay_start_2:
0x1c6: {  	(tag) =	ssettag $0x2  }
0x1c7: {  	s0 =	rddreg [dreg:$0x0];
	s2 =	stileid.u32  }
0x1c8: {  	s1 =	rddreg [dreg:$0x1];
	p0 =	sne.s32 s2, $0x0  }
0x1c9: {  	s3 =	rddreg [dreg:$0x2];
	[bflag:$0x3] =	sbarrier.arrive $0xFFFF;
	s2 =	simm.s32 @!p0 $0x1C04  }
0x1ca: {  	[timem:s3], [sflag:s2] =	dma.local @!p0 [hbm:s0], s1  }
0x1cb: {  	s0 =	simm.s32 @!p0 $0x4  }
0x1cc: {  	_ =	swait.ge @!p0 [sflag:s0], s1  }
0x1cd: {  	s1 =	ssub.s32 @!p0 $0x0, s1;
	[sflag:s0] =	ssyncset.done @!p0 $0x0  }
0x1ce: {  	[sflag:s0] =	ssyncadd.s32 @!p0 s1  }
0x1cf: {  	[bflag:$0x3] =	sbarrier.arrive $0xFFFF  }
0x1d0: {  	_ =	shalt  }

</sc_bundles>
